<compile_context>
chip_gen: v7x
topology: tpu7x:2x2x1
jax: 0.10.2.dev20260603
libtpu: 0.0.44.dev20260713+nightly
codegen_flags: <defaults>
</compile_context>

<pallas_src>
import functools
import jax
import jax.numpy as jnp
from jax import lax
from jax.experimental import pallas as pl
from jax.experimental.pallas import tpu as pltpu
from jax.experimental.pallas import tpu_sc as plsc

BATCH = 16384
HIST = 50
DIM = 32
TOKENS = 1000000
BLK = 128
DHI = DIM // 8

_info = plsc.get_sparse_core_info()
NC, NS = _info.num_cores, _info.num_subcores
NW = NC * NS
NBLK = BATCH // BLK
BLK_PER_W = NBLK // NW

NCH = TOKENS // BLK
REM = TOKENS - NCH * BLK
OROWS = TOKENS * DIM // BLK

_mesh = plsc.VectorSubcoreMesh(core_axis_name="c", subcore_axis_name="s")


@functools.partial(
    pl.kernel,
    mesh=_mesh,
    out_type=jax.ShapeDtypeStruct((OROWS, BLK), jnp.float32),
    scratch_types=[
        pltpu.VMEM((2, DIM, BLK), jnp.float32),
        pltpu.VMEM((2, DIM, BLK), jnp.float32),
        pltpu.SemaphoreType.DMA,
        pltpu.SemaphoreType.DMA,
        pltpu.SemaphoreType.DMA,
        pltpu.SemaphoreType.DMA,
    ],
    compiler_params=pltpu.CompilerParams(use_tc_tiling_on_sc=True,
                                         needs_layout_passes=False),
)
def _convert_kernel(wt_hbm, tail_hbm, out_hbm, sv, dv,
                    sem_i0, sem_i1, sem_o0, sem_o1):
    wid = lax.axis_index("s") * NC + lax.axis_index("c")
    iota = lax.iota(jnp.int32, 16)
    rows_g = [(iota + 16 * g) >> 2 for g in range(BLK // 16)]
    kkbase = (iota & 3) * 32
    sem_i = (sem_i0, sem_i1)
    sem_o = (sem_o0, sem_o1)
    extra = wid < NCH - NW * (NCH // NW)

    def fire_in(k, p):
        c = wid + NW * k
        pltpu.async_copy(wt_hbm.at[:, pl.ds(c * BLK, BLK)], sv.at[p],
                         sem_i[p])

    def drain_in(p):
        pltpu.make_async_copy(wt_hbm.at[:, pl.ds(0, BLK)], sv.at[p],
                              sem_i[p]).wait()

    def transpose(p, ng):
        def jbody(j, carry):
            dvec = ((iota + (j & 15)) & 15) | ((j >> 4) << 4)
            kvec = kkbase + dvec
            for g in range(ng):
                v = plsc.load_gather(sv.at[p], [dvec, iota + 16 * g])
                plsc.store_scatter(dv.at[p], [rows_g[g], kvec], v)
            return carry

        lax.fori_loop(0, DIM, jbody, 0)

    def fire_out(k, p):
        c = wid + NW * k
        pltpu.async_copy(dv.at[p], out_hbm.at[pl.ds(c * DIM, DIM)], sem_o[p])

    def drain_out(p):
        pltpu.make_async_copy(dv.at[p], out_hbm.at[pl.ds(0, DIM)],
                              sem_o[p]).wait()

    KMIN = NCH // NW
    fire_in(0, 0)

    def body(t, carry):
        k = 2 * t
        fire_in(k + 1, 1)
        drain_in(0)

        @pl.when(t >= 1)
        def _():
            drain_out(0)

        transpose(0, BLK // 16)
        fire_out(k, 0)

        @pl.when(jnp.logical_or(t < KMIN // 2 - 1, extra))
        def _():
            fire_in(k + 2, 0)

        drain_in(1)

        @pl.when(t >= 1)
        def _():
            drain_out(1)

        transpose(1, BLK // 16)
        fire_out(k + 1, 1)
        return carry

    lax.fori_loop(0, KMIN // 2, body, 0)
    drain_out(0)
    drain_out(1)

    @pl.when(extra)
    def _():
        drain_in(0)
        transpose(0, BLK // 16)
        fire_out(KMIN, 0)
        drain_out(0)

    @pl.when(wid == NW - 1)
    def _():
        pltpu.sync_copy(tail_hbm, sv.at[0])
        transpose(0, REM // 16)
        pltpu.sync_copy(dv.at[0, pl.ds(0, REM * DIM // BLK)],
                        out_hbm.at[pl.ds(NCH * DIM, REM * DIM // BLK)])


@functools.partial(
    pl.kernel,
    mesh=_mesh,
    out_type=jax.ShapeDtypeStruct((HIST, DHI, NBLK, 8, BLK), jnp.float32),
    scratch_types=[
        pltpu.VMEM((HIST, BLK_PER_W, BLK), jnp.int32),
        pltpu.VMEM((2, BLK, DIM), jnp.float32),
        pltpu.VMEM((2, DHI, 8, BLK), jnp.float32),
        pltpu.SemaphoreType.DMA,
        pltpu.SemaphoreType.DMA,
        pltpu.SemaphoreType.DMA,
        pltpu.SemaphoreType.DMA,
    ],
    compiler_params=pltpu.CompilerParams(use_tc_tiling_on_sc=False,
                                         needs_layout_passes=False),
)
def _gather_kernel(idx_hbm, table_hbm, out_hbm, idx_v, rv, rt,
                   sem_g0, sem_g1, sem_o0, sem_o1):
    wid = lax.axis_index("s") * NC + lax.axis_index("c")
    iota = lax.iota(jnp.int32, 16)
    rows16 = [iota + 16 * g for g in range(BLK // 16)]

    pltpu.sync_copy(idx_hbm.at[:, pl.ds(wid * BLK_PER_W, BLK_PER_W)], idx_v)

    def fire(h, blk, p, sem):
        pltpu.async_copy(table_hbm.at[idx_v.at[h, blk]], rv.at[p], sem)

    def drain_gather(p, sem):
        pltpu.make_async_copy(table_hbm.at[idx_v.at[0, 0]], rv.at[p],
                              sem).wait()

    def transpose(p):
        def jbody(j, carry3):
            dvec = ((iota + (j & 15)) & 15) | ((j >> 4) << 4)
            dhi = dvec >> 3
            dlo = dvec & 7
            for g in range(BLK // 16):
                v = plsc.load_gather(rv.at[p], [rows16[g], dvec])
                plsc.store_scatter(rt.at[p], [dhi, dlo, rows16[g]], v)
            return carry3

        lax.fori_loop(0, 2 * 16, jbody, 0)

    def fire_out(h, blk, p, sem):
        pltpu.async_copy(rt.at[p], out_hbm.at[h, :, wid * BLK_PER_W + blk],
                         sem)

    def drain_out(h, blk, p, sem):
        pltpu.make_async_copy(rt.at[p],
                              out_hbm.at[0, :, wid * BLK_PER_W], sem).wait()

    def blk_body(blk, carry):
        fire(0, blk, 0, sem_g0)

        def body(i, carry2):
            h = 2 * i
            fire(h + 1, blk, 1, sem_g1)
            drain_gather(0, sem_g0)
            transpose(0)
            fire_out(h, blk, 0, sem_o0)

            @pl.when(i < HIST // 2 - 1)
            def _():
                fire(h + 2, blk, 0, sem_g0)

            drain_gather(1, sem_g1)
            transpose(1)
            fire_out(h + 1, blk, 1, sem_o1)
            drain_out(h, blk, 0, sem_o0)
            drain_out(h + 1, blk, 1, sem_o1)
            return carry2

        lax.fori_loop(0, HIST // 2, body, 0)
        return carry

    lax.fori_loop(0, BLK_PER_W, blk_body, 0)


def kernel(token_ids, weight):
    tids = token_ids.astype(jnp.int32).T.reshape(HIST, NBLK, BLK)
    tail = jnp.zeros((DIM, BLK), jnp.float32).at[:, :REM].set(
        weight[NCH * BLK:].T)
    table = _convert_kernel(weight.T, tail).reshape(TOKENS, DIM)
    out5d = _gather_kernel(tids, table)
    return out5d.transpose(2, 4, 0, 1, 3).reshape(BATCH, HIST, DIM)

# --- scband reference (transcript-rebuilt; emitter-appended) ---
"""Pipeline reference for scband-embedding-85899346385 (READ-ONLY COPY).

The authoritative reference and input builder live on the scoring server;
editing this copy changes nothing except your own understanding.
"""

import jax, jax.numpy as jnp
import numpy as np

NUM_EMBEDDINGS = 1000000
EMBEDDING_DIM = 32
BATCH = 16384
HIST = 50

def setup_inputs(seed: int = 0) -> dict:
    key = jax.random.key(seed)
    k_idx, k_w = jax.random.split(key)
    token_ids = jax.random.randint(k_idx, (BATCH, HIST), 0, NUM_EMBEDDINGS, dtype=jnp.int64 if jax.config.jax_enable_x64 else jnp.int32)
    # truncated normal init in [-3, 3], std 1 (matches torch trunc_normal_)
    weight = jax.random.truncated_normal(k_w, -3.0, 3.0, (NUM_EMBEDDINGS, EMBEDDING_DIM), dtype=jnp.float32)
    return {"token_ids": token_ids, "weight": weight}

def reference(token_ids, weight):
    # out = self.weight[token_ids]
    out = jnp.take(weight, token_ids, axis=0)
    return out

if __name__ == "__main__":
    import jax
    _d = setup_inputs()
    print(jax.jit(kernel)(*tuple(_d.values())))

</pallas_src>

<mosaic_0001>
#map = affine_map<(d0, d1) -> (0, 0, 0)>
#map1 = affine_map<(d0, d1) -> (0, 0)>
#map2 = affine_map<(d0, d1) -> (0, 0, 0, 0, 0)>
module attributes {stable_mosaic.version = 14 : i64} {
  func.func @_gather_kernel(%arg0: i32, %arg1: i32, %arg2: memref<50x128x128xi32, #tpu.memory_space<hbm>>, %arg3: memref<1000000x32xf32, #tpu.memory_space<hbm>>, %arg4: memref<50x4x128x8x128xf32, #tpu.memory_space<hbm>>, %arg5: memref<50x4x128xi32, #tpu.memory_space<vmem>>, %arg6: memref<2x128x32xf32, #tpu.memory_space<vmem>>, %arg7: memref<2x4x8x128xf32, #tpu.memory_space<vmem>>, %arg8: memref<!tpu.dma_semaphore, #tpu.memory_space<semaphore_mem>>, %arg9: memref<!tpu.dma_semaphore, #tpu.memory_space<semaphore_mem>>, %arg10: memref<!tpu.dma_semaphore, #tpu.memory_space<semaphore_mem>>, %arg11: memref<!tpu.dma_semaphore, #tpu.memory_space<semaphore_mem>>) attributes {dimension_semantics = [#tpu.dimension_semantics<core_parallel>, #tpu.dimension_semantics<subcore_parallel>], iteration_bounds = array<i64: 2, 16>, scalar_prefetch = 0 : i64, scratch_operands = 7 : i64, tpu.core_type = #tpu.core_type<sc_vector_subcore>, window_params = [{transform_indices = #map}, {transform_indices = #map1}, {transform_indices = #map2}]} {
    %mul3A = arith.constant 2 : i32
    %mul3A_0 = arith.muli %arg1, %mul3A : i32
    %add3A = arith.addi %mul3A_0, %arg0 : i32
    %iota3A = tpu.iota {dimensions = array<i32: 0>} : vector<16xi32>
    %add3A_1 = arith.constant 0 : i32
    %add3A_2 = vector.broadcast %add3A_1 : i32 to vector<16xi32>
    %add3A_3 = arith.addi %iota3A, %add3A_2 : vector<16xi32>
    %add3A_4 = arith.constant 16 : i32
    %add3A_5 = vector.broadcast %add3A_4 : i32 to vector<16xi32>
    %add3A_6 = arith.addi %iota3A, %add3A_5 : vector<16xi32>
    %add3A_7 = arith.constant 32 : i32
    %add3A_8 = vector.broadcast %add3A_7 : i32 to vector<16xi32>
    %add3A_9 = arith.addi %iota3A, %add3A_8 : vector<16xi32>
    %add3A_10 = arith.constant 48 : i32
    %add3A_11 = vector.broadcast %add3A_10 : i32 to vector<16xi32>
    %add3A_12 = arith.addi %iota3A, %add3A_11 : vector<16xi32>
    %add3A_13 = arith.constant 64 : i32
    %add3A_14 = vector.broadcast %add3A_13 : i32 to vector<16xi32>
    %add3A_15 = arith.addi %iota3A, %add3A_14 : vector<16xi32>
    %add3A_16 = arith.constant 80 : i32
    %add3A_17 = vector.broadcast %add3A_16 : i32 to vector<16xi32>
    %add3A_18 = arith.addi %iota3A, %add3A_17 : vector<16xi32>
    %add3A_19 = arith.constant 96 : i32
    %add3A_20 = vector.broadcast %add3A_19 : i32 to vector<16xi32>
    %add3A_21 = arith.addi %iota3A, %add3A_20 : vector<16xi32>
    %add3A_22 = arith.constant 112 : i32
    %add3A_23 = vector.broadcast %add3A_22 : i32 to vector<16xi32>
    %add3A_24 = arith.addi %iota3A, %add3A_23 : vector<16xi32>
    %mul3A_25 = arith.constant 4 : i32
    %mul3A_26 = arith.muli %add3A, %mul3A_25 : i32
    "tpu.region"() ({
      %run_scoped3A = tpu.sem_alloc : memref<!tpu.dma_semaphore, #tpu.memory_space<semaphore_mem>>
      %dma_start3A = arith.constant 0 : i32
      %dma_start3A_32 = arith.constant 0 : i32
      %dma_start3A_33 = tpu.memref_slice %arg2[%dma_start3A, %mul3A_26, %dma_start3A_32] : memref<50x128x128xi32, #tpu.memory_space<hbm>> -> memref<50x4x128xi32, #tpu.memory_space<hbm>>
      %dma_start3A_34 = arith.constant 0 : i32
      %dma_start3A_35 = arith.constant 0 : i32
      %dma_start3A_36 = tpu.memref_slice %arg2[%dma_start3A_34, %mul3A_26, %dma_start3A_35] : memref<50x128x128xi32, #tpu.memory_space<hbm>> -> memref<50x4x128xi32, #tpu.memory_space<hbm>>
      tpu.enqueue_dma source(%dma_start3A_36 : memref<50x4x128xi32, #tpu.memory_space<hbm>>) target(%arg5 : memref<50x4x128xi32, #tpu.memory_space<vmem>>) target_semaphore(%run_scoped3A : memref<!tpu.dma_semaphore, #tpu.memory_space<semaphore_mem>>)
      %dma_wait3A = arith.constant 0 : i32
      %dma_wait3A_37 = arith.constant 0 : i32
      %dma_wait3A_38 = tpu.memref_slice %arg2[%dma_wait3A, %mul3A_26, %dma_wait3A_37] : memref<50x128x128xi32, #tpu.memory_space<hbm>> -> memref<50x4x128xi32, #tpu.memory_space<hbm>>
      %dma_wait3A_39 = arith.constant 0 : i32
      %dma_wait3A_40 = arith.constant 0 : i32
      %dma_wait3A_41 = tpu.memref_slice %arg2[%dma_wait3A_39, %mul3A_26, %dma_wait3A_40] : memref<50x128x128xi32, #tpu.memory_space<hbm>> -> memref<50x4x128xi32, #tpu.memory_space<hbm>>
      tpu.wait_dma2 semaphore(%run_scoped3A : memref<!tpu.dma_semaphore, #tpu.memory_space<semaphore_mem>>) src(%dma_wait3A_41 : memref<50x4x128xi32, #tpu.memory_space<hbm>>) dst(%arg5 : memref<50x4x128xi32, #tpu.memory_space<vmem>>)
      tpu.yield
    }) : () -> ()
    %scan3A = arith.constant 0 : i32
    %scan3A_27 = arith.constant 0 : i32
    %scan3A_28 = arith.constant 4 : i32
    %scan3A_29 = arith.addi %scan3A_27, %scan3A_28 : i32
    %scan3A_30 = arith.constant 1 : i32
    scf.for %scan3A_32 = %scan3A_27 to %scan3A_29 step %scan3A_30  : i32 {
      %dma_start3A = arith.constant 0 : i32
      %dma_start3A_33 = arith.constant 0 : i32
      %dma_start3A_34 = arith.constant 0 : i32
      %dma_start3A_35 = arith.constant 0 : i32
      %dma_start3A_36 = tpu.memref_slice %arg6[%dma_start3A_33, %dma_start3A_34, %dma_start3A_35] : memref<2x128x32xf32, #tpu.memory_space<vmem>> -> memref<1x128x32xf32, #tpu.memory_space<vmem>>
      %dma_start3A_37 = tpu.memref_squeeze %dma_start3A_36 : memref<1x128x32xf32, #tpu.memory_space<vmem>> -> memref<128x32xf32, #tpu.memory_space<vmem>>
      %dma_start3A_38 = arith.constant 0 : i32
      %dma_start3A_39 = tpu.memref_slice %arg5[%dma_start3A, %scan3A_32, %dma_start3A_38] : memref<50x4x128xi32, #tpu.memory_space<vmem>> -> memref<1x1x128xi32, #tpu.memory_space<vmem>>
      %dma_start3A_40 = tpu.memref_squeeze %dma_start3A_39 : memref<1x1x128xi32, #tpu.memory_space<vmem>> -> memref<128xi32, #tpu.memory_space<vmem>>
      %dma_start3A_41 = arith.constant 0 : i32
      %dma_start3A_42 = arith.constant 0 : i32
      %dma_start3A_43 = tpu.memref_slice %arg3[%dma_start3A_41, %dma_start3A_42] : memref<1000000x32xf32, #tpu.memory_space<hbm>> -> memref<1000000x32xf32, #tpu.memory_space<hbm>>
      tpu.enqueue_indirect_dma source(%dma_start3A_43 : memref<1000000x32xf32, #tpu.memory_space<hbm>>) target(%dma_start3A_37 : memref<128x32xf32, #tpu.memory_space<vmem>>) offsets(%dma_start3A_40 : memref<128xi32, #tpu.memory_space<vmem>>) semaphore(%arg8 : memref<!tpu.dma_semaphore, #tpu.memory_space<semaphore_mem>>)
      %scan3A_44 = arith.constant 0 : i32
      %scan3A_45 = arith.constant 0 : i32
      %scan3A_46 = arith.constant 25 : i32
      %scan3A_47 = arith.addi %scan3A_45, %scan3A_46 : i32
      %scan3A_48 = arith.constant 1 : i32
      scf.for %scan3A_50 = %scan3A_45 to %scan3A_47 step %scan3A_48  : i32 {
        %mul3A_51 = arith.constant 2 : i32
        %mul3A_52 = arith.muli %mul3A_51, %scan3A_50 : i32
        %add3A_53 = arith.constant 1 : i32
        %add3A_54 = arith.addi %mul3A_52, %add3A_53 : i32
        %dma_start3A_55 = arith.constant 1 : i32
        %dma_start3A_56 = arith.constant 0 : i32
        %dma_start3A_57 = arith.constant 0 : i32
        %dma_start3A_58 = tpu.memref_slice %arg6[%dma_start3A_55, %dma_start3A_56, %dma_start3A_57] : memref<2x128x32xf32, #tpu.memory_space<vmem>> -> memref<1x128x32xf32, #tpu.memory_space<vmem>>
        %dma_start3A_59 = tpu.memref_squeeze %dma_start3A_58 : memref<1x128x32xf32, #tpu.memory_space<vmem>> -> memref<128x32xf32, #tpu.memory_space<vmem>>
        %dma_start3A_60 = arith.constant 0 : i32
        %dma_start3A_61 = tpu.memref_slice %arg5[%add3A_54, %scan3A_32, %dma_start3A_60] : memref<50x4x128xi32, #tpu.memory_space<vmem>> -> memref<1x1x128xi32, #tpu.memory_space<vmem>>
        %dma_start3A_62 = tpu.memref_squeeze %dma_start3A_61 : memref<1x1x128xi32, #tpu.memory_space<vmem>> -> memref<128xi32, #tpu.memory_space<vmem>>
        %dma_start3A_63 = arith.constant 0 : i32
        %dma_start3A_64 = arith.constant 0 : i32
        %dma_start3A_65 = tpu.memref_slice %arg3[%dma_start3A_63, %dma_start3A_64] : memref<1000000x32xf32, #tpu.memory_space<hbm>> -> memref<1000000x32xf32, #tpu.memory_space<hbm>>
        tpu.enqueue_indirect_dma source(%dma_start3A_65 : memref<1000000x32xf32, #tpu.memory_space<hbm>>) target(%dma_start3A_59 : memref<128x32xf32, #tpu.memory_space<vmem>>) offsets(%dma_start3A_62 : memref<128xi32, #tpu.memory_space<vmem>>) semaphore(%arg9 : memref<!tpu.dma_semaphore, #tpu.memory_space<semaphore_mem>>)
        %dma_wait3A = arith.constant 0 : i32
        %dma_wait3A_66 = arith.constant 0 : i32
        %dma_wait3A_67 = arith.constant 0 : i32
        %dma_wait3A_68 = arith.constant 0 : i32
        %dma_wait3A_69 = arith.constant 0 : i32
        %dma_wait3A_70 = tpu.memref_slice %arg6[%dma_wait3A_67, %dma_wait3A_68, %dma_wait3A_69] : memref<2x128x32xf32, #tpu.memory_space<vmem>> -> memref<1x128x32xf32, #tpu.memory_space<vmem>>
        %dma_wait3A_71 = tpu.memref_squeeze %dma_wait3A_70 : memref<1x128x32xf32, #tpu.memory_space<vmem>> -> memref<128x32xf32, #tpu.memory_space<vmem>>
        %dma_wait3A_72 = arith.constant 0 : i32
        %dma_wait3A_73 = tpu.memref_slice %arg5[%dma_wait3A, %dma_wait3A_66, %dma_wait3A_72] : memref<50x4x128xi32, #tpu.memory_space<vmem>> -> memref<1x1x128xi32, #tpu.memory_space<vmem>>
        %dma_wait3A_74 = tpu.memref_squeeze %dma_wait3A_73 : memref<1x1x128xi32, #tpu.memory_space<vmem>> -> memref<128xi32, #tpu.memory_space<vmem>>
        %dma_wait3A_75 = arith.constant 0 : i32
        %dma_wait3A_76 = arith.constant 0 : i32
        %dma_wait3A_77 = tpu.memref_slice %arg3[%dma_wait3A_75, %dma_wait3A_76] : memref<1000000x32xf32, #tpu.memory_space<hbm>> -> memref<1000000x32xf32, #tpu.memory_space<hbm>>
        tpu.wait_indirect_dma semaphore(%arg8 : memref<!tpu.dma_semaphore, #tpu.memory_space<semaphore_mem>>) src(%dma_wait3A_77 : memref<1000000x32xf32, #tpu.memory_space<hbm>>) dst(%dma_wait3A_71 : memref<128x32xf32, #tpu.memory_space<vmem>>)
        %scan3A_78 = arith.constant 0 : i32
        %scan3A_79 = arith.constant 0 : i32
        %scan3A_80 = arith.constant 32 : i32
        %scan3A_81 = arith.addi %scan3A_79, %scan3A_80 : i32
        %scan3A_82 = arith.constant 1 : i32
        scf.for %scan3A_205 = %scan3A_79 to %scan3A_81 step %scan3A_82  : i32 {
          %and3A = arith.constant 15 : i32
          %and3A_206 = arith.andi %scan3A_205, %and3A : i32
          %add3A_207 = vector.broadcast %and3A_206 : i32 to vector<16xi32>
          %add3A_208 = arith.addi %iota3A, %add3A_207 : vector<16xi32>
          %and3A_209 = arith.constant 15 : i32
          %and3A_210 = vector.broadcast %and3A_209 : i32 to vector<16xi32>
          %and3A_211 = arith.andi %add3A_208, %and3A_210 : vector<16xi32>
          %shift_right_arithmetic3A = arith.constant 4 : i32
          %shift_right_arithmetic3A_212 = arith.shrsi %scan3A_205, %shift_right_arithmetic3A : i32
          %shift_left3A = arith.constant 4 : i32
          %shift_left3A_213 = arith.shli %shift_right_arithmetic3A_212, %shift_left3A : i32
          %or3A = vector.broadcast %shift_left3A_213 : i32 to vector<16xi32>
          %or3A_214 = arith.ori %and3A_211, %or3A : vector<16xi32>
          %shift_right_arithmetic3A_215 = arith.constant 3 : i32
          %shift_right_arithmetic3A_216 = vector.broadcast %shift_right_arithmetic3A_215 : i32 to vector<16xi32>
          %shift_right_arithmetic3A_217 = arith.shrsi %or3A_214, %shift_right_arithmetic3A_216 : vector<16xi32>
          %and3A_218 = arith.constant 7 : i32
          %and3A_219 = vector.broadcast %and3A_218 : i32 to vector<16xi32>
          %and3A_220 = arith.andi %or3A_214, %and3A_219 : vector<16xi32>
          %gather3A = arith.constant 0 : i32
          %gather3A_221 = arith.constant 0 : i32
          %gather3A_222 = arith.constant 0 : i32
          %gather3A_223 = tpu.memref_slice %arg6[%gather3A, %gather3A_221, %gather3A_222] : memref<2x128x32xf32, #tpu.memory_space<vmem>> -> memref<1x128x32xf32, #tpu.memory_space<vmem>>
          %gather3A_224 = tpu.memref_squeeze %gather3A_223 : memref<1x128x32xf32, #tpu.memory_space<vmem>> -> memref<128x32xf32, #tpu.memory_space<vmem>>
          %gather3A_225 = tpu.vector_load_idx %gather3A_224[%add3A_3, %or3A_214] : memref<128x32xf32, #tpu.memory_space<vmem>>[vector<16xi32>, vector<16xi32>], vector<16xf32>,
          %scatter3A = arith.constant 0 : i32
          %scatter3A_226 = arith.constant 0 : i32
          %scatter3A_227 = arith.constant 0 : i32
          %scatter3A_228 = arith.constant 0 : i32
          %scatter3A_229 = tpu.memref_slice %arg7[%scatter3A, %scatter3A_226, %scatter3A_227, %scatter3A_228] : memref<2x4x8x128xf32, #tpu.memory_space<vmem>> -> memref<1x4x8x128xf32, #tpu.memory_space<vmem>>
          %scatter3A_230 = tpu.memref_squeeze %scatter3A_229 : memref<1x4x8x128xf32, #tpu.memory_space<vmem>> -> memref<4x8x128xf32, #tpu.memory_space<vmem>>
          tpu.vector_store_idx %scatter3A_230[%shift_right_arithmetic3A_217, %and3A_220, %add3A_3], %gather3A_225 : memref<4x8x128xf32, #tpu.memory_space<vmem>>[vector<16xi32>, vector<16xi32>, vector<16xi32>], vector<16xf32>,
          %gather3A_231 = arith.constant 0 : i32
          %gather3A_232 = arith.constant 0 : i32
          %gather3A_233 = arith.constant 0 : i32
          %gather3A_234 = tpu.memref_slice %arg6[%gather3A_231, %gather3A_232, %gather3A_233] : memref<2x128x32xf32, #tpu.memory_space<vmem>> -> memref<1x128x32xf32, #tpu.memory_space<vmem>>
          %gather3A_235 = tpu.memref_squeeze %gather3A_234 : memref<1x128x32xf32, #tpu.memory_space<vmem>> -> memref<128x32xf32, #tpu.memory_space<vmem>>
          %gather3A_236 = tpu.vector_load_idx %gather3A_235[%add3A_6, %or3A_214] : memref<128x32xf32, #tpu.memory_space<vmem>>[vector<16xi32>, vector<16xi32>], vector<16xf32>,
          %scatter3A_237 = arith.constant 0 : i32
          %scatter3A_238 = arith.constant 0 : i32
          %scatter3A_239 = arith.constant 0 : i32
          %scatter3A_240 = arith.constant 0 : i32
          %scatter3A_241 = tpu.memref_slice %arg7[%scatter3A_237, %scatter3A_238, %scatter3A_239, %scatter3A_240] : memref<2x4x8x128xf32, #tpu.memory_space<vmem>> -> memref<1x4x8x128xf32, #tpu.memory_space<vmem>>
          %scatter3A_242 = tpu.memref_squeeze %scatter3A_241 : memref<1x4x8x128xf32, #tpu.memory_space<vmem>> -> memref<4x8x128xf32, #tpu.memory_space<vmem>>
          tpu.vector_store_idx %scatter3A_242[%shift_right_arithmetic3A_217, %and3A_220, %add3A_6], %gather3A_236 : memref<4x8x128xf32, #tpu.memory_space<vmem>>[vector<16xi32>, vector<16xi32>, vector<16xi32>], vector<16xf32>,
          %gather3A_243 = arith.constant 0 : i32
          %gather3A_244 = arith.constant 0 : i32
          %gather3A_245 = arith.constant 0 : i32
          %gather3A_246 = tpu.memref_slice %arg6[%gather3A_243, %gather3A_244, %gather3A_245] : memref<2x128x32xf32, #tpu.memory_space<vmem>> -> memref<1x128x32xf32, #tpu.memory_space<vmem>>
          %gather3A_247 = tpu.memref_squeeze %gather3A_246 : memref<1x128x32xf32, #tpu.memory_space<vmem>> -> memref<128x32xf32, #tpu.memory_space<vmem>>
          %gather3A_248 = tpu.vector_load_idx %gather3A_247[%add3A_9, %or3A_214] : memref<128x32xf32, #tpu.memory_space<vmem>>[vector<16xi32>, vector<16xi32>], vector<16xf32>,
          %scatter3A_249 = arith.constant 0 : i32
          %scatter3A_250 = arith.constant 0 : i32
          %scatter3A_251 = arith.constant 0 : i32
          %scatter3A_252 = arith.constant 0 : i32
          %scatter3A_253 = tpu.memref_slice %arg7[%scatter3A_249, %scatter3A_250, %scatter3A_251, %scatter3A_252] : memref<2x4x8x128xf32, #tpu.memory_space<vmem>> -> memref<1x4x8x128xf32, #tpu.memory_space<vmem>>
          %scatter3A_254 = tpu.memref_squeeze %scatter3A_253 : memref<1x4x8x128xf32, #tpu.memory_space<vmem>> -> memref<4x8x128xf32, #tpu.memory_space<vmem>>
          tpu.vector_store_idx %scatter3A_254[%shift_right_arithmetic3A_217, %and3A_220, %add3A_9], %gather3A_248 : memref<4x8x128xf32, #tpu.memory_space<vmem>>[vector<16xi32>, vector<16xi32>, vector<16xi32>], vector<16xf32>,
          %gather3A_255 = arith.constant 0 : i32
          %gather3A_256 = arith.constant 0 : i32
          %gather3A_257 = arith.constant 0 : i32
          %gather3A_258 = tpu.memref_slice %arg6[%gather3A_255, %gather3A_256, %gather3A_257] : memref<2x128x32xf32, #tpu.memory_space<vmem>> -> memref<1x128x32xf32, #tpu.memory_space<vmem>>
          %gather3A_259 = tpu.memref_squeeze %gather3A_258 : memref<1x128x32xf32, #tpu.memory_space<vmem>> -> memref<128x32xf32, #tpu.memory_space<vmem>>
          %gather3A_260 = tpu.vector_load_idx %gather3A_259[%add3A_12, %or3A_214] : memref<128x32xf32, #tpu.memory_space<vmem>>[vector<16xi32>, vector<16xi32>], vector<16xf32>,
          %scatter3A_261 = arith.constant 0 : i32
          %scatter3A_262 = arith.constant 0 : i32
          %scatter3A_263 = arith.constant 0 : i32
          %scatter3A_264 = arith.constant 0 : i32
          %scatter3A_265 = tpu.memref_slice %arg7[%scatter3A_261, %scatter3A_262, %scatter3A_263, %scatter3A_264] : memref<2x4x8x128xf32, #tpu.memory_space<vmem>> -> memref<1x4x8x128xf32, #tpu.memory_space<vmem>>
          %scatter3A_266 = tpu.memref_squeeze %scatter3A_265 : memref<1x4x8x128xf32, #tpu.memory_space<vmem>> -> memref<4x8x128xf32, #tpu.memory_space<vmem>>
          tpu.vector_store_idx %scatter3A_266[%shift_right_arithmetic3A_217, %and3A_220, %add3A_12], %gather3A_260 : memref<4x8x128xf32, #tpu.memory_space<vmem>>[vector<16xi32>, vector<16xi32>, vector<16xi32>], vector<16xf32>,
          %gather3A_267 = arith.constant 0 : i32
          %gather3A_268 = arith.constant 0 : i32
          %gather3A_269 = arith.constant 0 : i32
          %gather3A_270 = tpu.memref_slice %arg6[%gather3A_267, %gather3A_268, %gather3A_269] : memref<2x128x32xf32, #tpu.memory_space<vmem>> -> memref<1x128x32xf32, #tpu.memory_space<vmem>>
          %gather3A_271 = tpu.memref_squeeze %gather3A_270 : memref<1x128x32xf32, #tpu.memory_space<vmem>> -> memref<128x32xf32, #tpu.memory_space<vmem>>
          %gather3A_272 = tpu.vector_load_idx %gather3A_271[%add3A_15, %or3A_214] : memref<128x32xf32, #tpu.memory_space<vmem>>[vector<16xi32>, vector<16xi32>], vector<16xf32>,
          %scatter3A_273 = arith.constant 0 : i32
          %scatter3A_274 = arith.constant 0 : i32
          %scatter3A_275 = arith.constant 0 : i32
          %scatter3A_276 = arith.constant 0 : i32
          %scatter3A_277 = tpu.memref_slice %arg7[%scatter3A_273, %scatter3A_274, %scatter3A_275, %scatter3A_276] : memref<2x4x8x128xf32, #tpu.memory_space<vmem>> -> memref<1x4x8x128xf32, #tpu.memory_space<vmem>>
          %scatter3A_278 = tpu.memref_squeeze %scatter3A_277 : memref<1x4x8x128xf32, #tpu.memory_space<vmem>> -> memref<4x8x128xf32, #tpu.memory_space<vmem>>
          tpu.vector_store_idx %scatter3A_278[%shift_right_arithmetic3A_217, %and3A_220, %add3A_15], %gather3A_272 : memref<4x8x128xf32, #tpu.memory_space<vmem>>[vector<16xi32>, vector<16xi32>, vector<16xi32>], vector<16xf32>,
          %gather3A_279 = arith.constant 0 : i32
          %gather3A_280 = arith.constant 0 : i32
          %gather3A_281 = arith.constant 0 : i32
          %gather3A_282 = tpu.memref_slice %arg6[%gather3A_279, %gather3A_280, %gather3A_281] : memref<2x128x32xf32, #tpu.memory_space<vmem>> -> memref<1x128x32xf32, #tpu.memory_space<vmem>>
          %gather3A_283 = tpu.memref_squeeze %gather3A_282 : memref<1x128x32xf32, #tpu.memory_space<vmem>> -> memref<128x32xf32, #tpu.memory_space<vmem>>
          %gather3A_284 = tpu.vector_load_idx %gather3A_283[%add3A_18, %or3A_214] : memref<128x32xf32, #tpu.memory_space<vmem>>[vector<16xi32>, vector<16xi32>], vector<16xf32>,
          %scatter3A_285 = arith.constant 0 : i32
          %scatter3A_286 = arith.constant 0 : i32
          %scatter3A_287 = arith.constant 0 : i32
          %scatter3A_288 = arith.constant 0 : i32
          %scatter3A_289 = tpu.memref_slice %arg7[%scatter3A_285, %scatter3A_286, %scatter3A_287, %scatter3A_288] : memref<2x4x8x128xf32, #tpu.memory_space<vmem>> -> memref<1x4x8x128xf32, #tpu.memory_space<vmem>>
          %scatter3A_290 = tpu.memref_squeeze %scatter3A_289 : memref<1x4x8x128xf32, #tpu.memory_space<vmem>> -> memref<4x8x128xf32, #tpu.memory_space<vmem>>
          tpu.vector_store_idx %scatter3A_290[%shift_right_arithmetic3A_217, %and3A_220, %add3A_18], %gather3A_284 : memref<4x8x128xf32, #tpu.memory_space<vmem>>[vector<16xi32>, vector<16xi32>, vector<16xi32>], vector<16xf32>,
          %gather3A_291 = arith.constant 0 : i32
          %gather3A_292 = arith.constant 0 : i32
          %gather3A_293 = arith.constant 0 : i32
          %gather3A_294 = tpu.memref_slice %arg6[%gather3A_291, %gather3A_292, %gather3A_293] : memref<2x128x32xf32, #tpu.memory_space<vmem>> -> memref<1x128x32xf32, #tpu.memory_space<vmem>>
          %gather3A_295 = tpu.memref_squeeze %gather3A_294 : memref<1x128x32xf32, #tpu.memory_space<vmem>> -> memref<128x32xf32, #tpu.memory_space<vmem>>
          %gather3A_296 = tpu.vector_load_idx %gather3A_295[%add3A_21, %or3A_214] : memref<128x32xf32, #tpu.memory_space<vmem>>[vector<16xi32>, vector<16xi32>], vector<16xf32>,
          %scatter3A_297 = arith.constant 0 : i32
          %scatter3A_298 = arith.constant 0 : i32
          %scatter3A_299 = arith.constant 0 : i32
          %scatter3A_300 = arith.constant 0 : i32
          %scatter3A_301 = tpu.memref_slice %arg7[%scatter3A_297, %scatter3A_298, %scatter3A_299, %scatter3A_300] : memref<2x4x8x128xf32, #tpu.memory_space<vmem>> -> memref<1x4x8x128xf32, #tpu.memory_space<vmem>>
          %scatter3A_302 = tpu.memref_squeeze %scatter3A_301 : memref<1x4x8x128xf32, #tpu.memory_space<vmem>> -> memref<4x8x128xf32, #tpu.memory_space<vmem>>
          tpu.vector_store_idx %scatter3A_302[%shift_right_arithmetic3A_217, %and3A_220, %add3A_21], %gather3A_296 : memref<4x8x128xf32, #tpu.memory_space<vmem>>[vector<16xi32>, vector<16xi32>, vector<16xi32>], vector<16xf32>,
          %gather3A_303 = arith.constant 0 : i32
          %gather3A_304 = arith.constant 0 : i32
          %gather3A_305 = arith.constant 0 : i32
          %gather3A_306 = tpu.memref_slice %arg6[%gather3A_303, %gather3A_304, %gather3A_305] : memref<2x128x32xf32, #tpu.memory_space<vmem>> -> memref<1x128x32xf32, #tpu.memory_space<vmem>>
          %gather3A_307 = tpu.memref_squeeze %gather3A_306 : memref<1x128x32xf32, #tpu.memory_space<vmem>> -> memref<128x32xf32, #tpu.memory_space<vmem>>
          %gather3A_308 = tpu.vector_load_idx %gather3A_307[%add3A_24, %or3A_214] : memref<128x32xf32, #tpu.memory_space<vmem>>[vector<16xi32>, vector<16xi32>], vector<16xf32>,
          %scatter3A_309 = arith.constant 0 : i32
          %scatter3A_310 = arith.constant 0 : i32
          %scatter3A_311 = arith.constant 0 : i32
          %scatter3A_312 = arith.constant 0 : i32
          %scatter3A_313 = tpu.memref_slice %arg7[%scatter3A_309, %scatter3A_310, %scatter3A_311, %scatter3A_312] : memref<2x4x8x128xf32, #tpu.memory_space<vmem>> -> memref<1x4x8x128xf32, #tpu.memory_space<vmem>>
          %scatter3A_314 = tpu.memref_squeeze %scatter3A_313 : memref<1x4x8x128xf32, #tpu.memory_space<vmem>> -> memref<4x8x128xf32, #tpu.memory_space<vmem>>
          tpu.vector_store_idx %scatter3A_314[%shift_right_arithmetic3A_217, %and3A_220, %add3A_24], %gather3A_308 : memref<4x8x128xf32, #tpu.memory_space<vmem>>[vector<16xi32>, vector<16xi32>, vector<16xi32>], vector<16xf32>,
        }
        %scan3A_83 = arith.constant 32 : i32
        %mul3A_84 = arith.constant 4 : i32
        %mul3A_85 = arith.muli %add3A, %mul3A_84 : i32
        %add3A_86 = arith.addi %mul3A_85, %scan3A_32 : i32
        %dma_start3A_87 = arith.constant 0 : i32
        %dma_start3A_88 = arith.constant 0 : i32
        %dma_start3A_89 = arith.constant 0 : i32
        %dma_start3A_90 = arith.constant 0 : i32
        %dma_start3A_91 = tpu.memref_slice %arg7[%dma_start3A_87, %dma_start3A_88, %dma_start3A_89, %dma_start3A_90] : memref<2x4x8x128xf32, #tpu.memory_space<vmem>> -> memref<1x4x8x128xf32, #tpu.memory_space<vmem>>
        %dma_start3A_92 = tpu.memref_squeeze %dma_start3A_91 : memref<1x4x8x128xf32, #tpu.memory_space<vmem>> -> memref<4x8x128xf32, #tpu.memory_space<vmem>>
        %dma_start3A_93 = arith.constant 0 : i32
        %dma_start3A_94 = arith.constant 0 : i32
        %dma_start3A_95 = arith.constant 0 : i32
        %dma_start3A_96 = tpu.memref_slice %arg4[%mul3A_52, %dma_start3A_93, %add3A_86, %dma_start3A_94, %dma_start3A_95] : memref<50x4x128x8x128xf32, #tpu.memory_space<hbm>> -> memref<1x4x1x8x128xf32, #tpu.memory_space<hbm>>
        %dma_start3A_97 = tpu.memref_squeeze %dma_start3A_96 : memref<1x4x1x8x128xf32, #tpu.memory_space<hbm>> -> memref<4x8x128xf32, #tpu.memory_space<hbm>>
        %dma_start3A_98 = arith.constant 0 : i32
        %dma_start3A_99 = arith.constant 0 : i32
        %dma_start3A_100 = arith.constant 0 : i32
        %dma_start3A_101 = tpu.memref_slice %arg4[%mul3A_52, %dma_start3A_98, %add3A_86, %dma_start3A_99, %dma_start3A_100] : memref<50x4x128x8x128xf32, #tpu.memory_space<hbm>> -> memref<1x4x1x8x128xf32, #tpu.memory_space<hbm>>
        %dma_start3A_102 = tpu.memref_squeeze %dma_start3A_101 : memref<1x4x1x8x128xf32, #tpu.memory_space<hbm>> -> memref<4x8x128xf32, #tpu.memory_space<hbm>>
        %dma_start3A_103 = arith.constant 0 : i32
        %dma_start3A_104 = arith.constant 0 : i32
        %dma_start3A_105 = arith.constant 0 : i32
        %dma_start3A_106 = tpu.memref_slice %arg7[%dma_start3A_87, %dma_start3A_103, %dma_start3A_104, %dma_start3A_105] : memref<2x4x8x128xf32, #tpu.memory_space<vmem>> -> memref<1x4x8x128xf32, #tpu.memory_space<vmem>>
        %dma_start3A_107 = tpu.memref_squeeze %dma_start3A_106 : memref<1x4x8x128xf32, #tpu.memory_space<vmem>> -> memref<4x8x128xf32, #tpu.memory_space<vmem>>
        tpu.enqueue_dma source(%dma_start3A_107 : memref<4x8x128xf32, #tpu.memory_space<vmem>>) target(%dma_start3A_102 : memref<4x8x128xf32, #tpu.memory_space<hbm>>) target_semaphore(%arg10 : memref<!tpu.dma_semaphore, #tpu.memory_space<semaphore_mem>>)
        %lt3A = arith.constant 24 : i32
        %lt3A_108 = arith.cmpi slt, %scan3A_50, %lt3A : i32
        %convert_element_type3A = arith.extui %lt3A_108 : i1 to i32
        %cond3A = arith.constant 0 : i32
        %cond3A_109 = arith.cmpi ne, %convert_element_type3A, %cond3A : i32
        scf.if %cond3A_109 {
          %add3A_205 = arith.constant 2 : i32
          %add3A_206 = arith.addi %mul3A_52, %add3A_205 : i32
          %dma_start3A_207 = arith.constant 0 : i32
          %dma_start3A_208 = arith.constant 0 : i32
          %dma_start3A_209 = arith.constant 0 : i32
          %dma_start3A_210 = tpu.memref_slice %arg6[%dma_start3A_207, %dma_start3A_208, %dma_start3A_209] : memref<2x128x32xf32, #tpu.memory_space<vmem>> -> memref<1x128x32xf32, #tpu.memory_space<vmem>>
          %dma_start3A_211 = tpu.memref_squeeze %dma_start3A_210 : memref<1x128x32xf32, #tpu.memory_space<vmem>> -> memref<128x32xf32, #tpu.memory_space<vmem>>
          %dma_start3A_212 = arith.constant 0 : i32
          %dma_start3A_213 = tpu.memref_slice %arg5[%add3A_206, %scan3A_32, %dma_start3A_212] : memref<50x4x128xi32, #tpu.memory_space<vmem>> -> memref<1x1x128xi32, #tpu.memory_space<vmem>>
          %dma_start3A_214 = tpu.memref_squeeze %dma_start3A_213 : memref<1x1x128xi32, #tpu.memory_space<vmem>> -> memref<128xi32, #tpu.memory_space<vmem>>
          %dma_start3A_215 = arith.constant 0 : i32
          %dma_start3A_216 = arith.constant 0 : i32
          %dma_start3A_217 = tpu.memref_slice %arg3[%dma_start3A_215, %dma_start3A_216] : memref<1000000x32xf32, #tpu.memory_space<hbm>> -> memref<1000000x32xf32, #tpu.memory_space<hbm>>
          tpu.enqueue_indirect_dma source(%dma_start3A_217 : memref<1000000x32xf32, #tpu.memory_space<hbm>>) target(%dma_start3A_211 : memref<128x32xf32, #tpu.memory_space<vmem>>) offsets(%dma_start3A_214 : memref<128xi32, #tpu.memory_space<vmem>>) semaphore(%arg8 : memref<!tpu.dma_semaphore, #tpu.memory_space<semaphore_mem>>)
        } else {
        }
        %dma_wait3A_110 = arith.constant 0 : i32
        %dma_wait3A_111 = arith.constant 0 : i32
        %dma_wait3A_112 = arith.constant 1 : i32
        %dma_wait3A_113 = arith.constant 0 : i32
        %dma_wait3A_114 = arith.constant 0 : i32
        %dma_wait3A_115 = tpu.memref_slice %arg6[%dma_wait3A_112, %dma_wait3A_113, %dma_wait3A_114] : memref<2x128x32xf32, #tpu.memory_space<vmem>> -> memref<1x128x32xf32, #tpu.memory_space<vmem>>
        %dma_wait3A_116 = tpu.memref_squeeze %dma_wait3A_115 : memref<1x128x32xf32, #tpu.memory_space<vmem>> -> memref<128x32xf32, #tpu.memory_space<vmem>>
        %dma_wait3A_117 = arith.constant 0 : i32
        %dma_wait3A_118 = tpu.memref_slice %arg5[%dma_wait3A_110, %dma_wait3A_111, %dma_wait3A_117] : memref<50x4x128xi32, #tpu.memory_space<vmem>> -> memref<1x1x128xi32, #tpu.memory_space<vmem>>
        %dma_wait3A_119 = tpu.memref_squeeze %dma_wait3A_118 : memref<1x1x128xi32, #tpu.memory_space<vmem>> -> memref<128xi32, #tpu.memory_space<vmem>>
        %dma_wait3A_120 = arith.constant 0 : i32
        %dma_wait3A_121 = arith.constant 0 : i32
        %dma_wait3A_122 = tpu.memref_slice %arg3[%dma_wait3A_120, %dma_wait3A_121] : memref<1000000x32xf32, #tpu.memory_space<hbm>> -> memref<1000000x32xf32, #tpu.memory_space<hbm>>
        tpu.wait_indirect_dma semaphore(%arg9 : memref<!tpu.dma_semaphore, #tpu.memory_space<semaphore_mem>>) src(%dma_wait3A_122 : memref<1000000x32xf32, #tpu.memory_space<hbm>>) dst(%dma_wait3A_116 : memref<128x32xf32, #tpu.memory_space<vmem>>)
        %scan3A_123 = arith.constant 0 : i32
        %scan3A_124 = arith.constant 0 : i32
        %scan3A_125 = arith.constant 32 : i32
        %scan3A_126 = arith.addi %scan3A_124, %scan3A_125 : i32
        %scan3A_127 = arith.constant 1 : i32
        scf.for %scan3A_205 = %scan3A_124 to %scan3A_126 step %scan3A_127  : i32 {
          %and3A = arith.constant 15 : i32
          %and3A_206 = arith.andi %scan3A_205, %and3A : i32
          %add3A_207 = vector.broadcast %and3A_206 : i32 to vector<16xi32>
          %add3A_208 = arith.addi %iota3A, %add3A_207 : vector<16xi32>
          %and3A_209 = arith.constant 15 : i32
          %and3A_210 = vector.broadcast %and3A_209 : i32 to vector<16xi32>
          %and3A_211 = arith.andi %add3A_208, %and3A_210 : vector<16xi32>
          %shift_right_arithmetic3A = arith.constant 4 : i32
          %shift_right_arithmetic3A_212 = arith.shrsi %scan3A_205, %shift_right_arithmetic3A : i32
          %shift_left3A = arith.constant 4 : i32
          %shift_left3A_213 = arith.shli %shift_right_arithmetic3A_212, %shift_left3A : i32
          %or3A = vector.broadcast %shift_left3A_213 : i32 to vector<16xi32>
          %or3A_214 = arith.ori %and3A_211, %or3A : vector<16xi32>
          %shift_right_arithmetic3A_215 = arith.constant 3 : i32
          %shift_right_arithmetic3A_216 = vector.broadcast %shift_right_arithmetic3A_215 : i32 to vector<16xi32>
          %shift_right_arithmetic3A_217 = arith.shrsi %or3A_214, %shift_right_arithmetic3A_216 : vector<16xi32>
          %and3A_218 = arith.constant 7 : i32
          %and3A_219 = vector.broadcast %and3A_218 : i32 to vector<16xi32>
          %and3A_220 = arith.andi %or3A_214, %and3A_219 : vector<16xi32>
          %gather3A = arith.constant 1 : i32
          %gather3A_221 = arith.constant 0 : i32
          %gather3A_222 = arith.constant 0 : i32
          %gather3A_223 = tpu.memref_slice %arg6[%gather3A, %gather3A_221, %gather3A_222] : memref<2x128x32xf32, #tpu.memory_space<vmem>> -> memref<1x128x32xf32, #tpu.memory_space<vmem>>
          %gather3A_224 = tpu.memref_squeeze %gather3A_223 : memref<1x128x32xf32, #tpu.memory_space<vmem>> -> memref<128x32xf32, #tpu.memory_space<vmem>>
          %gather3A_225 = tpu.vector_load_idx %gather3A_224[%add3A_3, %or3A_214] : memref<128x32xf32, #tpu.memory_space<vmem>>[vector<16xi32>, vector<16xi32>], vector<16xf32>,
          %scatter3A = arith.constant 1 : i32
          %scatter3A_226 = arith.constant 0 : i32
          %scatter3A_227 = arith.constant 0 : i32
          %scatter3A_228 = arith.constant 0 : i32
          %scatter3A_229 = tpu.memref_slice %arg7[%scatter3A, %scatter3A_226, %scatter3A_227, %scatter3A_228] : memref<2x4x8x128xf32, #tpu.memory_space<vmem>> -> memref<1x4x8x128xf32, #tpu.memory_space<vmem>>
          %scatter3A_230 = tpu.memref_squeeze %scatter3A_229 : memref<1x4x8x128xf32, #tpu.memory_space<vmem>> -> memref<4x8x128xf32, #tpu.memory_space<vmem>>
          tpu.vector_store_idx %scatter3A_230[%shift_right_arithmetic3A_217, %and3A_220, %add3A_3], %gather3A_225 : memref<4x8x128xf32, #tpu.memory_space<vmem>>[vector<16xi32>, vector<16xi32>, vector<16xi32>], vector<16xf32>,
          %gather3A_231 = arith.constant 1 : i32
          %gather3A_232 = arith.constant 0 : i32
          %gather3A_233 = arith.constant 0 : i32
          %gather3A_234 = tpu.memref_slice %arg6[%gather3A_231, %gather3A_232, %gather3A_233] : memref<2x128x32xf32, #tpu.memory_space<vmem>> -> memref<1x128x32xf32, #tpu.memory_space<vmem>>
          %gather3A_235 = tpu.memref_squeeze %gather3A_234 : memref<1x128x32xf32, #tpu.memory_space<vmem>> -> memref<128x32xf32, #tpu.memory_space<vmem>>
          %gather3A_236 = tpu.vector_load_idx %gather3A_235[%add3A_6, %or3A_214] : memref<128x32xf32, #tpu.memory_space<vmem>>[vector<16xi32>, vector<16xi32>], vector<16xf32>,
          %scatter3A_237 = arith.constant 1 : i32
          %scatter3A_238 = arith.constant 0 : i32
          %scatter3A_239 = arith.constant 0 : i32
          %scatter3A_240 = arith.constant 0 : i32
          %scatter3A_241 = tpu.memref_slice %arg7[%scatter3A_237, %scatter3A_238, %scatter3A_239, %scatter3A_240] : memref<2x4x8x128xf32, #tpu.memory_space<vmem>> -> memref<1x4x8x128xf32, #tpu.memory_space<vmem>>
          %scatter3A_242 = tpu.memref_squeeze %scatter3A_241 : memref<1x4x8x128xf32, #tpu.memory_space<vmem>> -> memref<4x8x128xf32, #tpu.memory_space<vmem>>
          tpu.vector_store_idx %scatter3A_242[%shift_right_arithmetic3A_217, %and3A_220, %add3A_6], %gather3A_236 : memref<4x8x128xf32, #tpu.memory_space<vmem>>[vector<16xi32>, vector<16xi32>, vector<16xi32>], vector<16xf32>,
          %gather3A_243 = arith.constant 1 : i32
          %gather3A_244 = arith.constant 0 : i32
          %gather3A_245 = arith.constant 0 : i32
          %gather3A_246 = tpu.memref_slice %arg6[%gather3A_243, %gather3A_244, %gather3A_245] : memref<2x128x32xf32, #tpu.memory_space<vmem>> -> memref<1x128x32xf32, #tpu.memory_space<vmem>>
          %gather3A_247 = tpu.memref_squeeze %gather3A_246 : memref<1x128x32xf32, #tpu.memory_space<vmem>> -> memref<128x32xf32, #tpu.memory_space<vmem>>
          %gather3A_248 = tpu.vector_load_idx %gather3A_247[%add3A_9, %or3A_214] : memref<128x32xf32, #tpu.memory_space<vmem>>[vector<16xi32>, vector<16xi32>], vector<16xf32>,
          %scatter3A_249 = arith.constant 1 : i32
          %scatter3A_250 = arith.constant 0 : i32
          %scatter3A_251 = arith.constant 0 : i32
          %scatter3A_252 = arith.constant 0 : i32
          %scatter3A_253 = tpu.memref_slice %arg7[%scatter3A_249, %scatter3A_250, %scatter3A_251, %scatter3A_252] : memref<2x4x8x128xf32, #tpu.memory_space<vmem>> -> memref<1x4x8x128xf32, #tpu.memory_space<vmem>>
          %scatter3A_254 = tpu.memref_squeeze %scatter3A_253 : memref<1x4x8x128xf32, #tpu.memory_space<vmem>> -> memref<4x8x128xf32, #tpu.memory_space<vmem>>
          tpu.vector_store_idx %scatter3A_254[%shift_right_arithmetic3A_217, %and3A_220, %add3A_9], %gather3A_248 : memref<4x8x128xf32, #tpu.memory_space<vmem>>[vector<16xi32>, vector<16xi32>, vector<16xi32>], vector<16xf32>,
          %gather3A_255 = arith.constant 1 : i32
          %gather3A_256 = arith.constant 0 : i32
          %gather3A_257 = arith.constant 0 : i32
          %gather3A_258 = tpu.memref_slice %arg6[%gather3A_255, %gather3A_256, %gather3A_257] : memref<2x128x32xf32, #tpu.memory_space<vmem>> -> memref<1x128x32xf32, #tpu.memory_space<vmem>>
          %gather3A_259 = tpu.memref_squeeze %gather3A_258 : memref<1x128x32xf32, #tpu.memory_space<vmem>> -> memref<128x32xf32, #tpu.memory_space<vmem>>
          %gather3A_260 = tpu.vector_load_idx %gather3A_259[%add3A_12, %or3A_214] : memref<128x32xf32, #tpu.memory_space<vmem>>[vector<16xi32>, vector<16xi32>], vector<16xf32>,
          %scatter3A_261 = arith.constant 1 : i32
          %scatter3A_262 = arith.constant 0 : i32
          %scatter3A_263 = arith.constant 0 : i32
          %scatter3A_264 = arith.constant 0 : i32
          %scatter3A_265 = tpu.memref_slice %arg7[%scatter3A_261, %scatter3A_262, %scatter3A_263, %scatter3A_264] : memref<2x4x8x128xf32, #tpu.memory_space<vmem>> -> memref<1x4x8x128xf32, #tpu.memory_space<vmem>>
          %scatter3A_266 = tpu.memref_squeeze %scatter3A_265 : memref<1x4x8x128xf32, #tpu.memory_space<vmem>> -> memref<4x8x128xf32, #tpu.memory_space<vmem>>
          tpu.vector_store_idx %scatter3A_266[%shift_right_arithmetic3A_217, %and3A_220, %add3A_12], %gather3A_260 : memref<4x8x128xf32, #tpu.memory_space<vmem>>[vector<16xi32>, vector<16xi32>, vector<16xi32>], vector<16xf32>,
          %gather3A_267 = arith.constant 1 : i32
          %gather3A_268 = arith.constant 0 : i32
          %gather3A_269 = arith.constant 0 : i32
          %gather3A_270 = tpu.memref_slice %arg6[%gather3A_267, %gather3A_268, %gather3A_269] : memref<2x128x32xf32, #tpu.memory_space<vmem>> -> memref<1x128x32xf32, #tpu.memory_space<vmem>>
          %gather3A_271 = tpu.memref_squeeze %gather3A_270 : memref<1x128x32xf32, #tpu.memory_space<vmem>> -> memref<128x32xf32, #tpu.memory_space<vmem>>
          %gather3A_272 = tpu.vector_load_idx %gather3A_271[%add3A_15, %or3A_214] : memref<128x32xf32, #tpu.memory_space<vmem>>[vector<16xi32>, vector<16xi32>], vector<16xf32>,
          %scatter3A_273 = arith.constant 1 : i32
          %scatter3A_274 = arith.constant 0 : i32
          %scatter3A_275 = arith.constant 0 : i32
          %scatter3A_276 = arith.constant 0 : i32
          %scatter3A_277 = tpu.memref_slice %arg7[%scatter3A_273, %scatter3A_274, %scatter3A_275, %scatter3A_276] : memref<2x4x8x128xf32, #tpu.memory_space<vmem>> -> memref<1x4x8x128xf32, #tpu.memory_space<vmem>>
          %scatter3A_278 = tpu.memref_squeeze %scatter3A_277 : memref<1x4x8x128xf32, #tpu.memory_space<vmem>> -> memref<4x8x128xf32, #tpu.memory_space<vmem>>
          tpu.vector_store_idx %scatter3A_278[%shift_right_arithmetic3A_217, %and3A_220, %add3A_15], %gather3A_272 : memref<4x8x128xf32, #tpu.memory_space<vmem>>[vector<16xi32>, vector<16xi32>, vector<16xi32>], vector<16xf32>,
          %gather3A_279 = arith.constant 1 : i32
          %gather3A_280 = arith.constant 0 : i32
          %gather3A_281 = arith.constant 0 : i32
          %gather3A_282 = tpu.memref_slice %arg6[%gather3A_279, %gather3A_280, %gather3A_281] : memref<2x128x32xf32, #tpu.memory_space<vmem>> -> memref<1x128x32xf32, #tpu.memory_space<vmem>>
          %gather3A_283 = tpu.memref_squeeze %gather3A_282 : memref<1x128x32xf32, #tpu.memory_space<vmem>> -> memref<128x32xf32, #tpu.memory_space<vmem>>
          %gather3A_284 = tpu.vector_load_idx %gather3A_283[%add3A_18, %or3A_214] : memref<128x32xf32, #tpu.memory_space<vmem>>[vector<16xi32>, vector<16xi32>], vector<16xf32>,
          %scatter3A_285 = arith.constant 1 : i32
          %scatter3A_286 = arith.constant 0 : i32
          %scatter3A_287 = arith.constant 0 : i32
          %scatter3A_288 = arith.constant 0 : i32
          %scatter3A_289 = tpu.memref_slice %arg7[%scatter3A_285, %scatter3A_286, %scatter3A_287, %scatter3A_288] : memref<2x4x8x128xf32, #tpu.memory_space<vmem>> -> memref<1x4x8x128xf32, #tpu.memory_space<vmem>>
          %scatter3A_290 = tpu.memref_squeeze %scatter3A_289 : memref<1x4x8x128xf32, #tpu.memory_space<vmem>> -> memref<4x8x128xf32, #tpu.memory_space<vmem>>
          tpu.vector_store_idx %scatter3A_290[%shift_right_arithmetic3A_217, %and3A_220, %add3A_18], %gather3A_284 : memref<4x8x128xf32, #tpu.memory_space<vmem>>[vector<16xi32>, vector<16xi32>, vector<16xi32>], vector<16xf32>,
          %gather3A_291 = arith.constant 1 : i32
          %gather3A_292 = arith.constant 0 : i32
          %gather3A_293 = arith.constant 0 : i32
          %gather3A_294 = tpu.memref_slice %arg6[%gather3A_291, %gather3A_292, %gather3A_293] : memref<2x128x32xf32, #tpu.memory_space<vmem>> -> memref<1x128x32xf32, #tpu.memory_space<vmem>>
          %gather3A_295 = tpu.memref_squeeze %gather3A_294 : memref<1x128x32xf32, #tpu.memory_space<vmem>> -> memref<128x32xf32, #tpu.memory_space<vmem>>
          %gather3A_296 = tpu.vector_load_idx %gather3A_295[%add3A_21, %or3A_214] : memref<128x32xf32, #tpu.memory_space<vmem>>[vector<16xi32>, vector<16xi32>], vector<16xf32>,
          %scatter3A_297 = arith.constant 1 : i32
          %scatter3A_298 = arith.constant 0 : i32
          %scatter3A_299 = arith.constant 0 : i32
          %scatter3A_300 = arith.constant 0 : i32
          %scatter3A_301 = tpu.memref_slice %arg7[%scatter3A_297, %scatter3A_298, %scatter3A_299, %scatter3A_300] : memref<2x4x8x128xf32, #tpu.memory_space<vmem>> -> memref<1x4x8x128xf32, #tpu.memory_space<vmem>>
          %scatter3A_302 = tpu.memref_squeeze %scatter3A_301 : memref<1x4x8x128xf32, #tpu.memory_space<vmem>> -> memref<4x8x128xf32, #tpu.memory_space<vmem>>
          tpu.vector_store_idx %scatter3A_302[%shift_right_arithmetic3A_217, %and3A_220, %add3A_21], %gather3A_296 : memref<4x8x128xf32, #tpu.memory_space<vmem>>[vector<16xi32>, vector<16xi32>, vector<16xi32>], vector<16xf32>,
          %gather3A_303 = arith.constant 1 : i32
          %gather3A_304 = arith.constant 0 : i32
          %gather3A_305 = arith.constant 0 : i32
          %gather3A_306 = tpu.memref_slice %arg6[%gather3A_303, %gather3A_304, %gather3A_305] : memref<2x128x32xf32, #tpu.memory_space<vmem>> -> memref<1x128x32xf32, #tpu.memory_space<vmem>>
          %gather3A_307 = tpu.memref_squeeze %gather3A_306 : memref<1x128x32xf32, #tpu.memory_space<vmem>> -> memref<128x32xf32, #tpu.memory_space<vmem>>
          %gather3A_308 = tpu.vector_load_idx %gather3A_307[%add3A_24, %or3A_214] : memref<128x32xf32, #tpu.memory_space<vmem>>[vector<16xi32>, vector<16xi32>], vector<16xf32>,
          %scatter3A_309 = arith.constant 1 : i32
          %scatter3A_310 = arith.constant 0 : i32
          %scatter3A_311 = arith.constant 0 : i32
          %scatter3A_312 = arith.constant 0 : i32
          %scatter3A_313 = tpu.memref_slice %arg7[%scatter3A_309, %scatter3A_310, %scatter3A_311, %scatter3A_312] : memref<2x4x8x128xf32, #tpu.memory_space<vmem>> -> memref<1x4x8x128xf32, #tpu.memory_space<vmem>>
          %scatter3A_314 = tpu.memref_squeeze %scatter3A_313 : memref<1x4x8x128xf32, #tpu.memory_space<vmem>> -> memref<4x8x128xf32, #tpu.memory_space<vmem>>
          tpu.vector_store_idx %scatter3A_314[%shift_right_arithmetic3A_217, %and3A_220, %add3A_24], %gather3A_308 : memref<4x8x128xf32, #tpu.memory_space<vmem>>[vector<16xi32>, vector<16xi32>, vector<16xi32>], vector<16xf32>,
        }
        %scan3A_128 = arith.constant 32 : i32
        %add3A_129 = arith.constant 1 : i32
        %add3A_130 = arith.addi %mul3A_52, %add3A_129 : i32
        %mul3A_131 = arith.constant 4 : i32
        %mul3A_132 = arith.muli %add3A, %mul3A_131 : i32
        %add3A_133 = arith.addi %mul3A_132, %scan3A_32 : i32
        %dma_start3A_134 = arith.constant 1 : i32
        %dma_start3A_135 = arith.constant 0 : i32
        %dma_start3A_136 = arith.constant 0 : i32
        %dma_start3A_137 = arith.constant 0 : i32
        %dma_start3A_138 = tpu.memref_slice %arg7[%dma_start3A_134, %dma_start3A_135, %dma_start3A_136, %dma_start3A_137] : memref<2x4x8x128xf32, #tpu.memory_space<vmem>> -> memref<1x4x8x128xf32, #tpu.memory_space<vmem>>
        %dma_start3A_139 = tpu.memref_squeeze %dma_start3A_138 : memref<1x4x8x128xf32, #tpu.memory_space<vmem>> -> memref<4x8x128xf32, #tpu.memory_space<vmem>>
        %dma_start3A_140 = arith.constant 0 : i32
        %dma_start3A_141 = arith.constant 0 : i32
        %dma_start3A_142 = arith.constant 0 : i32
        %dma_start3A_143 = tpu.memref_slice %arg4[%add3A_130, %dma_start3A_140, %add3A_133, %dma_start3A_141, %dma_start3A_142] : memref<50x4x128x8x128xf32, #tpu.memory_space<hbm>> -> memref<1x4x1x8x128xf32, #tpu.memory_space<hbm>>
        %dma_start3A_144 = tpu.memref_squeeze %dma_start3A_143 : memref<1x4x1x8x128xf32, #tpu.memory_space<hbm>> -> memref<4x8x128xf32, #tpu.memory_space<hbm>>
        %dma_start3A_145 = arith.constant 0 : i32
        %dma_start3A_146 = arith.constant 0 : i32
        %dma_start3A_147 = arith.constant 0 : i32
        %dma_start3A_148 = tpu.memref_slice %arg4[%add3A_130, %dma_start3A_145, %add3A_133, %dma_start3A_146, %dma_start3A_147] : memref<50x4x128x8x128xf32, #tpu.memory_space<hbm>> -> memref<1x4x1x8x128xf32, #tpu.memory_space<hbm>>
        %dma_start3A_149 = tpu.memref_squeeze %dma_start3A_148 : memref<1x4x1x8x128xf32, #tpu.memory_space<hbm>> -> memref<4x8x128xf32, #tpu.memory_space<hbm>>
        %dma_start3A_150 = arith.constant 0 : i32
        %dma_start3A_151 = arith.constant 0 : i32
        %dma_start3A_152 = arith.constant 0 : i32
        %dma_start3A_153 = tpu.memref_slice %arg7[%dma_start3A_134, %dma_start3A_150, %dma_start3A_151, %dma_start3A_152] : memref<2x4x8x128xf32, #tpu.memory_space<vmem>> -> memref<1x4x8x128xf32, #tpu.memory_space<vmem>>
        %dma_start3A_154 = tpu.memref_squeeze %dma_start3A_153 : memref<1x4x8x128xf32, #tpu.memory_space<vmem>> -> memref<4x8x128xf32, #tpu.memory_space<vmem>>
        tpu.enqueue_dma source(%dma_start3A_154 : memref<4x8x128xf32, #tpu.memory_space<vmem>>) target(%dma_start3A_149 : memref<4x8x128xf32, #tpu.memory_space<hbm>>) target_semaphore(%arg11 : memref<!tpu.dma_semaphore, #tpu.memory_space<semaphore_mem>>)
        %mul3A_155 = arith.constant 4 : i32
        %mul3A_156 = arith.muli %add3A, %mul3A_155 : i32
        %dma_wait3A_157 = arith.constant 0 : i32
        %dma_wait3A_158 = arith.constant 0 : i32
        %dma_wait3A_159 = arith.constant 0 : i32
        %dma_wait3A_160 = arith.constant 0 : i32
        %dma_wait3A_161 = arith.constant 0 : i32
        %dma_wait3A_162 = tpu.memref_slice %arg7[%dma_wait3A_157, %dma_wait3A_159, %dma_wait3A_160, %dma_wait3A_161] : memref<2x4x8x128xf32, #tpu.memory_space<vmem>> -> memref<1x4x8x128xf32, #tpu.memory_space<vmem>>
        %dma_wait3A_163 = tpu.memref_squeeze %dma_wait3A_162 : memref<1x4x8x128xf32, #tpu.memory_space<vmem>> -> memref<4x8x128xf32, #tpu.memory_space<vmem>>
        %dma_wait3A_164 = arith.constant 0 : i32
        %dma_wait3A_165 = arith.constant 0 : i32
        %dma_wait3A_166 = arith.constant 0 : i32
        %dma_wait3A_167 = tpu.memref_slice %arg4[%dma_wait3A_158, %dma_wait3A_164, %mul3A_156, %dma_wait3A_165, %dma_wait3A_166] : memref<50x4x128x8x128xf32, #tpu.memory_space<hbm>> -> memref<1x4x1x8x128xf32, #tpu.memory_space<hbm>>
        %dma_wait3A_168 = tpu.memref_squeeze %dma_wait3A_167 : memref<1x4x1x8x128xf32, #tpu.memory_space<hbm>> -> memref<4x8x128xf32, #tpu.memory_space<hbm>>
        %dma_wait3A_169 = arith.constant 0 : i32
        %dma_wait3A_170 = arith.constant 0 : i32
        %dma_wait3A_171 = arith.constant 0 : i32
        %dma_wait3A_172 = tpu.memref_slice %arg4[%dma_wait3A_158, %dma_wait3A_169, %mul3A_156, %dma_wait3A_170, %dma_wait3A_171] : memref<50x4x128x8x128xf32, #tpu.memory_space<hbm>> -> memref<1x4x1x8x128xf32, #tpu.memory_space<hbm>>
        %dma_wait3A_173 = tpu.memref_squeeze %dma_wait3A_172 : memref<1x4x1x8x128xf32, #tpu.memory_space<hbm>> -> memref<4x8x128xf32, #tpu.memory_space<hbm>>
        %dma_wait3A_174 = arith.constant 0 : i32
        %dma_wait3A_175 = arith.constant 0 : i32
        %dma_wait3A_176 = arith.constant 0 : i32
        %dma_wait3A_177 = tpu.memref_slice %arg7[%dma_wait3A_157, %dma_wait3A_174, %dma_wait3A_175, %dma_wait3A_176] : memref<2x4x8x128xf32, #tpu.memory_space<vmem>> -> memref<1x4x8x128xf32, #tpu.memory_space<vmem>>
        %dma_wait3A_178 = tpu.memref_squeeze %dma_wait3A_177 : memref<1x4x8x128xf32, #tpu.memory_space<vmem>> -> memref<4x8x128xf32, #tpu.memory_space<vmem>>
        tpu.wait_dma2 semaphore(%arg10 : memref<!tpu.dma_semaphore, #tpu.memory_space<semaphore_mem>>) src(%dma_wait3A_178 : memref<4x8x128xf32, #tpu.memory_space<vmem>>) dst(%dma_wait3A_173 : memref<4x8x128xf32, #tpu.memory_space<hbm>>)
        %add3A_179 = arith.constant 1 : i32
        %add3A_180 = arith.addi %mul3A_52, %add3A_179 : i32
        %mul3A_181 = arith.constant 4 : i32
        %mul3A_182 = arith.muli %add3A, %mul3A_181 : i32
        %dma_wait3A_183 = arith.constant 1 : i32
        %dma_wait3A_184 = arith.constant 0 : i32
        %dma_wait3A_185 = arith.constant 0 : i32
        %dma_wait3A_186 = arith.constant 0 : i32
        %dma_wait3A_187 = arith.constant 0 : i32
        %dma_wait3A_188 = tpu.memref_slice %arg7[%dma_wait3A_183, %dma_wait3A_185, %dma_wait3A_186, %dma_wait3A_187] : memref<2x4x8x128xf32, #tpu.memory_space<vmem>> -> memref<1x4x8x128xf32, #tpu.memory_space<vmem>>
        %dma_wait3A_189 = tpu.memref_squeeze %dma_wait3A_188 : memref<1x4x8x128xf32, #tpu.memory_space<vmem>> -> memref<4x8x128xf32, #tpu.memory_space<vmem>>
        %dma_wait3A_190 = arith.constant 0 : i32
        %dma_wait3A_191 = arith.constant 0 : i32
        %dma_wait3A_192 = arith.constant 0 : i32
        %dma_wait3A_193 = tpu.memref_slice %arg4[%dma_wait3A_184, %dma_wait3A_190, %mul3A_182, %dma_wait3A_191, %dma_wait3A_192] : memref<50x4x128x8x128xf32, #tpu.memory_space<hbm>> -> memref<1x4x1x8x128xf32, #tpu.memory_space<hbm>>
        %dma_wait3A_194 = tpu.memref_squeeze %dma_wait3A_193 : memref<1x4x1x8x128xf32, #tpu.memory_space<hbm>> -> memref<4x8x128xf32, #tpu.memory_space<hbm>>
        %dma_wait3A_195 = arith.constant 0 : i32
        %dma_wait3A_196 = arith.constant 0 : i32
        %dma_wait3A_197 = arith.constant 0 : i32
        %dma_wait3A_198 = tpu.memref_slice %arg4[%dma_wait3A_184, %dma_wait3A_195, %mul3A_182, %dma_wait3A_196, %dma_wait3A_197] : memref<50x4x128x8x128xf32, #tpu.memory_space<hbm>> -> memref<1x4x1x8x128xf32, #tpu.memory_space<hbm>>
        %dma_wait3A_199 = tpu.memref_squeeze %dma_wait3A_198 : memref<1x4x1x8x128xf32, #tpu.memory_space<hbm>> -> memref<4x8x128xf32, #tpu.memory_space<hbm>>
        %dma_wait3A_200 = arith.constant 0 : i32
        %dma_wait3A_201 = arith.constant 0 : i32
        %dma_wait3A_202 = arith.constant 0 : i32
        %dma_wait3A_203 = tpu.memref_slice %arg7[%dma_wait3A_183, %dma_wait3A_200, %dma_wait3A_201, %dma_wait3A_202] : memref<2x4x8x128xf32, #tpu.memory_space<vmem>> -> memref<1x4x8x128xf32, #tpu.memory_space<vmem>>
        %dma_wait3A_204 = tpu.memref_squeeze %dma_wait3A_203 : memref<1x4x8x128xf32, #tpu.memory_space<vmem>> -> memref<4x8x128xf32, #tpu.memory_space<vmem>>
        tpu.wait_dma2 semaphore(%arg11 : memref<!tpu.dma_semaphore, #tpu.memory_space<semaphore_mem>>) src(%dma_wait3A_204 : memref<4x8x128xf32, #tpu.memory_space<vmem>>) dst(%dma_wait3A_199 : memref<4x8x128xf32, #tpu.memory_space<hbm>>)
      }
      %scan3A_49 = arith.constant 25 : i32
    }
    %scan3A_31 = arith.constant 4 : i32
    return
  }
}

#map = affine_map<(d0, d1) -> (0, 0)>
module attributes {stable_mosaic.version = 14 : i64} {
  func.func @_convert_kernel(%arg0: i32, %arg1: i32, %arg2: memref<32x1000000xf32, #tpu.memory_space<hbm>>, %arg3: memref<32x128xf32, #tpu.memory_space<hbm>>, %arg4: memref<250000x128xf32, #tpu.memory_space<hbm>>, %arg5: memref<2x32x128xf32, #tpu.memory_space<vmem>>, %arg6: memref<2x32x128xf32, #tpu.memory_space<vmem>>, %arg7: memref<!tpu.dma_semaphore, #tpu.memory_space<semaphore_mem>>, %arg8: memref<!tpu.dma_semaphore, #tpu.memory_space<semaphore_mem>>, %arg9: memref<!tpu.dma_semaphore, #tpu.memory_space<semaphore_mem>>, %arg10: memref<!tpu.dma_semaphore, #tpu.memory_space<semaphore_mem>>) attributes {dimension_semantics = [#tpu.dimension_semantics<core_parallel>, #tpu.dimension_semantics<subcore_parallel>], iteration_bounds = array<i64: 2, 16>, scalar_prefetch = 0 : i64, scratch_operands = 6 : i64, tpu.core_type = #tpu.core_type<sc_vector_subcore>, window_params = [{transform_indices = #map}, {transform_indices = #map}, {transform_indices = #map}]} {
    %mul3A = arith.constant 2 : i32
    %mul3A_0 = arith.muli %arg1, %mul3A : i32
    %add3A = arith.addi %mul3A_0, %arg0 : i32
    %iota3A = tpu.iota {dimensions = array<i32: 0>} : vector<16xi32>
    %add3A_1 = arith.constant 0 : i32
    %add3A_2 = vector.broadcast %add3A_1 : i32 to vector<16xi32>
    %add3A_3 = arith.addi %iota3A, %add3A_2 : vector<16xi32>
    %shift_right_arithmetic3A = arith.constant 2 : i32
    %shift_right_arithmetic3A_4 = vector.broadcast %shift_right_arithmetic3A : i32 to vector<16xi32>
    %shift_right_arithmetic3A_5 = arith.shrsi %add3A_3, %shift_right_arithmetic3A_4 : vector<16xi32>
    %add3A_6 = arith.constant 16 : i32
    %add3A_7 = vector.broadcast %add3A_6 : i32 to vector<16xi32>
    %add3A_8 = arith.addi %iota3A, %add3A_7 : vector<16xi32>
    %shift_right_arithmetic3A_9 = arith.constant 2 : i32
    %shift_right_arithmetic3A_10 = vector.broadcast %shift_right_arithmetic3A_9 : i32 to vector<16xi32>
    %shift_right_arithmetic3A_11 = arith.shrsi %add3A_8, %shift_right_arithmetic3A_10 : vector<16xi32>
    %add3A_12 = arith.constant 32 : i32
    %add3A_13 = vector.broadcast %add3A_12 : i32 to vector<16xi32>
    %add3A_14 = arith.addi %iota3A, %add3A_13 : vector<16xi32>
    %shift_right_arithmetic3A_15 = arith.constant 2 : i32
    %shift_right_arithmetic3A_16 = vector.broadcast %shift_right_arithmetic3A_15 : i32 to vector<16xi32>
    %shift_right_arithmetic3A_17 = arith.shrsi %add3A_14, %shift_right_arithmetic3A_16 : vector<16xi32>
    %add3A_18 = arith.constant 48 : i32
    %add3A_19 = vector.broadcast %add3A_18 : i32 to vector<16xi32>
    %add3A_20 = arith.addi %iota3A, %add3A_19 : vector<16xi32>
    %shift_right_arithmetic3A_21 = arith.constant 2 : i32
    %shift_right_arithmetic3A_22 = vector.broadcast %shift_right_arithmetic3A_21 : i32 to vector<16xi32>
    %shift_right_arithmetic3A_23 = arith.shrsi %add3A_20, %shift_right_arithmetic3A_22 : vector<16xi32>
    %add3A_24 = arith.constant 64 : i32
    %add3A_25 = vector.broadcast %add3A_24 : i32 to vector<16xi32>
    %add3A_26 = arith.addi %iota3A, %add3A_25 : vector<16xi32>
    %shift_right_arithmetic3A_27 = arith.constant 2 : i32
    %shift_right_arithmetic3A_28 = vector.broadcast %shift_right_arithmetic3A_27 : i32 to vector<16xi32>
    %shift_right_arithmetic3A_29 = arith.shrsi %add3A_26, %shift_right_arithmetic3A_28 : vector<16xi32>
    %add3A_30 = arith.constant 80 : i32
    %add3A_31 = vector.broadcast %add3A_30 : i32 to vector<16xi32>
    %add3A_32 = arith.addi %iota3A, %add3A_31 : vector<16xi32>
    %shift_right_arithmetic3A_33 = arith.constant 2 : i32
    %shift_right_arithmetic3A_34 = vector.broadcast %shift_right_arithmetic3A_33 : i32 to vector<16xi32>
    %shift_right_arithmetic3A_35 = arith.shrsi %add3A_32, %shift_right_arithmetic3A_34 : vector<16xi32>
    %add3A_36 = arith.constant 96 : i32
    %add3A_37 = vector.broadcast %add3A_36 : i32 to vector<16xi32>
    %add3A_38 = arith.addi %iota3A, %add3A_37 : vector<16xi32>
    %shift_right_arithmetic3A_39 = arith.constant 2 : i32
    %shift_right_arithmetic3A_40 = vector.broadcast %shift_right_arithmetic3A_39 : i32 to vector<16xi32>
    %shift_right_arithmetic3A_41 = arith.shrsi %add3A_38, %shift_right_arithmetic3A_40 : vector<16xi32>
    %add3A_42 = arith.constant 112 : i32
    %add3A_43 = vector.broadcast %add3A_42 : i32 to vector<16xi32>
    %add3A_44 = arith.addi %iota3A, %add3A_43 : vector<16xi32>
    %shift_right_arithmetic3A_45 = arith.constant 2 : i32
    %shift_right_arithmetic3A_46 = vector.broadcast %shift_right_arithmetic3A_45 : i32 to vector<16xi32>
    %shift_right_arithmetic3A_47 = arith.shrsi %add3A_44, %shift_right_arithmetic3A_46 : vector<16xi32>
    %and3A = arith.constant 3 : i32
    %and3A_48 = vector.broadcast %and3A : i32 to vector<16xi32>
    %and3A_49 = arith.andi %iota3A, %and3A_48 : vector<16xi32>
    %mul3A_50 = arith.constant 32 : i32
    %mul3A_51 = vector.broadcast %mul3A_50 : i32 to vector<16xi32>
    %mul3A_52 = arith.muli %and3A_49, %mul3A_51 : vector<16xi32>
    %lt3A = arith.constant 4 : i32
    %lt3A_53 = arith.cmpi slt, %add3A, %lt3A : i32
    %add3A_54 = arith.constant 0 : i32
    %add3A_55 = arith.addi %add3A, %add3A_54 : i32
    %mul3A_56 = arith.constant 128 : i32
    %mul3A_57 = arith.muli %add3A_55, %mul3A_56 : i32
    %dma_start3A = arith.constant 0 : i32
    %dma_start3A_58 = arith.constant 0 : i32
    %dma_start3A_59 = arith.constant 0 : i32
    %dma_start3A_60 = tpu.memref_slice %arg5[%dma_start3A, %dma_start3A_58, %dma_start3A_59] : memref<2x32x128xf32, #tpu.memory_space<vmem>> -> memref<1x32x128xf32, #tpu.memory_space<vmem>>
    %dma_start3A_61 = tpu.memref_squeeze %dma_start3A_60 : memref<1x32x128xf32, #tpu.memory_space<vmem>> -> memref<32x128xf32, #tpu.memory_space<vmem>>
    %dma_start3A_62 = arith.constant 0 : i32
    %dma_start3A_63 = tpu.memref_slice %arg2[%dma_start3A_62, %mul3A_57] : memref<32x1000000xf32, #tpu.memory_space<hbm>> -> memref<32x128xf32, #tpu.memory_space<hbm>>
    %dma_start3A_64 = arith.constant 0 : i32
    %dma_start3A_65 = arith.constant 0 : i32
    %dma_start3A_66 = tpu.memref_slice %arg5[%dma_start3A, %dma_start3A_64, %dma_start3A_65] : memref<2x32x128xf32, #tpu.memory_space<vmem>> -> memref<1x32x128xf32, #tpu.memory_space<vmem>>
    %dma_start3A_67 = tpu.memref_squeeze %dma_start3A_66 : memref<1x32x128xf32, #tpu.memory_space<vmem>> -> memref<32x128xf32, #tpu.memory_space<vmem>>
    %dma_start3A_68 = arith.constant 0 : i32
    %dma_start3A_69 = tpu.memref_slice %arg2[%dma_start3A_68, %mul3A_57] : memref<32x1000000xf32, #tpu.memory_space<hbm>> -> memref<32x128xf32, #tpu.memory_space<hbm>>
    tpu.enqueue_dma source(%dma_start3A_69 : memref<32x128xf32, #tpu.memory_space<hbm>>) target(%dma_start3A_67 : memref<32x128xf32, #tpu.memory_space<vmem>>) target_semaphore(%arg7 : memref<!tpu.dma_semaphore, #tpu.memory_space<semaphore_mem>>)
    %scan3A = arith.constant 0 : i32
    %scan3A_70 = arith.constant 0 : i32
    %scan3A_71 = arith.constant 122 : i32
    %scan3A_72 = arith.addi %scan3A_70, %scan3A_71 : i32
    %scan3A_73 = arith.constant 1 : i32
    scf.for %scan3A_109 = %scan3A_70 to %scan3A_72 step %scan3A_73  : i32 {
      %mul3A_110 = arith.constant 2 : i32
      %mul3A_111 = arith.muli %mul3A_110, %scan3A_109 : i32
      %add3A_112 = arith.constant 1 : i32
      %add3A_113 = arith.addi %mul3A_111, %add3A_112 : i32
      %mul3A_114 = arith.constant 32 : i32
      %mul3A_115 = arith.muli %mul3A_114, %add3A_113 : i32
      %add3A_116 = arith.addi %add3A, %mul3A_115 : i32
      %mul3A_117 = arith.constant 128 : i32
      %mul3A_118 = arith.muli %add3A_116, %mul3A_117 : i32
      %dma_start3A_119 = arith.constant 1 : i32
      %dma_start3A_120 = arith.constant 0 : i32
      %dma_start3A_121 = arith.constant 0 : i32
      %dma_start3A_122 = tpu.memref_slice %arg5[%dma_start3A_119, %dma_start3A_120, %dma_start3A_121] : memref<2x32x128xf32, #tpu.memory_space<vmem>> -> memref<1x32x128xf32, #tpu.memory_space<vmem>>
      %dma_start3A_123 = tpu.memref_squeeze %dma_start3A_122 : memref<1x32x128xf32, #tpu.memory_space<vmem>> -> memref<32x128xf32, #tpu.memory_space<vmem>>
      %dma_start3A_124 = arith.constant 0 : i32
      %dma_start3A_125 = tpu.memref_slice %arg2[%dma_start3A_124, %mul3A_118] : memref<32x1000000xf32, #tpu.memory_space<hbm>> -> memref<32x128xf32, #tpu.memory_space<hbm>>
      %dma_start3A_126 = arith.constant 0 : i32
      %dma_start3A_127 = arith.constant 0 : i32
      %dma_start3A_128 = tpu.memref_slice %arg5[%dma_start3A_119, %dma_start3A_126, %dma_start3A_127] : memref<2x32x128xf32, #tpu.memory_space<vmem>> -> memref<1x32x128xf32, #tpu.memory_space<vmem>>
      %dma_start3A_129 = tpu.memref_squeeze %dma_start3A_128 : memref<1x32x128xf32, #tpu.memory_space<vmem>> -> memref<32x128xf32, #tpu.memory_space<vmem>>
      %dma_start3A_130 = arith.constant 0 : i32
      %dma_start3A_131 = tpu.memref_slice %arg2[%dma_start3A_130, %mul3A_118] : memref<32x1000000xf32, #tpu.memory_space<hbm>> -> memref<32x128xf32, #tpu.memory_space<hbm>>
      tpu.enqueue_dma source(%dma_start3A_131 : memref<32x128xf32, #tpu.memory_space<hbm>>) target(%dma_start3A_129 : memref<32x128xf32, #tpu.memory_space<vmem>>) target_semaphore(%arg8 : memref<!tpu.dma_semaphore, #tpu.memory_space<semaphore_mem>>)
      %dma_wait3A_132 = arith.constant 0 : i32
      %dma_wait3A_133 = arith.constant 0 : i32
      %dma_wait3A_134 = arith.constant 0 : i32
      %dma_wait3A_135 = tpu.memref_slice %arg5[%dma_wait3A_132, %dma_wait3A_133, %dma_wait3A_134] : memref<2x32x128xf32, #tpu.memory_space<vmem>> -> memref<1x32x128xf32, #tpu.memory_space<vmem>>
      %dma_wait3A_136 = tpu.memref_squeeze %dma_wait3A_135 : memref<1x32x128xf32, #tpu.memory_space<vmem>> -> memref<32x128xf32, #tpu.memory_space<vmem>>
      %dma_wait3A_137 = arith.constant 0 : i32
      %dma_wait3A_138 = arith.constant 0 : i32
      %dma_wait3A_139 = tpu.memref_slice %arg2[%dma_wait3A_137, %dma_wait3A_138] : memref<32x1000000xf32, #tpu.memory_space<hbm>> -> memref<32x128xf32, #tpu.memory_space<hbm>>
      %dma_wait3A_140 = arith.constant 0 : i32
      %dma_wait3A_141 = arith.constant 0 : i32
      %dma_wait3A_142 = tpu.memref_slice %arg5[%dma_wait3A_132, %dma_wait3A_140, %dma_wait3A_141] : memref<2x32x128xf32, #tpu.memory_space<vmem>> -> memref<1x32x128xf32, #tpu.memory_space<vmem>>
      %dma_wait3A_143 = tpu.memref_squeeze %dma_wait3A_142 : memref<1x32x128xf32, #tpu.memory_space<vmem>> -> memref<32x128xf32, #tpu.memory_space<vmem>>
      %dma_wait3A_144 = arith.constant 0 : i32
      %dma_wait3A_145 = arith.constant 0 : i32
      %dma_wait3A_146 = tpu.memref_slice %arg2[%dma_wait3A_144, %dma_wait3A_145] : memref<32x1000000xf32, #tpu.memory_space<hbm>> -> memref<32x128xf32, #tpu.memory_space<hbm>>
      tpu.wait_dma2 semaphore(%arg7 : memref<!tpu.dma_semaphore, #tpu.memory_space<semaphore_mem>>) src(%dma_wait3A_146 : memref<32x128xf32, #tpu.memory_space<hbm>>) dst(%dma_wait3A_143 : memref<32x128xf32, #tpu.memory_space<vmem>>)
      %ge3A = arith.constant 1 : i32
      %ge3A_147 = arith.cmpi sge, %scan3A_109, %ge3A : i32
      %convert_element_type3A_148 = arith.extui %ge3A_147 : i1 to i32
      %cond3A_149 = arith.constant 0 : i32
      %cond3A_150 = arith.cmpi ne, %convert_element_type3A_148, %cond3A_149 : i32
      scf.if %cond3A_150 {
        %dma_wait3A_226 = arith.constant 0 : i32
        %dma_wait3A_227 = arith.constant 0 : i32
        %dma_wait3A_228 = arith.constant 0 : i32
        %dma_wait3A_229 = tpu.memref_slice %arg6[%dma_wait3A_226, %dma_wait3A_227, %dma_wait3A_228] : memref<2x32x128xf32, #tpu.memory_space<vmem>> -> memref<1x32x128xf32, #tpu.memory_space<vmem>>
        %dma_wait3A_230 = tpu.memref_squeeze %dma_wait3A_229 : memref<1x32x128xf32, #tpu.memory_space<vmem>> -> memref<32x128xf32, #tpu.memory_space<vmem>>
        %dma_wait3A_231 = arith.constant 0 : i32
        %dma_wait3A_232 = arith.constant 0 : i32
        %dma_wait3A_233 = tpu.memref_slice %arg4[%dma_wait3A_231, %dma_wait3A_232] : memref<250000x128xf32, #tpu.memory_space<hbm>> -> memref<32x128xf32, #tpu.memory_space<hbm>>
        %dma_wait3A_234 = arith.constant 0 : i32
        %dma_wait3A_235 = arith.constant 0 : i32
        %dma_wait3A_236 = tpu.memref_slice %arg4[%dma_wait3A_234, %dma_wait3A_235] : memref<250000x128xf32, #tpu.memory_space<hbm>> -> memref<32x128xf32, #tpu.memory_space<hbm>>
        %dma_wait3A_237 = arith.constant 0 : i32
        %dma_wait3A_238 = arith.constant 0 : i32
        %dma_wait3A_239 = tpu.memref_slice %arg6[%dma_wait3A_226, %dma_wait3A_237, %dma_wait3A_238] : memref<2x32x128xf32, #tpu.memory_space<vmem>> -> memref<1x32x128xf32, #tpu.memory_space<vmem>>
        %dma_wait3A_240 = tpu.memref_squeeze %dma_wait3A_239 : memref<1x32x128xf32, #tpu.memory_space<vmem>> -> memref<32x128xf32, #tpu.memory_space<vmem>>
        tpu.wait_dma2 semaphore(%arg9 : memref<!tpu.dma_semaphore, #tpu.memory_space<semaphore_mem>>) src(%dma_wait3A_240 : memref<32x128xf32, #tpu.memory_space<vmem>>) dst(%dma_wait3A_236 : memref<32x128xf32, #tpu.memory_space<hbm>>)
      } else {
      }
      %scan3A_151 = arith.constant 0 : i32
      %scan3A_152 = arith.constant 0 : i32
      %scan3A_153 = arith.constant 32 : i32
      %scan3A_154 = arith.addi %scan3A_152, %scan3A_153 : i32
      %scan3A_155 = arith.constant 1 : i32
      scf.for %scan3A_226 = %scan3A_152 to %scan3A_154 step %scan3A_155  : i32 {
        %and3A_227 = arith.constant 15 : i32
        %and3A_228 = arith.andi %scan3A_226, %and3A_227 : i32
        %add3A_229 = vector.broadcast %and3A_228 : i32 to vector<16xi32>
        %add3A_230 = arith.addi %iota3A, %add3A_229 : vector<16xi32>
        %and3A_231 = arith.constant 15 : i32
        %and3A_232 = vector.broadcast %and3A_231 : i32 to vector<16xi32>
        %and3A_233 = arith.andi %add3A_230, %and3A_232 : vector<16xi32>
        %shift_right_arithmetic3A_234 = arith.constant 4 : i32
        %shift_right_arithmetic3A_235 = arith.shrsi %scan3A_226, %shift_right_arithmetic3A_234 : i32
        %shift_left3A = arith.constant 4 : i32
        %shift_left3A_236 = arith.shli %shift_right_arithmetic3A_235, %shift_left3A : i32
        %or3A_237 = vector.broadcast %shift_left3A_236 : i32 to vector<16xi32>
        %or3A_238 = arith.ori %and3A_233, %or3A_237 : vector<16xi32>
        %add3A_239 = arith.addi %mul3A_52, %or3A_238 : vector<16xi32>
        %add3A_240 = arith.constant 0 : i32
        %add3A_241 = vector.broadcast %add3A_240 : i32 to vector<16xi32>
        %add3A_242 = arith.addi %iota3A, %add3A_241 : vector<16xi32>
        %gather3A = arith.constant 0 : i32
        %gather3A_243 = arith.constant 0 : i32
        %gather3A_244 = arith.constant 0 : i32
        %gather3A_245 = tpu.memref_slice %arg5[%gather3A, %gather3A_243, %gather3A_244] : memref<2x32x128xf32, #tpu.memory_space<vmem>> -> memref<1x32x128xf32, #tpu.memory_space<vmem>>
        %gather3A_246 = tpu.memref_squeeze %gather3A_245 : memref<1x32x128xf32, #tpu.memory_space<vmem>> -> memref<32x128xf32, #tpu.memory_space<vmem>>
        %gather3A_247 = tpu.vector_load_idx %gather3A_246[%or3A_238, %add3A_242] : memref<32x128xf32, #tpu.memory_space<vmem>>[vector<16xi32>, vector<16xi32>], vector<16xf32>,
        %scatter3A = arith.constant 0 : i32
        %scatter3A_248 = arith.constant 0 : i32
        %scatter3A_249 = arith.constant 0 : i32
        %scatter3A_250 = tpu.memref_slice %arg6[%scatter3A, %scatter3A_248, %scatter3A_249] : memref<2x32x128xf32, #tpu.memory_space<vmem>> -> memref<1x32x128xf32, #tpu.memory_space<vmem>>
        %scatter3A_251 = tpu.memref_squeeze %scatter3A_250 : memref<1x32x128xf32, #tpu.memory_space<vmem>> -> memref<32x128xf32, #tpu.memory_space<vmem>>
        tpu.vector_store_idx %scatter3A_251[%shift_right_arithmetic3A_5, %add3A_239], %gather3A_247 : memref<32x128xf32, #tpu.memory_space<vmem>>[vector<16xi32>, vector<16xi32>], vector<16xf32>,
        %add3A_252 = arith.constant 16 : i32
        %add3A_253 = vector.broadcast %add3A_252 : i32 to vector<16xi32>
        %add3A_254 = arith.addi %iota3A, %add3A_253 : vector<16xi32>
        %gather3A_255 = arith.constant 0 : i32
        %gather3A_256 = arith.constant 0 : i32
        %gather3A_257 = arith.constant 0 : i32
        %gather3A_258 = tpu.memref_slice %arg5[%gather3A_255, %gather3A_256, %gather3A_257] : memref<2x32x128xf32, #tpu.memory_space<vmem>> -> memref<1x32x128xf32, #tpu.memory_space<vmem>>
        %gather3A_259 = tpu.memref_squeeze %gather3A_258 : memref<1x32x128xf32, #tpu.memory_space<vmem>> -> memref<32x128xf32, #tpu.memory_space<vmem>>
        %gather3A_260 = tpu.vector_load_idx %gather3A_259[%or3A_238, %add3A_254] : memref<32x128xf32, #tpu.memory_space<vmem>>[vector<16xi32>, vector<16xi32>], vector<16xf32>,
        %scatter3A_261 = arith.constant 0 : i32
        %scatter3A_262 = arith.constant 0 : i32
        %scatter3A_263 = arith.constant 0 : i32
        %scatter3A_264 = tpu.memref_slice %arg6[%scatter3A_261, %scatter3A_262, %scatter3A_263] : memref<2x32x128xf32, #tpu.memory_space<vmem>> -> memref<1x32x128xf32, #tpu.memory_space<vmem>>
        %scatter3A_265 = tpu.memref_squeeze %scatter3A_264 : memref<1x32x128xf32, #tpu.memory_space<vmem>> -> memref<32x128xf32, #tpu.memory_space<vmem>>
        tpu.vector_store_idx %scatter3A_265[%shift_right_arithmetic3A_11, %add3A_239], %gather3A_260 : memref<32x128xf32, #tpu.memory_space<vmem>>[vector<16xi32>, vector<16xi32>], vector<16xf32>,
        %add3A_266 = arith.constant 32 : i32
        %add3A_267 = vector.broadcast %add3A_266 : i32 to vector<16xi32>
        %add3A_268 = arith.addi %iota3A, %add3A_267 : vector<16xi32>
        %gather3A_269 = arith.constant 0 : i32
        %gather3A_270 = arith.constant 0 : i32
        %gather3A_271 = arith.constant 0 : i32
        %gather3A_272 = tpu.memref_slice %arg5[%gather3A_269, %gather3A_270, %gather3A_271] : memref<2x32x128xf32, #tpu.memory_space<vmem>> -> memref<1x32x128xf32, #tpu.memory_space<vmem>>
        %gather3A_273 = tpu.memref_squeeze %gather3A_272 : memref<1x32x128xf32, #tpu.memory_space<vmem>> -> memref<32x128xf32, #tpu.memory_space<vmem>>
        %gather3A_274 = tpu.vector_load_idx %gather3A_273[%or3A_238, %add3A_268] : memref<32x128xf32, #tpu.memory_space<vmem>>[vector<16xi32>, vector<16xi32>], vector<16xf32>,
        %scatter3A_275 = arith.constant 0 : i32
        %scatter3A_276 = arith.constant 0 : i32
        %scatter3A_277 = arith.constant 0 : i32
        %scatter3A_278 = tpu.memref_slice %arg6[%scatter3A_275, %scatter3A_276, %scatter3A_277] : memref<2x32x128xf32, #tpu.memory_space<vmem>> -> memref<1x32x128xf32, #tpu.memory_space<vmem>>
        %scatter3A_279 = tpu.memref_squeeze %scatter3A_278 : memref<1x32x128xf32, #tpu.memory_space<vmem>> -> memref<32x128xf32, #tpu.memory_space<vmem>>
        tpu.vector_store_idx %scatter3A_279[%shift_right_arithmetic3A_17, %add3A_239], %gather3A_274 : memref<32x128xf32, #tpu.memory_space<vmem>>[vector<16xi32>, vector<16xi32>], vector<16xf32>,
        %add3A_280 = arith.constant 48 : i32
        %add3A_281 = vector.broadcast %add3A_280 : i32 to vector<16xi32>
        %add3A_282 = arith.addi %iota3A, %add3A_281 : vector<16xi32>
        %gather3A_283 = arith.constant 0 : i32
        %gather3A_284 = arith.constant 0 : i32
        %gather3A_285 = arith.constant 0 : i32
        %gather3A_286 = tpu.memref_slice %arg5[%gather3A_283, %gather3A_284, %gather3A_285] : memref<2x32x128xf32, #tpu.memory_space<vmem>> -> memref<1x32x128xf32, #tpu.memory_space<vmem>>
        %gather3A_287 = tpu.memref_squeeze %gather3A_286 : memref<1x32x128xf32, #tpu.memory_space<vmem>> -> memref<32x128xf32, #tpu.memory_space<vmem>>
        %gather3A_288 = tpu.vector_load_idx %gather3A_287[%or3A_238, %add3A_282] : memref<32x128xf32, #tpu.memory_space<vmem>>[vector<16xi32>, vector<16xi32>], vector<16xf32>,
        %scatter3A_289 = arith.constant 0 : i32
        %scatter3A_290 = arith.constant 0 : i32
        %scatter3A_291 = arith.constant 0 : i32
        %scatter3A_292 = tpu.memref_slice %arg6[%scatter3A_289, %scatter3A_290, %scatter3A_291] : memref<2x32x128xf32, #tpu.memory_space<vmem>> -> memref<1x32x128xf32, #tpu.memory_space<vmem>>
        %scatter3A_293 = tpu.memref_squeeze %scatter3A_292 : memref<1x32x128xf32, #tpu.memory_space<vmem>> -> memref<32x128xf32, #tpu.memory_space<vmem>>
        tpu.vector_store_idx %scatter3A_293[%shift_right_arithmetic3A_23, %add3A_239], %gather3A_288 : memref<32x128xf32, #tpu.memory_space<vmem>>[vector<16xi32>, vector<16xi32>], vector<16xf32>,
        %add3A_294 = arith.constant 64 : i32
        %add3A_295 = vector.broadcast %add3A_294 : i32 to vector<16xi32>
        %add3A_296 = arith.addi %iota3A, %add3A_295 : vector<16xi32>
        %gather3A_297 = arith.constant 0 : i32
        %gather3A_298 = arith.constant 0 : i32
        %gather3A_299 = arith.constant 0 : i32
        %gather3A_300 = tpu.memref_slice %arg5[%gather3A_297, %gather3A_298, %gather3A_299] : memref<2x32x128xf32, #tpu.memory_space<vmem>> -> memref<1x32x128xf32, #tpu.memory_space<vmem>>
        %gather3A_301 = tpu.memref_squeeze %gather3A_300 : memref<1x32x128xf32, #tpu.memory_space<vmem>> -> memref<32x128xf32, #tpu.memory_space<vmem>>
        %gather3A_302 = tpu.vector_load_idx %gather3A_301[%or3A_238, %add3A_296] : memref<32x128xf32, #tpu.memory_space<vmem>>[vector<16xi32>, vector<16xi32>], vector<16xf32>,
        %scatter3A_303 = arith.constant 0 : i32
        %scatter3A_304 = arith.constant 0 : i32
        %scatter3A_305 = arith.constant 0 : i32
        %scatter3A_306 = tpu.memref_slice %arg6[%scatter3A_303, %scatter3A_304, %scatter3A_305] : memref<2x32x128xf32, #tpu.memory_space<vmem>> -> memref<1x32x128xf32, #tpu.memory_space<vmem>>
        %scatter3A_307 = tpu.memref_squeeze %scatter3A_306 : memref<1x32x128xf32, #tpu.memory_space<vmem>> -> memref<32x128xf32, #tpu.memory_space<vmem>>
        tpu.vector_store_idx %scatter3A_307[%shift_right_arithmetic3A_29, %add3A_239], %gather3A_302 : memref<32x128xf32, #tpu.memory_space<vmem>>[vector<16xi32>, vector<16xi32>], vector<16xf32>,
        %add3A_308 = arith.constant 80 : i32
        %add3A_309 = vector.broadcast %add3A_308 : i32 to vector<16xi32>
        %add3A_310 = arith.addi %iota3A, %add3A_309 : vector<16xi32>
        %gather3A_311 = arith.constant 0 : i32
        %gather3A_312 = arith.constant 0 : i32
        %gather3A_313 = arith.constant 0 : i32
        %gather3A_314 = tpu.memref_slice %arg5[%gather3A_311, %gather3A_312, %gather3A_313] : memref<2x32x128xf32, #tpu.memory_space<vmem>> -> memref<1x32x128xf32, #tpu.memory_space<vmem>>
        %gather3A_315 = tpu.memref_squeeze %gather3A_314 : memref<1x32x128xf32, #tpu.memory_space<vmem>> -> memref<32x128xf32, #tpu.memory_space<vmem>>
        %gather3A_316 = tpu.vector_load_idx %gather3A_315[%or3A_238, %add3A_310] : memref<32x128xf32, #tpu.memory_space<vmem>>[vector<16xi32>, vector<16xi32>], vector<16xf32>,
        %scatter3A_317 = arith.constant 0 : i32
        %scatter3A_318 = arith.constant 0 : i32
        %scatter3A_319 = arith.constant 0 : i32
        %scatter3A_320 = tpu.memref_slice %arg6[%scatter3A_317, %scatter3A_318, %scatter3A_319] : memref<2x32x128xf32, #tpu.memory_space<vmem>> -> memref<1x32x128xf32, #tpu.memory_space<vmem>>
        %scatter3A_321 = tpu.memref_squeeze %scatter3A_320 : memref<1x32x128xf32, #tpu.memory_space<vmem>> -> memref<32x128xf32, #tpu.memory_space<vmem>>
        tpu.vector_store_idx %scatter3A_321[%shift_right_arithmetic3A_35, %add3A_239], %gather3A_316 : memref<32x128xf32, #tpu.memory_space<vmem>>[vector<16xi32>, vector<16xi32>], vector<16xf32>,
        %add3A_322 = arith.constant 96 : i32
        %add3A_323 = vector.broadcast %add3A_322 : i32 to vector<16xi32>
        %add3A_324 = arith.addi %iota3A, %add3A_323 : vector<16xi32>
        %gather3A_325 = arith.constant 0 : i32
        %gather3A_326 = arith.constant 0 : i32
        %gather3A_327 = arith.constant 0 : i32
        %gather3A_328 = tpu.memref_slice %arg5[%gather3A_325, %gather3A_326, %gather3A_327] : memref<2x32x128xf32, #tpu.memory_space<vmem>> -> memref<1x32x128xf32, #tpu.memory_space<vmem>>
        %gather3A_329 = tpu.memref_squeeze %gather3A_328 : memref<1x32x128xf32, #tpu.memory_space<vmem>> -> memref<32x128xf32, #tpu.memory_space<vmem>>
        %gather3A_330 = tpu.vector_load_idx %gather3A_329[%or3A_238, %add3A_324] : memref<32x128xf32, #tpu.memory_space<vmem>>[vector<16xi32>, vector<16xi32>], vector<16xf32>,
        %scatter3A_331 = arith.constant 0 : i32
        %scatter3A_332 = arith.constant 0 : i32
        %scatter3A_333 = arith.constant 0 : i32
        %scatter3A_334 = tpu.memref_slice %arg6[%scatter3A_331, %scatter3A_332, %scatter3A_333] : memref<2x32x128xf32, #tpu.memory_space<vmem>> -> memref<1x32x128xf32, #tpu.memory_space<vmem>>
        %scatter3A_335 = tpu.memref_squeeze %scatter3A_334 : memref<1x32x128xf32, #tpu.memory_space<vmem>> -> memref<32x128xf32, #tpu.memory_space<vmem>>
        tpu.vector_store_idx %scatter3A_335[%shift_right_arithmetic3A_41, %add3A_239], %gather3A_330 : memref<32x128xf32, #tpu.memory_space<vmem>>[vector<16xi32>, vector<16xi32>], vector<16xf32>,
        %add3A_336 = arith.constant 112 : i32
        %add3A_337 = vector.broadcast %add3A_336 : i32 to vector<16xi32>
        %add3A_338 = arith.addi %iota3A, %add3A_337 : vector<16xi32>
        %gather3A_339 = arith.constant 0 : i32
        %gather3A_340 = arith.constant 0 : i32
        %gather3A_341 = arith.constant 0 : i32
        %gather3A_342 = tpu.memref_slice %arg5[%gather3A_339, %gather3A_340, %gather3A_341] : memref<2x32x128xf32, #tpu.memory_space<vmem>> -> memref<1x32x128xf32, #tpu.memory_space<vmem>>
        %gather3A_343 = tpu.memref_squeeze %gather3A_342 : memref<1x32x128xf32, #tpu.memory_space<vmem>> -> memref<32x128xf32, #tpu.memory_space<vmem>>
        %gather3A_344 = tpu.vector_load_idx %gather3A_343[%or3A_238, %add3A_338] : memref<32x128xf32, #tpu.memory_space<vmem>>[vector<16xi32>, vector<16xi32>], vector<16xf32>,
        %scatter3A_345 = arith.constant 0 : i32
        %scatter3A_346 = arith.constant 0 : i32
        %scatter3A_347 = arith.constant 0 : i32
        %scatter3A_348 = tpu.memref_slice %arg6[%scatter3A_345, %scatter3A_346, %scatter3A_347] : memref<2x32x128xf32, #tpu.memory_space<vmem>> -> memref<1x32x128xf32, #tpu.memory_space<vmem>>
        %scatter3A_349 = tpu.memref_squeeze %scatter3A_348 : memref<1x32x128xf32, #tpu.memory_space<vmem>> -> memref<32x128xf32, #tpu.memory_space<vmem>>
        tpu.vector_store_idx %scatter3A_349[%shift_right_arithmetic3A_47, %add3A_239], %gather3A_344 : memref<32x128xf32, #tpu.memory_space<vmem>>[vector<16xi32>, vector<16xi32>], vector<16xf32>,
      }
      %scan3A_156 = arith.constant 32 : i32
      %mul3A_157 = arith.constant 32 : i32
      %mul3A_158 = arith.muli %mul3A_157, %mul3A_111 : i32
      %add3A_159 = arith.addi %add3A, %mul3A_158 : i32
      %mul3A_160 = arith.constant 32 : i32
      %mul3A_161 = arith.muli %add3A_159, %mul3A_160 : i32
      %dma_start3A_162 = arith.constant 0 : i32
      %dma_start3A_163 = arith.constant 0 : i32
      %dma_start3A_164 = arith.constant 0 : i32
      %dma_start3A_165 = tpu.memref_slice %arg6[%dma_start3A_162, %dma_start3A_163, %dma_start3A_164] : memref<2x32x128xf32, #tpu.memory_space<vmem>> -> memref<1x32x128xf32, #tpu.memory_space<vmem>>
      %dma_start3A_166 = tpu.memref_squeeze %dma_start3A_165 : memref<1x32x128xf32, #tpu.memory_space<vmem>> -> memref<32x128xf32, #tpu.memory_space<vmem>>
      %dma_start3A_167 = arith.constant 0 : i32
      %dma_start3A_168 = tpu.memref_slice %arg4[%mul3A_161, %dma_start3A_167] : memref<250000x128xf32, #tpu.memory_space<hbm>> -> memref<32x128xf32, #tpu.memory_space<hbm>>
      %dma_start3A_169 = arith.constant 0 : i32
      %dma_start3A_170 = tpu.memref_slice %arg4[%mul3A_161, %dma_start3A_169] : memref<250000x128xf32, #tpu.memory_space<hbm>> -> memref<32x128xf32, #tpu.memory_space<hbm>>
      %dma_start3A_171 = arith.constant 0 : i32
      %dma_start3A_172 = arith.constant 0 : i32
      %dma_start3A_173 = tpu.memref_slice %arg6[%dma_start3A_162, %dma_start3A_171, %dma_start3A_172] : memref<2x32x128xf32, #tpu.memory_space<vmem>> -> memref<1x32x128xf32, #tpu.memory_space<vmem>>
      %dma_start3A_174 = tpu.memref_squeeze %dma_start3A_173 : memref<1x32x128xf32, #tpu.memory_space<vmem>> -> memref<32x128xf32, #tpu.memory_space<vmem>>
      tpu.enqueue_dma source(%dma_start3A_174 : memref<32x128xf32, #tpu.memory_space<vmem>>) target(%dma_start3A_170 : memref<32x128xf32, #tpu.memory_space<hbm>>) target_semaphore(%arg9 : memref<!tpu.dma_semaphore, #tpu.memory_space<semaphore_mem>>)
      %lt3A_175 = arith.constant 121 : i32
      %lt3A_176 = arith.cmpi slt, %scan3A_109, %lt3A_175 : i32
      %or3A = arith.ori %lt3A_176, %lt3A_53 : i1
      %convert_element_type3A_177 = arith.extui %or3A : i1 to i32
      %cond3A_178 = arith.constant 0 : i32
      %cond3A_179 = arith.cmpi ne, %convert_element_type3A_177, %cond3A_178 : i32
      scf.if %cond3A_179 {
        %add3A_226 = arith.constant 2 : i32
        %add3A_227 = arith.addi %mul3A_111, %add3A_226 : i32
        %mul3A_228 = arith.constant 32 : i32
        %mul3A_229 = arith.muli %mul3A_228, %add3A_227 : i32
        %add3A_230 = arith.addi %add3A, %mul3A_229 : i32
        %mul3A_231 = arith.constant 128 : i32
        %mul3A_232 = arith.muli %add3A_230, %mul3A_231 : i32
        %dma_start3A_233 = arith.constant 0 : i32
        %dma_start3A_234 = arith.constant 0 : i32
        %dma_start3A_235 = arith.constant 0 : i32
        %dma_start3A_236 = tpu.memref_slice %arg5[%dma_start3A_233, %dma_start3A_234, %dma_start3A_235] : memref<2x32x128xf32, #tpu.memory_space<vmem>> -> memref<1x32x128xf32, #tpu.memory_space<vmem>>
        %dma_start3A_237 = tpu.memref_squeeze %dma_start3A_236 : memref<1x32x128xf32, #tpu.memory_space<vmem>> -> memref<32x128xf32, #tpu.memory_space<vmem>>
        %dma_start3A_238 = arith.constant 0 : i32
        %dma_start3A_239 = tpu.memref_slice %arg2[%dma_start3A_238, %mul3A_232] : memref<32x1000000xf32, #tpu.memory_space<hbm>> -> memref<32x128xf32, #tpu.memory_space<hbm>>
        %dma_start3A_240 = arith.constant 0 : i32
        %dma_start3A_241 = arith.constant 0 : i32
        %dma_start3A_242 = tpu.memref_slice %arg5[%dma_start3A_233, %dma_start3A_240, %dma_start3A_241] : memref<2x32x128xf32, #tpu.memory_space<vmem>> -> memref<1x32x128xf32, #tpu.memory_space<vmem>>
        %dma_start3A_243 = tpu.memref_squeeze %dma_start3A_242 : memref<1x32x128xf32, #tpu.memory_space<vmem>> -> memref<32x128xf32, #tpu.memory_space<vmem>>
        %dma_start3A_244 = arith.constant 0 : i32
        %dma_start3A_245 = tpu.memref_slice %arg2[%dma_start3A_244, %mul3A_232] : memref<32x1000000xf32, #tpu.memory_space<hbm>> -> memref<32x128xf32, #tpu.memory_space<hbm>>
        tpu.enqueue_dma source(%dma_start3A_245 : memref<32x128xf32, #tpu.memory_space<hbm>>) target(%dma_start3A_243 : memref<32x128xf32, #tpu.memory_space<vmem>>) target_semaphore(%arg7 : memref<!tpu.dma_semaphore, #tpu.memory_space<semaphore_mem>>)
      } else {
      }
      %dma_wait3A_180 = arith.constant 1 : i32
      %dma_wait3A_181 = arith.constant 0 : i32
      %dma_wait3A_182 = arith.constant 0 : i32
      %dma_wait3A_183 = tpu.memref_slice %arg5[%dma_wait3A_180, %dma_wait3A_181, %dma_wait3A_182] : memref<2x32x128xf32, #tpu.memory_space<vmem>> -> memref<1x32x128xf32, #tpu.memory_space<vmem>>
      %dma_wait3A_184 = tpu.memref_squeeze %dma_wait3A_183 : memref<1x32x128xf32, #tpu.memory_space<vmem>> -> memref<32x128xf32, #tpu.memory_space<vmem>>
      %dma_wait3A_185 = arith.constant 0 : i32
      %dma_wait3A_186 = arith.constant 0 : i32
      %dma_wait3A_187 = tpu.memref_slice %arg2[%dma_wait3A_185, %dma_wait3A_186] : memref<32x1000000xf32, #tpu.memory_space<hbm>> -> memref<32x128xf32, #tpu.memory_space<hbm>>
      %dma_wait3A_188 = arith.constant 0 : i32
      %dma_wait3A_189 = arith.constant 0 : i32
      %dma_wait3A_190 = tpu.memref_slice %arg5[%dma_wait3A_180, %dma_wait3A_188, %dma_wait3A_189] : memref<2x32x128xf32, #tpu.memory_space<vmem>> -> memref<1x32x128xf32, #tpu.memory_space<vmem>>
      %dma_wait3A_191 = tpu.memref_squeeze %dma_wait3A_190 : memref<1x32x128xf32, #tpu.memory_space<vmem>> -> memref<32x128xf32, #tpu.memory_space<vmem>>
      %dma_wait3A_192 = arith.constant 0 : i32
      %dma_wait3A_193 = arith.constant 0 : i32
      %dma_wait3A_194 = tpu.memref_slice %arg2[%dma_wait3A_192, %dma_wait3A_193] : memref<32x1000000xf32, #tpu.memory_space<hbm>> -> memref<32x128xf32, #tpu.memory_space<hbm>>
      tpu.wait_dma2 semaphore(%arg8 : memref<!tpu.dma_semaphore, #tpu.memory_space<semaphore_mem>>) src(%dma_wait3A_194 : memref<32x128xf32, #tpu.memory_space<hbm>>) dst(%dma_wait3A_191 : memref<32x128xf32, #tpu.memory_space<vmem>>)
      %ge3A_195 = arith.constant 1 : i32
      %ge3A_196 = arith.cmpi sge, %scan3A_109, %ge3A_195 : i32
      %convert_element_type3A_197 = arith.extui %ge3A_196 : i1 to i32
      %cond3A_198 = arith.constant 0 : i32
      %cond3A_199 = arith.cmpi ne, %convert_element_type3A_197, %cond3A_198 : i32
      scf.if %cond3A_199 {
        %dma_wait3A_226 = arith.constant 1 : i32
        %dma_wait3A_227 = arith.constant 0 : i32
        %dma_wait3A_228 = arith.constant 0 : i32
        %dma_wait3A_229 = tpu.memref_slice %arg6[%dma_wait3A_226, %dma_wait3A_227, %dma_wait3A_228] : memref<2x32x128xf32, #tpu.memory_space<vmem>> -> memref<1x32x128xf32, #tpu.memory_space<vmem>>
        %dma_wait3A_230 = tpu.memref_squeeze %dma_wait3A_229 : memref<1x32x128xf32, #tpu.memory_space<vmem>> -> memref<32x128xf32, #tpu.memory_space<vmem>>
        %dma_wait3A_231 = arith.constant 0 : i32
        %dma_wait3A_232 = arith.constant 0 : i32
        %dma_wait3A_233 = tpu.memref_slice %arg4[%dma_wait3A_231, %dma_wait3A_232] : memref<250000x128xf32, #tpu.memory_space<hbm>> -> memref<32x128xf32, #tpu.memory_space<hbm>>
        %dma_wait3A_234 = arith.constant 0 : i32
        %dma_wait3A_235 = arith.constant 0 : i32
        %dma_wait3A_236 = tpu.memref_slice %arg4[%dma_wait3A_234, %dma_wait3A_235] : memref<250000x128xf32, #tpu.memory_space<hbm>> -> memref<32x128xf32, #tpu.memory_space<hbm>>
        %dma_wait3A_237 = arith.constant 0 : i32
        %dma_wait3A_238 = arith.constant 0 : i32
        %dma_wait3A_239 = tpu.memref_slice %arg6[%dma_wait3A_226, %dma_wait3A_237, %dma_wait3A_238] : memref<2x32x128xf32, #tpu.memory_space<vmem>> -> memref<1x32x128xf32, #tpu.memory_space<vmem>>
        %dma_wait3A_240 = tpu.memref_squeeze %dma_wait3A_239 : memref<1x32x128xf32, #tpu.memory_space<vmem>> -> memref<32x128xf32, #tpu.memory_space<vmem>>
        tpu.wait_dma2 semaphore(%arg10 : memref<!tpu.dma_semaphore, #tpu.memory_space<semaphore_mem>>) src(%dma_wait3A_240 : memref<32x128xf32, #tpu.memory_space<vmem>>) dst(%dma_wait3A_236 : memref<32x128xf32, #tpu.memory_space<hbm>>)
      } else {
      }
      %scan3A_200 = arith.constant 0 : i32
      %scan3A_201 = arith.constant 0 : i32
      %scan3A_202 = arith.constant 32 : i32
      %scan3A_203 = arith.addi %scan3A_201, %scan3A_202 : i32
      %scan3A_204 = arith.constant 1 : i32
      scf.for %scan3A_226 = %scan3A_201 to %scan3A_203 step %scan3A_204  : i32 {
        %and3A_227 = arith.constant 15 : i32
        %and3A_228 = arith.andi %scan3A_226, %and3A_227 : i32
        %add3A_229 = vector.broadcast %and3A_228 : i32 to vector<16xi32>
        %add3A_230 = arith.addi %iota3A, %add3A_229 : vector<16xi32>
        %and3A_231 = arith.constant 15 : i32
        %and3A_232 = vector.broadcast %and3A_231 : i32 to vector<16xi32>
        %and3A_233 = arith.andi %add3A_230, %and3A_232 : vector<16xi32>
        %shift_right_arithmetic3A_234 = arith.constant 4 : i32
        %shift_right_arithmetic3A_235 = arith.shrsi %scan3A_226, %shift_right_arithmetic3A_234 : i32
        %shift_left3A = arith.constant 4 : i32
        %shift_left3A_236 = arith.shli %shift_right_arithmetic3A_235, %shift_left3A : i32
        %or3A_237 = vector.broadcast %shift_left3A_236 : i32 to vector<16xi32>
        %or3A_238 = arith.ori %and3A_233, %or3A_237 : vector<16xi32>
        %add3A_239 = arith.addi %mul3A_52, %or3A_238 : vector<16xi32>
        %add3A_240 = arith.constant 0 : i32
        %add3A_241 = vector.broadcast %add3A_240 : i32 to vector<16xi32>
        %add3A_242 = arith.addi %iota3A, %add3A_241 : vector<16xi32>
        %gather3A = arith.constant 1 : i32
        %gather3A_243 = arith.constant 0 : i32
        %gather3A_244 = arith.constant 0 : i32
        %gather3A_245 = tpu.memref_slice %arg5[%gather3A, %gather3A_243, %gather3A_244] : memref<2x32x128xf32, #tpu.memory_space<vmem>> -> memref<1x32x128xf32, #tpu.memory_space<vmem>>
        %gather3A_246 = tpu.memref_squeeze %gather3A_245 : memref<1x32x128xf32, #tpu.memory_space<vmem>> -> memref<32x128xf32, #tpu.memory_space<vmem>>
        %gather3A_247 = tpu.vector_load_idx %gather3A_246[%or3A_238, %add3A_242] : memref<32x128xf32, #tpu.memory_space<vmem>>[vector<16xi32>, vector<16xi32>], vector<16xf32>,
        %scatter3A = arith.constant 1 : i32
        %scatter3A_248 = arith.constant 0 : i32
        %scatter3A_249 = arith.constant 0 : i32
        %scatter3A_250 = tpu.memref_slice %arg6[%scatter3A, %scatter3A_248, %scatter3A_249] : memref<2x32x128xf32, #tpu.memory_space<vmem>> -> memref<1x32x128xf32, #tpu.memory_space<vmem>>
        %scatter3A_251 = tpu.memref_squeeze %scatter3A_250 : memref<1x32x128xf32, #tpu.memory_space<vmem>> -> memref<32x128xf32, #tpu.memory_space<vmem>>
        tpu.vector_store_idx %scatter3A_251[%shift_right_arithmetic3A_5, %add3A_239], %gather3A_247 : memref<32x128xf32, #tpu.memory_space<vmem>>[vector<16xi32>, vector<16xi32>], vector<16xf32>,
        %add3A_252 = arith.constant 16 : i32
        %add3A_253 = vector.broadcast %add3A_252 : i32 to vector<16xi32>
        %add3A_254 = arith.addi %iota3A, %add3A_253 : vector<16xi32>
        %gather3A_255 = arith.constant 1 : i32
        %gather3A_256 = arith.constant 0 : i32
        %gather3A_257 = arith.constant 0 : i32
        %gather3A_258 = tpu.memref_slice %arg5[%gather3A_255, %gather3A_256, %gather3A_257] : memref<2x32x128xf32, #tpu.memory_space<vmem>> -> memref<1x32x128xf32, #tpu.memory_space<vmem>>
        %gather3A_259 = tpu.memref_squeeze %gather3A_258 : memref<1x32x128xf32, #tpu.memory_space<vmem>> -> memref<32x128xf32, #tpu.memory_space<vmem>>
        %gather3A_260 = tpu.vector_load_idx %gather3A_259[%or3A_238, %add3A_254] : memref<32x128xf32, #tpu.memory_space<vmem>>[vector<16xi32>, vector<16xi32>], vector<16xf32>,
        %scatter3A_261 = arith.constant 1 : i32
        %scatter3A_262 = arith.constant 0 : i32
        %scatter3A_263 = arith.constant 0 : i32
        %scatter3A_264 = tpu.memref_slice %arg6[%scatter3A_261, %scatter3A_262, %scatter3A_263] : memref<2x32x128xf32, #tpu.memory_space<vmem>> -> memref<1x32x128xf32, #tpu.memory_space<vmem>>
        %scatter3A_265 = tpu.memref_squeeze %scatter3A_264 : memref<1x32x128xf32, #tpu.memory_space<vmem>> -> memref<32x128xf32, #tpu.memory_space<vmem>>
        tpu.vector_store_idx %scatter3A_265[%shift_right_arithmetic3A_11, %add3A_239], %gather3A_260 : memref<32x128xf32, #tpu.memory_space<vmem>>[vector<16xi32>, vector<16xi32>], vector<16xf32>,
        %add3A_266 = arith.constant 32 : i32
        %add3A_267 = vector.broadcast %add3A_266 : i32 to vector<16xi32>
        %add3A_268 = arith.addi %iota3A, %add3A_267 : vector<16xi32>
        %gather3A_269 = arith.constant 1 : i32
        %gather3A_270 = arith.constant 0 : i32
        %gather3A_271 = arith.constant 0 : i32
        %gather3A_272 = tpu.memref_slice %arg5[%gather3A_269, %gather3A_270, %gather3A_271] : memref<2x32x128xf32, #tpu.memory_space<vmem>> -> memref<1x32x128xf32, #tpu.memory_space<vmem>>
        %gather3A_273 = tpu.memref_squeeze %gather3A_272 : memref<1x32x128xf32, #tpu.memory_space<vmem>> -> memref<32x128xf32, #tpu.memory_space<vmem>>
        %gather3A_274 = tpu.vector_load_idx %gather3A_273[%or3A_238, %add3A_268] : memref<32x128xf32, #tpu.memory_space<vmem>>[vector<16xi32>, vector<16xi32>], vector<16xf32>,
        %scatter3A_275 = arith.constant 1 : i32
        %scatter3A_276 = arith.constant 0 : i32
        %scatter3A_277 = arith.constant 0 : i32
        %scatter3A_278 = tpu.memref_slice %arg6[%scatter3A_275, %scatter3A_276, %scatter3A_277] : memref<2x32x128xf32, #tpu.memory_space<vmem>> -> memref<1x32x128xf32, #tpu.memory_space<vmem>>
        %scatter3A_279 = tpu.memref_squeeze %scatter3A_278 : memref<1x32x128xf32, #tpu.memory_space<vmem>> -> memref<32x128xf32, #tpu.memory_space<vmem>>
        tpu.vector_store_idx %scatter3A_279[%shift_right_arithmetic3A_17, %add3A_239], %gather3A_274 : memref<32x128xf32, #tpu.memory_space<vmem>>[vector<16xi32>, vector<16xi32>], vector<16xf32>,
        %add3A_280 = arith.constant 48 : i32
        %add3A_281 = vector.broadcast %add3A_280 : i32 to vector<16xi32>
        %add3A_282 = arith.addi %iota3A, %add3A_281 : vector<16xi32>
        %gather3A_283 = arith.constant 1 : i32
        %gather3A_284 = arith.constant 0 : i32
        %gather3A_285 = arith.constant 0 : i32
        %gather3A_286 = tpu.memref_slice %arg5[%gather3A_283, %gather3A_284, %gather3A_285] : memref<2x32x128xf32, #tpu.memory_space<vmem>> -> memref<1x32x128xf32, #tpu.memory_space<vmem>>
        %gather3A_287 = tpu.memref_squeeze %gather3A_286 : memref<1x32x128xf32, #tpu.memory_space<vmem>> -> memref<32x128xf32, #tpu.memory_space<vmem>>
        %gather3A_288 = tpu.vector_load_idx %gather3A_287[%or3A_238, %add3A_282] : memref<32x128xf32, #tpu.memory_space<vmem>>[vector<16xi32>, vector<16xi32>], vector<16xf32>,
        %scatter3A_289 = arith.constant 1 : i32
        %scatter3A_290 = arith.constant 0 : i32
        %scatter3A_291 = arith.constant 0 : i32
        %scatter3A_292 = tpu.memref_slice %arg6[%scatter3A_289, %scatter3A_290, %scatter3A_291] : memref<2x32x128xf32, #tpu.memory_space<vmem>> -> memref<1x32x128xf32, #tpu.memory_space<vmem>>
        %scatter3A_293 = tpu.memref_squeeze %scatter3A_292 : memref<1x32x128xf32, #tpu.memory_space<vmem>> -> memref<32x128xf32, #tpu.memory_space<vmem>>
        tpu.vector_store_idx %scatter3A_293[%shift_right_arithmetic3A_23, %add3A_239], %gather3A_288 : memref<32x128xf32, #tpu.memory_space<vmem>>[vector<16xi32>, vector<16xi32>], vector<16xf32>,
        %add3A_294 = arith.constant 64 : i32
        %add3A_295 = vector.broadcast %add3A_294 : i32 to vector<16xi32>
        %add3A_296 = arith.addi %iota3A, %add3A_295 : vector<16xi32>
        %gather3A_297 = arith.constant 1 : i32
        %gather3A_298 = arith.constant 0 : i32
        %gather3A_299 = arith.constant 0 : i32
        %gather3A_300 = tpu.memref_slice %arg5[%gather3A_297, %gather3A_298, %gather3A_299] : memref<2x32x128xf32, #tpu.memory_space<vmem>> -> memref<1x32x128xf32, #tpu.memory_space<vmem>>
        %gather3A_301 = tpu.memref_squeeze %gather3A_300 : memref<1x32x128xf32, #tpu.memory_space<vmem>> -> memref<32x128xf32, #tpu.memory_space<vmem>>
        %gather3A_302 = tpu.vector_load_idx %gather3A_301[%or3A_238, %add3A_296] : memref<32x128xf32, #tpu.memory_space<vmem>>[vector<16xi32>, vector<16xi32>], vector<16xf32>,
        %scatter3A_303 = arith.constant 1 : i32
        %scatter3A_304 = arith.constant 0 : i32
        %scatter3A_305 = arith.constant 0 : i32
        %scatter3A_306 = tpu.memref_slice %arg6[%scatter3A_303, %scatter3A_304, %scatter3A_305] : memref<2x32x128xf32, #tpu.memory_space<vmem>> -> memref<1x32x128xf32, #tpu.memory_space<vmem>>
        %scatter3A_307 = tpu.memref_squeeze %scatter3A_306 : memref<1x32x128xf32, #tpu.memory_space<vmem>> -> memref<32x128xf32, #tpu.memory_space<vmem>>
        tpu.vector_store_idx %scatter3A_307[%shift_right_arithmetic3A_29, %add3A_239], %gather3A_302 : memref<32x128xf32, #tpu.memory_space<vmem>>[vector<16xi32>, vector<16xi32>], vector<16xf32>,
        %add3A_308 = arith.constant 80 : i32
        %add3A_309 = vector.broadcast %add3A_308 : i32 to vector<16xi32>
        %add3A_310 = arith.addi %iota3A, %add3A_309 : vector<16xi32>
        %gather3A_311 = arith.constant 1 : i32
        %gather3A_312 = arith.constant 0 : i32
        %gather3A_313 = arith.constant 0 : i32
        %gather3A_314 = tpu.memref_slice %arg5[%gather3A_311, %gather3A_312, %gather3A_313] : memref<2x32x128xf32, #tpu.memory_space<vmem>> -> memref<1x32x128xf32, #tpu.memory_space<vmem>>
        %gather3A_315 = tpu.memref_squeeze %gather3A_314 : memref<1x32x128xf32, #tpu.memory_space<vmem>> -> memref<32x128xf32, #tpu.memory_space<vmem>>
        %gather3A_316 = tpu.vector_load_idx %gather3A_315[%or3A_238, %add3A_310] : memref<32x128xf32, #tpu.memory_space<vmem>>[vector<16xi32>, vector<16xi32>], vector<16xf32>,
        %scatter3A_317 = arith.constant 1 : i32
        %scatter3A_318 = arith.constant 0 : i32
        %scatter3A_319 = arith.constant 0 : i32
        %scatter3A_320 = tpu.memref_slice %arg6[%scatter3A_317, %scatter3A_318, %scatter3A_319] : memref<2x32x128xf32, #tpu.memory_space<vmem>> -> memref<1x32x128xf32, #tpu.memory_space<vmem>>
        %scatter3A_321 = tpu.memref_squeeze %scatter3A_320 : memref<1x32x128xf32, #tpu.memory_space<vmem>> -> memref<32x128xf32, #tpu.memory_space<vmem>>
        tpu.vector_store_idx %scatter3A_321[%shift_right_arithmetic3A_35, %add3A_239], %gather3A_316 : memref<32x128xf32, #tpu.memory_space<vmem>>[vector<16xi32>, vector<16xi32>], vector<16xf32>,
        %add3A_322 = arith.constant 96 : i32
        %add3A_323 = vector.broadcast %add3A_322 : i32 to vector<16xi32>
        %add3A_324 = arith.addi %iota3A, %add3A_323 : vector<16xi32>
        %gather3A_325 = arith.constant 1 : i32
        %gather3A_326 = arith.constant 0 : i32
        %gather3A_327 = arith.constant 0 : i32
        %gather3A_328 = tpu.memref_slice %arg5[%gather3A_325, %gather3A_326, %gather3A_327] : memref<2x32x128xf32, #tpu.memory_space<vmem>> -> memref<1x32x128xf32, #tpu.memory_space<vmem>>
        %gather3A_329 = tpu.memref_squeeze %gather3A_328 : memref<1x32x128xf32, #tpu.memory_space<vmem>> -> memref<32x128xf32, #tpu.memory_space<vmem>>
        %gather3A_330 = tpu.vector_load_idx %gather3A_329[%or3A_238, %add3A_324] : memref<32x128xf32, #tpu.memory_space<vmem>>[vector<16xi32>, vector<16xi32>], vector<16xf32>,
        %scatter3A_331 = arith.constant 1 : i32
        %scatter3A_332 = arith.constant 0 : i32
        %scatter3A_333 = arith.constant 0 : i32
        %scatter3A_334 = tpu.memref_slice %arg6[%scatter3A_331, %scatter3A_332, %scatter3A_333] : memref<2x32x128xf32, #tpu.memory_space<vmem>> -> memref<1x32x128xf32, #tpu.memory_space<vmem>>
        %scatter3A_335 = tpu.memref_squeeze %scatter3A_334 : memref<1x32x128xf32, #tpu.memory_space<vmem>> -> memref<32x128xf32, #tpu.memory_space<vmem>>
        tpu.vector_store_idx %scatter3A_335[%shift_right_arithmetic3A_41, %add3A_239], %gather3A_330 : memref<32x128xf32, #tpu.memory_space<vmem>>[vector<16xi32>, vector<16xi32>], vector<16xf32>,
        %add3A_336 = arith.constant 112 : i32
        %add3A_337 = vector.broadcast %add3A_336 : i32 to vector<16xi32>
        %add3A_338 = arith.addi %iota3A, %add3A_337 : vector<16xi32>
        %gather3A_339 = arith.constant 1 : i32
        %gather3A_340 = arith.constant 0 : i32
        %gather3A_341 = arith.constant 0 : i32
        %gather3A_342 = tpu.memref_slice %arg5[%gather3A_339, %gather3A_340, %gather3A_341] : memref<2x32x128xf32, #tpu.memory_space<vmem>> -> memref<1x32x128xf32, #tpu.memory_space<vmem>>
        %gather3A_343 = tpu.memref_squeeze %gather3A_342 : memref<1x32x128xf32, #tpu.memory_space<vmem>> -> memref<32x128xf32, #tpu.memory_space<vmem>>
        %gather3A_344 = tpu.vector_load_idx %gather3A_343[%or3A_238, %add3A_338] : memref<32x128xf32, #tpu.memory_space<vmem>>[vector<16xi32>, vector<16xi32>], vector<16xf32>,
        %scatter3A_345 = arith.constant 1 : i32
        %scatter3A_346 = arith.constant 0 : i32
        %scatter3A_347 = arith.constant 0 : i32
        %scatter3A_348 = tpu.memref_slice %arg6[%scatter3A_345, %scatter3A_346, %scatter3A_347] : memref<2x32x128xf32, #tpu.memory_space<vmem>> -> memref<1x32x128xf32, #tpu.memory_space<vmem>>
        %scatter3A_349 = tpu.memref_squeeze %scatter3A_348 : memref<1x32x128xf32, #tpu.memory_space<vmem>> -> memref<32x128xf32, #tpu.memory_space<vmem>>
        tpu.vector_store_idx %scatter3A_349[%shift_right_arithmetic3A_47, %add3A_239], %gather3A_344 : memref<32x128xf32, #tpu.memory_space<vmem>>[vector<16xi32>, vector<16xi32>], vector<16xf32>,
      }
      %scan3A_205 = arith.constant 32 : i32
      %add3A_206 = arith.constant 1 : i32
      %add3A_207 = arith.addi %mul3A_111, %add3A_206 : i32
      %mul3A_208 = arith.constant 32 : i32
      %mul3A_209 = arith.muli %mul3A_208, %add3A_207 : i32
      %add3A_210 = arith.addi %add3A, %mul3A_209 : i32
      %mul3A_211 = arith.constant 32 : i32
      %mul3A_212 = arith.muli %add3A_210, %mul3A_211 : i32
      %dma_start3A_213 = arith.constant 1 : i32
      %dma_start3A_214 = arith.constant 0 : i32
      %dma_start3A_215 = arith.constant 0 : i32
      %dma_start3A_216 = tpu.memref_slice %arg6[%dma_start3A_213, %dma_start3A_214, %dma_start3A_215] : memref<2x32x128xf32, #tpu.memory_space<vmem>> -> memref<1x32x128xf32, #tpu.memory_space<vmem>>
      %dma_start3A_217 = tpu.memref_squeeze %dma_start3A_216 : memref<1x32x128xf32, #tpu.memory_space<vmem>> -> memref<32x128xf32, #tpu.memory_space<vmem>>
      %dma_start3A_218 = arith.constant 0 : i32
      %dma_start3A_219 = tpu.memref_slice %arg4[%mul3A_212, %dma_start3A_218] : memref<250000x128xf32, #tpu.memory_space<hbm>> -> memref<32x128xf32, #tpu.memory_space<hbm>>
      %dma_start3A_220 = arith.constant 0 : i32
      %dma_start3A_221 = tpu.memref_slice %arg4[%mul3A_212, %dma_start3A_220] : memref<250000x128xf32, #tpu.memory_space<hbm>> -> memref<32x128xf32, #tpu.memory_space<hbm>>
      %dma_start3A_222 = arith.constant 0 : i32
      %dma_start3A_223 = arith.constant 0 : i32
      %dma_start3A_224 = tpu.memref_slice %arg6[%dma_start3A_213, %dma_start3A_222, %dma_start3A_223] : memref<2x32x128xf32, #tpu.memory_space<vmem>> -> memref<1x32x128xf32, #tpu.memory_space<vmem>>
      %dma_start3A_225 = tpu.memref_squeeze %dma_start3A_224 : memref<1x32x128xf32, #tpu.memory_space<vmem>> -> memref<32x128xf32, #tpu.memory_space<vmem>>
      tpu.enqueue_dma source(%dma_start3A_225 : memref<32x128xf32, #tpu.memory_space<vmem>>) target(%dma_start3A_221 : memref<32x128xf32, #tpu.memory_space<hbm>>) target_semaphore(%arg10 : memref<!tpu.dma_semaphore, #tpu.memory_space<semaphore_mem>>)
    }
    %scan3A_74 = arith.constant 122 : i32
    %dma_wait3A = arith.constant 0 : i32
    %dma_wait3A_75 = arith.constant 0 : i32
    %dma_wait3A_76 = arith.constant 0 : i32
    %dma_wait3A_77 = tpu.memref_slice %arg6[%dma_wait3A, %dma_wait3A_75, %dma_wait3A_76] : memref<2x32x128xf32, #tpu.memory_space<vmem>> -> memref<1x32x128xf32, #tpu.memory_space<vmem>>
    %dma_wait3A_78 = tpu.memref_squeeze %dma_wait3A_77 : memref<1x32x128xf32, #tpu.memory_space<vmem>> -> memref<32x128xf32, #tpu.memory_space<vmem>>
    %dma_wait3A_79 = arith.constant 0 : i32
    %dma_wait3A_80 = arith.constant 0 : i32
    %dma_wait3A_81 = tpu.memref_slice %arg4[%dma_wait3A_79, %dma_wait3A_80] : memref<250000x128xf32, #tpu.memory_space<hbm>> -> memref<32x128xf32, #tpu.memory_space<hbm>>
    %dma_wait3A_82 = arith.constant 0 : i32
    %dma_wait3A_83 = arith.constant 0 : i32
    %dma_wait3A_84 = tpu.memref_slice %arg4[%dma_wait3A_82, %dma_wait3A_83] : memref<250000x128xf32, #tpu.memory_space<hbm>> -> memref<32x128xf32, #tpu.memory_space<hbm>>
    %dma_wait3A_85 = arith.constant 0 : i32
    %dma_wait3A_86 = arith.constant 0 : i32
    %dma_wait3A_87 = tpu.memref_slice %arg6[%dma_wait3A, %dma_wait3A_85, %dma_wait3A_86] : memref<2x32x128xf32, #tpu.memory_space<vmem>> -> memref<1x32x128xf32, #tpu.memory_space<vmem>>
    %dma_wait3A_88 = tpu.memref_squeeze %dma_wait3A_87 : memref<1x32x128xf32, #tpu.memory_space<vmem>> -> memref<32x128xf32, #tpu.memory_space<vmem>>
    tpu.wait_dma2 semaphore(%arg9 : memref<!tpu.dma_semaphore, #tpu.memory_space<semaphore_mem>>) src(%dma_wait3A_88 : memref<32x128xf32, #tpu.memory_space<vmem>>) dst(%dma_wait3A_84 : memref<32x128xf32, #tpu.memory_space<hbm>>)
    %dma_wait3A_89 = arith.constant 1 : i32
    %dma_wait3A_90 = arith.constant 0 : i32
    %dma_wait3A_91 = arith.constant 0 : i32
    %dma_wait3A_92 = tpu.memref_slice %arg6[%dma_wait3A_89, %dma_wait3A_90, %dma_wait3A_91] : memref<2x32x128xf32, #tpu.memory_space<vmem>> -> memref<1x32x128xf32, #tpu.memory_space<vmem>>
    %dma_wait3A_93 = tpu.memref_squeeze %dma_wait3A_92 : memref<1x32x128xf32, #tpu.memory_space<vmem>> -> memref<32x128xf32, #tpu.memory_space<vmem>>
    %dma_wait3A_94 = arith.constant 0 : i32
    %dma_wait3A_95 = arith.constant 0 : i32
    %dma_wait3A_96 = tpu.memref_slice %arg4[%dma_wait3A_94, %dma_wait3A_95] : memref<250000x128xf32, #tpu.memory_space<hbm>> -> memref<32x128xf32, #tpu.memory_space<hbm>>
    %dma_wait3A_97 = arith.constant 0 : i32
    %dma_wait3A_98 = arith.constant 0 : i32
    %dma_wait3A_99 = tpu.memref_slice %arg4[%dma_wait3A_97, %dma_wait3A_98] : memref<250000x128xf32, #tpu.memory_space<hbm>> -> memref<32x128xf32, #tpu.memory_space<hbm>>
    %dma_wait3A_100 = arith.constant 0 : i32
    %dma_wait3A_101 = arith.constant 0 : i32
    %dma_wait3A_102 = tpu.memref_slice %arg6[%dma_wait3A_89, %dma_wait3A_100, %dma_wait3A_101] : memref<2x32x128xf32, #tpu.memory_space<vmem>> -> memref<1x32x128xf32, #tpu.memory_space<vmem>>
    %dma_wait3A_103 = tpu.memref_squeeze %dma_wait3A_102 : memref<1x32x128xf32, #tpu.memory_space<vmem>> -> memref<32x128xf32, #tpu.memory_space<vmem>>
    tpu.wait_dma2 semaphore(%arg10 : memref<!tpu.dma_semaphore, #tpu.memory_space<semaphore_mem>>) src(%dma_wait3A_103 : memref<32x128xf32, #tpu.memory_space<vmem>>) dst(%dma_wait3A_99 : memref<32x128xf32, #tpu.memory_space<hbm>>)
    %convert_element_type3A = arith.extui %lt3A_53 : i1 to i32
    %cond3A = arith.constant 0 : i32
    %cond3A_104 = arith.cmpi ne, %convert_element_type3A, %cond3A : i32
    scf.if %cond3A_104 {
      %dma_wait3A_109 = arith.constant 0 : i32
      %dma_wait3A_110 = arith.constant 0 : i32
      %dma_wait3A_111 = arith.constant 0 : i32
      %dma_wait3A_112 = tpu.memref_slice %arg5[%dma_wait3A_109, %dma_wait3A_110, %dma_wait3A_111] : memref<2x32x128xf32, #tpu.memory_space<vmem>> -> memref<1x32x128xf32, #tpu.memory_space<vmem>>
      %dma_wait3A_113 = tpu.memref_squeeze %dma_wait3A_112 : memref<1x32x128xf32, #tpu.memory_space<vmem>> -> memref<32x128xf32, #tpu.memory_space<vmem>>
      %dma_wait3A_114 = arith.constant 0 : i32
      %dma_wait3A_115 = arith.constant 0 : i32
      %dma_wait3A_116 = tpu.memref_slice %arg2[%dma_wait3A_114, %dma_wait3A_115] : memref<32x1000000xf32, #tpu.memory_space<hbm>> -> memref<32x128xf32, #tpu.memory_space<hbm>>
      %dma_wait3A_117 = arith.constant 0 : i32
      %dma_wait3A_118 = arith.constant 0 : i32
      %dma_wait3A_119 = tpu.memref_slice %arg5[%dma_wait3A_109, %dma_wait3A_117, %dma_wait3A_118] : memref<2x32x128xf32, #tpu.memory_space<vmem>> -> memref<1x32x128xf32, #tpu.memory_space<vmem>>
      %dma_wait3A_120 = tpu.memref_squeeze %dma_wait3A_119 : memref<1x32x128xf32, #tpu.memory_space<vmem>> -> memref<32x128xf32, #tpu.memory_space<vmem>>
      %dma_wait3A_121 = arith.constant 0 : i32
      %dma_wait3A_122 = arith.constant 0 : i32
      %dma_wait3A_123 = tpu.memref_slice %arg2[%dma_wait3A_121, %dma_wait3A_122] : memref<32x1000000xf32, #tpu.memory_space<hbm>> -> memref<32x128xf32, #tpu.memory_space<hbm>>
      tpu.wait_dma2 semaphore(%arg7 : memref<!tpu.dma_semaphore, #tpu.memory_space<semaphore_mem>>) src(%dma_wait3A_123 : memref<32x128xf32, #tpu.memory_space<hbm>>) dst(%dma_wait3A_120 : memref<32x128xf32, #tpu.memory_space<vmem>>)
      %scan3A_124 = arith.constant 0 : i32
      %scan3A_125 = arith.constant 0 : i32
      %scan3A_126 = arith.constant 32 : i32
      %scan3A_127 = arith.addi %scan3A_125, %scan3A_126 : i32
      %scan3A_128 = arith.constant 1 : i32
      scf.for %scan3A_162 = %scan3A_125 to %scan3A_127 step %scan3A_128  : i32 {
        %and3A_163 = arith.constant 15 : i32
        %and3A_164 = arith.andi %scan3A_162, %and3A_163 : i32
        %add3A_165 = vector.broadcast %and3A_164 : i32 to vector<16xi32>
        %add3A_166 = arith.addi %iota3A, %add3A_165 : vector<16xi32>
        %and3A_167 = arith.constant 15 : i32
        %and3A_168 = vector.broadcast %and3A_167 : i32 to vector<16xi32>
        %and3A_169 = arith.andi %add3A_166, %and3A_168 : vector<16xi32>
        %shift_right_arithmetic3A_170 = arith.constant 4 : i32
        %shift_right_arithmetic3A_171 = arith.shrsi %scan3A_162, %shift_right_arithmetic3A_170 : i32
        %shift_left3A = arith.constant 4 : i32
        %shift_left3A_172 = arith.shli %shift_right_arithmetic3A_171, %shift_left3A : i32
        %or3A = vector.broadcast %shift_left3A_172 : i32 to vector<16xi32>
        %or3A_173 = arith.ori %and3A_169, %or3A : vector<16xi32>
        %add3A_174 = arith.addi %mul3A_52, %or3A_173 : vector<16xi32>
        %add3A_175 = arith.constant 0 : i32
        %add3A_176 = vector.broadcast %add3A_175 : i32 to vector<16xi32>
        %add3A_177 = arith.addi %iota3A, %add3A_176 : vector<16xi32>
        %gather3A = arith.constant 0 : i32
        %gather3A_178 = arith.constant 0 : i32
        %gather3A_179 = arith.constant 0 : i32
        %gather3A_180 = tpu.memref_slice %arg5[%gather3A, %gather3A_178, %gather3A_179] : memref<2x32x128xf32, #tpu.memory_space<vmem>> -> memref<1x32x128xf32, #tpu.memory_space<vmem>>
        %gather3A_181 = tpu.memref_squeeze %gather3A_180 : memref<1x32x128xf32, #tpu.memory_space<vmem>> -> memref<32x128xf32, #tpu.memory_space<vmem>>
        %gather3A_182 = tpu.vector_load_idx %gather3A_181[%or3A_173, %add3A_177] : memref<32x128xf32, #tpu.memory_space<vmem>>[vector<16xi32>, vector<16xi32>], vector<16xf32>,
        %scatter3A = arith.constant 0 : i32
        %scatter3A_183 = arith.constant 0 : i32
        %scatter3A_184 = arith.constant 0 : i32
        %scatter3A_185 = tpu.memref_slice %arg6[%scatter3A, %scatter3A_183, %scatter3A_184] : memref<2x32x128xf32, #tpu.memory_space<vmem>> -> memref<1x32x128xf32, #tpu.memory_space<vmem>>
        %scatter3A_186 = tpu.memref_squeeze %scatter3A_185 : memref<1x32x128xf32, #tpu.memory_space<vmem>> -> memref<32x128xf32, #tpu.memory_space<vmem>>
        tpu.vector_store_idx %scatter3A_186[%shift_right_arithmetic3A_5, %add3A_174], %gather3A_182 : memref<32x128xf32, #tpu.memory_space<vmem>>[vector<16xi32>, vector<16xi32>], vector<16xf32>,
        %add3A_187 = arith.constant 16 : i32
        %add3A_188 = vector.broadcast %add3A_187 : i32 to vector<16xi32>
        %add3A_189 = arith.addi %iota3A, %add3A_188 : vector<16xi32>
        %gather3A_190 = arith.constant 0 : i32
        %gather3A_191 = arith.constant 0 : i32
        %gather3A_192 = arith.constant 0 : i32
        %gather3A_193 = tpu.memref_slice %arg5[%gather3A_190, %gather3A_191, %gather3A_192] : memref<2x32x128xf32, #tpu.memory_space<vmem>> -> memref<1x32x128xf32, #tpu.memory_space<vmem>>
        %gather3A_194 = tpu.memref_squeeze %gather3A_193 : memref<1x32x128xf32, #tpu.memory_space<vmem>> -> memref<32x128xf32, #tpu.memory_space<vmem>>
        %gather3A_195 = tpu.vector_load_idx %gather3A_194[%or3A_173, %add3A_189] : memref<32x128xf32, #tpu.memory_space<vmem>>[vector<16xi32>, vector<16xi32>], vector<16xf32>,
        %scatter3A_196 = arith.constant 0 : i32
        %scatter3A_197 = arith.constant 0 : i32
        %scatter3A_198 = arith.constant 0 : i32
        %scatter3A_199 = tpu.memref_slice %arg6[%scatter3A_196, %scatter3A_197, %scatter3A_198] : memref<2x32x128xf32, #tpu.memory_space<vmem>> -> memref<1x32x128xf32, #tpu.memory_space<vmem>>
        %scatter3A_200 = tpu.memref_squeeze %scatter3A_199 : memref<1x32x128xf32, #tpu.memory_space<vmem>> -> memref<32x128xf32, #tpu.memory_space<vmem>>
        tpu.vector_store_idx %scatter3A_200[%shift_right_arithmetic3A_11, %add3A_174], %gather3A_195 : memref<32x128xf32, #tpu.memory_space<vmem>>[vector<16xi32>, vector<16xi32>], vector<16xf32>,
        %add3A_201 = arith.constant 32 : i32
        %add3A_202 = vector.broadcast %add3A_201 : i32 to vector<16xi32>
        %add3A_203 = arith.addi %iota3A, %add3A_202 : vector<16xi32>
        %gather3A_204 = arith.constant 0 : i32
        %gather3A_205 = arith.constant 0 : i32
        %gather3A_206 = arith.constant 0 : i32
        %gather3A_207 = tpu.memref_slice %arg5[%gather3A_204, %gather3A_205, %gather3A_206] : memref<2x32x128xf32, #tpu.memory_space<vmem>> -> memref<1x32x128xf32, #tpu.memory_space<vmem>>
        %gather3A_208 = tpu.memref_squeeze %gather3A_207 : memref<1x32x128xf32, #tpu.memory_space<vmem>> -> memref<32x128xf32, #tpu.memory_space<vmem>>
        %gather3A_209 = tpu.vector_load_idx %gather3A_208[%or3A_173, %add3A_203] : memref<32x128xf32, #tpu.memory_space<vmem>>[vector<16xi32>, vector<16xi32>], vector<16xf32>,
        %scatter3A_210 = arith.constant 0 : i32
        %scatter3A_211 = arith.constant 0 : i32
        %scatter3A_212 = arith.constant 0 : i32
        %scatter3A_213 = tpu.memref_slice %arg6[%scatter3A_210, %scatter3A_211, %scatter3A_212] : memref<2x32x128xf32, #tpu.memory_space<vmem>> -> memref<1x32x128xf32, #tpu.memory_space<vmem>>
        %scatter3A_214 = tpu.memref_squeeze %scatter3A_213 : memref<1x32x128xf32, #tpu.memory_space<vmem>> -> memref<32x128xf32, #tpu.memory_space<vmem>>
        tpu.vector_store_idx %scatter3A_214[%shift_right_arithmetic3A_17, %add3A_174], %gather3A_209 : memref<32x128xf32, #tpu.memory_space<vmem>>[vector<16xi32>, vector<16xi32>], vector<16xf32>,
        %add3A_215 = arith.constant 48 : i32
        %add3A_216 = vector.broadcast %add3A_215 : i32 to vector<16xi32>
        %add3A_217 = arith.addi %iota3A, %add3A_216 : vector<16xi32>
        %gather3A_218 = arith.constant 0 : i32
        %gather3A_219 = arith.constant 0 : i32
        %gather3A_220 = arith.constant 0 : i32
        %gather3A_221 = tpu.memref_slice %arg5[%gather3A_218, %gather3A_219, %gather3A_220] : memref<2x32x128xf32, #tpu.memory_space<vmem>> -> memref<1x32x128xf32, #tpu.memory_space<vmem>>
        %gather3A_222 = tpu.memref_squeeze %gather3A_221 : memref<1x32x128xf32, #tpu.memory_space<vmem>> -> memref<32x128xf32, #tpu.memory_space<vmem>>
        %gather3A_223 = tpu.vector_load_idx %gather3A_222[%or3A_173, %add3A_217] : memref<32x128xf32, #tpu.memory_space<vmem>>[vector<16xi32>, vector<16xi32>], vector<16xf32>,
        %scatter3A_224 = arith.constant 0 : i32
        %scatter3A_225 = arith.constant 0 : i32
        %scatter3A_226 = arith.constant 0 : i32
        %scatter3A_227 = tpu.memref_slice %arg6[%scatter3A_224, %scatter3A_225, %scatter3A_226] : memref<2x32x128xf32, #tpu.memory_space<vmem>> -> memref<1x32x128xf32, #tpu.memory_space<vmem>>
        %scatter3A_228 = tpu.memref_squeeze %scatter3A_227 : memref<1x32x128xf32, #tpu.memory_space<vmem>> -> memref<32x128xf32, #tpu.memory_space<vmem>>
        tpu.vector_store_idx %scatter3A_228[%shift_right_arithmetic3A_23, %add3A_174], %gather3A_223 : memref<32x128xf32, #tpu.memory_space<vmem>>[vector<16xi32>, vector<16xi32>], vector<16xf32>,
        %add3A_229 = arith.constant 64 : i32
        %add3A_230 = vector.broadcast %add3A_229 : i32 to vector<16xi32>
        %add3A_231 = arith.addi %iota3A, %add3A_230 : vector<16xi32>
        %gather3A_232 = arith.constant 0 : i32
        %gather3A_233 = arith.constant 0 : i32
        %gather3A_234 = arith.constant 0 : i32
        %gather3A_235 = tpu.memref_slice %arg5[%gather3A_232, %gather3A_233, %gather3A_234] : memref<2x32x128xf32, #tpu.memory_space<vmem>> -> memref<1x32x128xf32, #tpu.memory_space<vmem>>
        %gather3A_236 = tpu.memref_squeeze %gather3A_235 : memref<1x32x128xf32, #tpu.memory_space<vmem>> -> memref<32x128xf32, #tpu.memory_space<vmem>>
        %gather3A_237 = tpu.vector_load_idx %gather3A_236[%or3A_173, %add3A_231] : memref<32x128xf32, #tpu.memory_space<vmem>>[vector<16xi32>, vector<16xi32>], vector<16xf32>,
        %scatter3A_238 = arith.constant 0 : i32
        %scatter3A_239 = arith.constant 0 : i32
        %scatter3A_240 = arith.constant 0 : i32
        %scatter3A_241 = tpu.memref_slice %arg6[%scatter3A_238, %scatter3A_239, %scatter3A_240] : memref<2x32x128xf32, #tpu.memory_space<vmem>> -> memref<1x32x128xf32, #tpu.memory_space<vmem>>
        %scatter3A_242 = tpu.memref_squeeze %scatter3A_241 : memref<1x32x128xf32, #tpu.memory_space<vmem>> -> memref<32x128xf32, #tpu.memory_space<vmem>>
        tpu.vector_store_idx %scatter3A_242[%shift_right_arithmetic3A_29, %add3A_174], %gather3A_237 : memref<32x128xf32, #tpu.memory_space<vmem>>[vector<16xi32>, vector<16xi32>], vector<16xf32>,
        %add3A_243 = arith.constant 80 : i32
        %add3A_244 = vector.broadcast %add3A_243 : i32 to vector<16xi32>
        %add3A_245 = arith.addi %iota3A, %add3A_244 : vector<16xi32>
        %gather3A_246 = arith.constant 0 : i32
        %gather3A_247 = arith.constant 0 : i32
        %gather3A_248 = arith.constant 0 : i32
        %gather3A_249 = tpu.memref_slice %arg5[%gather3A_246, %gather3A_247, %gather3A_248] : memref<2x32x128xf32, #tpu.memory_space<vmem>> -> memref<1x32x128xf32, #tpu.memory_space<vmem>>
        %gather3A_250 = tpu.memref_squeeze %gather3A_249 : memref<1x32x128xf32, #tpu.memory_space<vmem>> -> memref<32x128xf32, #tpu.memory_space<vmem>>
        %gather3A_251 = tpu.vector_load_idx %gather3A_250[%or3A_173, %add3A_245] : memref<32x128xf32, #tpu.memory_space<vmem>>[vector<16xi32>, vector<16xi32>], vector<16xf32>,
        %scatter3A_252 = arith.constant 0 : i32
        %scatter3A_253 = arith.constant 0 : i32
        %scatter3A_254 = arith.constant 0 : i32
        %scatter3A_255 = tpu.memref_slice %arg6[%scatter3A_252, %scatter3A_253, %scatter3A_254] : memref<2x32x128xf32, #tpu.memory_space<vmem>> -> memref<1x32x128xf32, #tpu.memory_space<vmem>>
        %scatter3A_256 = tpu.memref_squeeze %scatter3A_255 : memref<1x32x128xf32, #tpu.memory_space<vmem>> -> memref<32x128xf32, #tpu.memory_space<vmem>>
        tpu.vector_store_idx %scatter3A_256[%shift_right_arithmetic3A_35, %add3A_174], %gather3A_251 : memref<32x128xf32, #tpu.memory_space<vmem>>[vector<16xi32>, vector<16xi32>], vector<16xf32>,
        %add3A_257 = arith.constant 96 : i32
        %add3A_258 = vector.broadcast %add3A_257 : i32 to vector<16xi32>
        %add3A_259 = arith.addi %iota3A, %add3A_258 : vector<16xi32>
        %gather3A_260 = arith.constant 0 : i32
        %gather3A_261 = arith.constant 0 : i32
        %gather3A_262 = arith.constant 0 : i32
        %gather3A_263 = tpu.memref_slice %arg5[%gather3A_260, %gather3A_261, %gather3A_262] : memref<2x32x128xf32, #tpu.memory_space<vmem>> -> memref<1x32x128xf32, #tpu.memory_space<vmem>>
        %gather3A_264 = tpu.memref_squeeze %gather3A_263 : memref<1x32x128xf32, #tpu.memory_space<vmem>> -> memref<32x128xf32, #tpu.memory_space<vmem>>
        %gather3A_265 = tpu.vector_load_idx %gather3A_264[%or3A_173, %add3A_259] : memref<32x128xf32, #tpu.memory_space<vmem>>[vector<16xi32>, vector<16xi32>], vector<16xf32>,
        %scatter3A_266 = arith.constant 0 : i32
        %scatter3A_267 = arith.constant 0 : i32
        %scatter3A_268 = arith.constant 0 : i32
        %scatter3A_269 = tpu.memref_slice %arg6[%scatter3A_266, %scatter3A_267, %scatter3A_268] : memref<2x32x128xf32, #tpu.memory_space<vmem>> -> memref<1x32x128xf32, #tpu.memory_space<vmem>>
        %scatter3A_270 = tpu.memref_squeeze %scatter3A_269 : memref<1x32x128xf32, #tpu.memory_space<vmem>> -> memref<32x128xf32, #tpu.memory_space<vmem>>
        tpu.vector_store_idx %scatter3A_270[%shift_right_arithmetic3A_41, %add3A_174], %gather3A_265 : memref<32x128xf32, #tpu.memory_space<vmem>>[vector<16xi32>, vector<16xi32>], vector<16xf32>,
        %add3A_271 = arith.constant 112 : i32
        %add3A_272 = vector.broadcast %add3A_271 : i32 to vector<16xi32>
        %add3A_273 = arith.addi %iota3A, %add3A_272 : vector<16xi32>
        %gather3A_274 = arith.constant 0 : i32
        %gather3A_275 = arith.constant 0 : i32
        %gather3A_276 = arith.constant 0 : i32
        %gather3A_277 = tpu.memref_slice %arg5[%gather3A_274, %gather3A_275, %gather3A_276] : memref<2x32x128xf32, #tpu.memory_space<vmem>> -> memref<1x32x128xf32, #tpu.memory_space<vmem>>
        %gather3A_278 = tpu.memref_squeeze %gather3A_277 : memref<1x32x128xf32, #tpu.memory_space<vmem>> -> memref<32x128xf32, #tpu.memory_space<vmem>>
        %gather3A_279 = tpu.vector_load_idx %gather3A_278[%or3A_173, %add3A_273] : memref<32x128xf32, #tpu.memory_space<vmem>>[vector<16xi32>, vector<16xi32>], vector<16xf32>,
        %scatter3A_280 = arith.constant 0 : i32
        %scatter3A_281 = arith.constant 0 : i32
        %scatter3A_282 = arith.constant 0 : i32
        %scatter3A_283 = tpu.memref_slice %arg6[%scatter3A_280, %scatter3A_281, %scatter3A_282] : memref<2x32x128xf32, #tpu.memory_space<vmem>> -> memref<1x32x128xf32, #tpu.memory_space<vmem>>
        %scatter3A_284 = tpu.memref_squeeze %scatter3A_283 : memref<1x32x128xf32, #tpu.memory_space<vmem>> -> memref<32x128xf32, #tpu.memory_space<vmem>>
        tpu.vector_store_idx %scatter3A_284[%shift_right_arithmetic3A_47, %add3A_174], %gather3A_279 : memref<32x128xf32, #tpu.memory_space<vmem>>[vector<16xi32>, vector<16xi32>], vector<16xf32>,
      }
      %scan3A_129 = arith.constant 32 : i32
      %add3A_130 = arith.constant 7808 : i32
      %add3A_131 = arith.addi %add3A, %add3A_130 : i32
      %mul3A_132 = arith.constant 32 : i32
      %mul3A_133 = arith.muli %add3A_131, %mul3A_132 : i32
      %dma_start3A_134 = arith.constant 0 : i32
      %dma_start3A_135 = arith.constant 0 : i32
      %dma_start3A_136 = arith.constant 0 : i32
      %dma_start3A_137 = tpu.memref_slice %arg6[%dma_start3A_134, %dma_start3A_135, %dma_start3A_136] : memref<2x32x128xf32, #tpu.memory_space<vmem>> -> memref<1x32x128xf32, #tpu.memory_space<vmem>>
      %dma_start3A_138 = tpu.memref_squeeze %dma_start3A_137 : memref<1x32x128xf32, #tpu.memory_space<vmem>> -> memref<32x128xf32, #tpu.memory_space<vmem>>
      %dma_start3A_139 = arith.constant 0 : i32
      %dma_start3A_140 = tpu.memref_slice %arg4[%mul3A_133, %dma_start3A_139] : memref<250000x128xf32, #tpu.memory_space<hbm>> -> memref<32x128xf32, #tpu.memory_space<hbm>>
      %dma_start3A_141 = arith.constant 0 : i32
      %dma_start3A_142 = tpu.memref_slice %arg4[%mul3A_133, %dma_start3A_141] : memref<250000x128xf32, #tpu.memory_space<hbm>> -> memref<32x128xf32, #tpu.memory_space<hbm>>
      %dma_start3A_143 = arith.constant 0 : i32
      %dma_start3A_144 = arith.constant 0 : i32
      %dma_start3A_145 = tpu.memref_slice %arg6[%dma_start3A_134, %dma_start3A_143, %dma_start3A_144] : memref<2x32x128xf32, #tpu.memory_space<vmem>> -> memref<1x32x128xf32, #tpu.memory_space<vmem>>
      %dma_start3A_146 = tpu.memref_squeeze %dma_start3A_145 : memref<1x32x128xf32, #tpu.memory_space<vmem>> -> memref<32x128xf32, #tpu.memory_space<vmem>>
      tpu.enqueue_dma source(%dma_start3A_146 : memref<32x128xf32, #tpu.memory_space<vmem>>) target(%dma_start3A_142 : memref<32x128xf32, #tpu.memory_space<hbm>>) target_semaphore(%arg9 : memref<!tpu.dma_semaphore, #tpu.memory_space<semaphore_mem>>)
      %dma_wait3A_147 = arith.constant 0 : i32
      %dma_wait3A_148 = arith.constant 0 : i32
      %dma_wait3A_149 = arith.constant 0 : i32
      %dma_wait3A_150 = tpu.memref_slice %arg6[%dma_wait3A_147, %dma_wait3A_148, %dma_wait3A_149] : memref<2x32x128xf32, #tpu.memory_space<vmem>> -> memref<1x32x128xf32, #tpu.memory_space<vmem>>
      %dma_wait3A_151 = tpu.memref_squeeze %dma_wait3A_150 : memref<1x32x128xf32, #tpu.memory_space<vmem>> -> memref<32x128xf32, #tpu.memory_space<vmem>>
      %dma_wait3A_152 = arith.constant 0 : i32
      %dma_wait3A_153 = arith.constant 0 : i32
      %dma_wait3A_154 = tpu.memref_slice %arg4[%dma_wait3A_152, %dma_wait3A_153] : memref<250000x128xf32, #tpu.memory_space<hbm>> -> memref<32x128xf32, #tpu.memory_space<hbm>>
      %dma_wait3A_155 = arith.constant 0 : i32
      %dma_wait3A_156 = arith.constant 0 : i32
      %dma_wait3A_157 = tpu.memref_slice %arg4[%dma_wait3A_155, %dma_wait3A_156] : memref<250000x128xf32, #tpu.memory_space<hbm>> -> memref<32x128xf32, #tpu.memory_space<hbm>>
      %dma_wait3A_158 = arith.constant 0 : i32
      %dma_wait3A_159 = arith.constant 0 : i32
      %dma_wait3A_160 = tpu.memref_slice %arg6[%dma_wait3A_147, %dma_wait3A_158, %dma_wait3A_159] : memref<2x32x128xf32, #tpu.memory_space<vmem>> -> memref<1x32x128xf32, #tpu.memory_space<vmem>>
      %dma_wait3A_161 = tpu.memref_squeeze %dma_wait3A_160 : memref<1x32x128xf32, #tpu.memory_space<vmem>> -> memref<32x128xf32, #tpu.memory_space<vmem>>
      tpu.wait_dma2 semaphore(%arg9 : memref<!tpu.dma_semaphore, #tpu.memory_space<semaphore_mem>>) src(%dma_wait3A_161 : memref<32x128xf32, #tpu.memory_space<vmem>>) dst(%dma_wait3A_157 : memref<32x128xf32, #tpu.memory_space<hbm>>)
    } else {
    }
    %eq3A = arith.constant 31 : i32
    %eq3A_105 = arith.cmpi eq, %add3A, %eq3A : i32
    %convert_element_type3A_106 = arith.extui %eq3A_105 : i1 to i32
    %cond3A_107 = arith.constant 0 : i32
    %cond3A_108 = arith.cmpi ne, %convert_element_type3A_106, %cond3A_107 : i32
    scf.if %cond3A_108 {
      %run_scoped3A = arith.constant 0 : i32
      "tpu.region"() ({
        %run_scoped3A_116 = tpu.sem_alloc : memref<!tpu.dma_semaphore, #tpu.memory_space<semaphore_mem>>
        %dma_start3A_117 = arith.constant 0 : i32
        %dma_start3A_118 = arith.constant 0 : i32
        %dma_start3A_119 = tpu.memref_slice %arg5[%run_scoped3A, %dma_start3A_117, %dma_start3A_118] : memref<2x32x128xf32, #tpu.memory_space<vmem>> -> memref<1x32x128xf32, #tpu.memory_space<vmem>>
        %dma_start3A_120 = tpu.memref_squeeze %dma_start3A_119 : memref<1x32x128xf32, #tpu.memory_space<vmem>> -> memref<32x128xf32, #tpu.memory_space<vmem>>
        %dma_start3A_121 = arith.constant 0 : i32
        %dma_start3A_122 = arith.constant 0 : i32
        %dma_start3A_123 = tpu.memref_slice %arg5[%run_scoped3A, %dma_start3A_121, %dma_start3A_122] : memref<2x32x128xf32, #tpu.memory_space<vmem>> -> memref<1x32x128xf32, #tpu.memory_space<vmem>>
        %dma_start3A_124 = tpu.memref_squeeze %dma_start3A_123 : memref<1x32x128xf32, #tpu.memory_space<vmem>> -> memref<32x128xf32, #tpu.memory_space<vmem>>
        tpu.enqueue_dma source(%arg3 : memref<32x128xf32, #tpu.memory_space<hbm>>) target(%dma_start3A_124 : memref<32x128xf32, #tpu.memory_space<vmem>>) target_semaphore(%run_scoped3A_116 : memref<!tpu.dma_semaphore, #tpu.memory_space<semaphore_mem>>)
        %dma_wait3A_125 = arith.constant 0 : i32
        %dma_wait3A_126 = arith.constant 0 : i32
        %dma_wait3A_127 = tpu.memref_slice %arg5[%run_scoped3A, %dma_wait3A_125, %dma_wait3A_126] : memref<2x32x128xf32, #tpu.memory_space<vmem>> -> memref<1x32x128xf32, #tpu.memory_space<vmem>>
        %dma_wait3A_128 = tpu.memref_squeeze %dma_wait3A_127 : memref<1x32x128xf32, #tpu.memory_space<vmem>> -> memref<32x128xf32, #tpu.memory_space<vmem>>
        %dma_wait3A_129 = arith.constant 0 : i32
        %dma_wait3A_130 = arith.constant 0 : i32
        %dma_wait3A_131 = tpu.memref_slice %arg5[%run_scoped3A, %dma_wait3A_129, %dma_wait3A_130] : memref<2x32x128xf32, #tpu.memory_space<vmem>> -> memref<1x32x128xf32, #tpu.memory_space<vmem>>
        %dma_wait3A_132 = tpu.memref_squeeze %dma_wait3A_131 : memref<1x32x128xf32, #tpu.memory_space<vmem>> -> memref<32x128xf32, #tpu.memory_space<vmem>>
        tpu.wait_dma2 semaphore(%run_scoped3A_116 : memref<!tpu.dma_semaphore, #tpu.memory_space<semaphore_mem>>) src(%arg3 : memref<32x128xf32, #tpu.memory_space<hbm>>) dst(%dma_wait3A_132 : memref<32x128xf32, #tpu.memory_space<vmem>>)
        tpu.yield
      }) : () -> ()
      %scan3A_109 = arith.constant 0 : i32
      %scan3A_110 = arith.constant 0 : i32
      %scan3A_111 = arith.constant 32 : i32
      %scan3A_112 = arith.addi %scan3A_110, %scan3A_111 : i32
      %scan3A_113 = arith.constant 1 : i32
      scf.for %scan3A_116 = %scan3A_110 to %scan3A_112 step %scan3A_113  : i32 {
        %and3A_117 = arith.constant 15 : i32
        %and3A_118 = arith.andi %scan3A_116, %and3A_117 : i32
        %add3A_119 = vector.broadcast %and3A_118 : i32 to vector<16xi32>
        %add3A_120 = arith.addi %iota3A, %add3A_119 : vector<16xi32>
        %and3A_121 = arith.constant 15 : i32
        %and3A_122 = vector.broadcast %and3A_121 : i32 to vector<16xi32>
        %and3A_123 = arith.andi %add3A_120, %and3A_122 : vector<16xi32>
        %shift_right_arithmetic3A_124 = arith.constant 4 : i32
        %shift_right_arithmetic3A_125 = arith.shrsi %scan3A_116, %shift_right_arithmetic3A_124 : i32
        %shift_left3A = arith.constant 4 : i32
        %shift_left3A_126 = arith.shli %shift_right_arithmetic3A_125, %shift_left3A : i32
        %or3A = vector.broadcast %shift_left3A_126 : i32 to vector<16xi32>
        %or3A_127 = arith.ori %and3A_123, %or3A : vector<16xi32>
        %add3A_128 = arith.addi %mul3A_52, %or3A_127 : vector<16xi32>
        %add3A_129 = arith.constant 0 : i32
        %add3A_130 = vector.broadcast %add3A_129 : i32 to vector<16xi32>
        %add3A_131 = arith.addi %iota3A, %add3A_130 : vector<16xi32>
        %gather3A = arith.constant 0 : i32
        %gather3A_132 = arith.constant 0 : i32
        %gather3A_133 = arith.constant 0 : i32
        %gather3A_134 = tpu.memref_slice %arg5[%gather3A, %gather3A_132, %gather3A_133] : memref<2x32x128xf32, #tpu.memory_space<vmem>> -> memref<1x32x128xf32, #tpu.memory_space<vmem>>
        %gather3A_135 = tpu.memref_squeeze %gather3A_134 : memref<1x32x128xf32, #tpu.memory_space<vmem>> -> memref<32x128xf32, #tpu.memory_space<vmem>>
        %gather3A_136 = tpu.vector_load_idx %gather3A_135[%or3A_127, %add3A_131] : memref<32x128xf32, #tpu.memory_space<vmem>>[vector<16xi32>, vector<16xi32>], vector<16xf32>,
        %scatter3A = arith.constant 0 : i32
        %scatter3A_137 = arith.constant 0 : i32
        %scatter3A_138 = arith.constant 0 : i32
        %scatter3A_139 = tpu.memref_slice %arg6[%scatter3A, %scatter3A_137, %scatter3A_138] : memref<2x32x128xf32, #tpu.memory_space<vmem>> -> memref<1x32x128xf32, #tpu.memory_space<vmem>>
        %scatter3A_140 = tpu.memref_squeeze %scatter3A_139 : memref<1x32x128xf32, #tpu.memory_space<vmem>> -> memref<32x128xf32, #tpu.memory_space<vmem>>
        tpu.vector_store_idx %scatter3A_140[%shift_right_arithmetic3A_5, %add3A_128], %gather3A_136 : memref<32x128xf32, #tpu.memory_space<vmem>>[vector<16xi32>, vector<16xi32>], vector<16xf32>,
        %add3A_141 = arith.constant 16 : i32
        %add3A_142 = vector.broadcast %add3A_141 : i32 to vector<16xi32>
        %add3A_143 = arith.addi %iota3A, %add3A_142 : vector<16xi32>
        %gather3A_144 = arith.constant 0 : i32
        %gather3A_145 = arith.constant 0 : i32
        %gather3A_146 = arith.constant 0 : i32
        %gather3A_147 = tpu.memref_slice %arg5[%gather3A_144, %gather3A_145, %gather3A_146] : memref<2x32x128xf32, #tpu.memory_space<vmem>> -> memref<1x32x128xf32, #tpu.memory_space<vmem>>
        %gather3A_148 = tpu.memref_squeeze %gather3A_147 : memref<1x32x128xf32, #tpu.memory_space<vmem>> -> memref<32x128xf32, #tpu.memory_space<vmem>>
        %gather3A_149 = tpu.vector_load_idx %gather3A_148[%or3A_127, %add3A_143] : memref<32x128xf32, #tpu.memory_space<vmem>>[vector<16xi32>, vector<16xi32>], vector<16xf32>,
        %scatter3A_150 = arith.constant 0 : i32
        %scatter3A_151 = arith.constant 0 : i32
        %scatter3A_152 = arith.constant 0 : i32
        %scatter3A_153 = tpu.memref_slice %arg6[%scatter3A_150, %scatter3A_151, %scatter3A_152] : memref<2x32x128xf32, #tpu.memory_space<vmem>> -> memref<1x32x128xf32, #tpu.memory_space<vmem>>
        %scatter3A_154 = tpu.memref_squeeze %scatter3A_153 : memref<1x32x128xf32, #tpu.memory_space<vmem>> -> memref<32x128xf32, #tpu.memory_space<vmem>>
        tpu.vector_store_idx %scatter3A_154[%shift_right_arithmetic3A_11, %add3A_128], %gather3A_149 : memref<32x128xf32, #tpu.memory_space<vmem>>[vector<16xi32>, vector<16xi32>], vector<16xf32>,
        %add3A_155 = arith.constant 32 : i32
        %add3A_156 = vector.broadcast %add3A_155 : i32 to vector<16xi32>
        %add3A_157 = arith.addi %iota3A, %add3A_156 : vector<16xi32>
        %gather3A_158 = arith.constant 0 : i32
        %gather3A_159 = arith.constant 0 : i32
        %gather3A_160 = arith.constant 0 : i32
        %gather3A_161 = tpu.memref_slice %arg5[%gather3A_158, %gather3A_159, %gather3A_160] : memref<2x32x128xf32, #tpu.memory_space<vmem>> -> memref<1x32x128xf32, #tpu.memory_space<vmem>>
        %gather3A_162 = tpu.memref_squeeze %gather3A_161 : memref<1x32x128xf32, #tpu.memory_space<vmem>> -> memref<32x128xf32, #tpu.memory_space<vmem>>
        %gather3A_163 = tpu.vector_load_idx %gather3A_162[%or3A_127, %add3A_157] : memref<32x128xf32, #tpu.memory_space<vmem>>[vector<16xi32>, vector<16xi32>], vector<16xf32>,
        %scatter3A_164 = arith.constant 0 : i32
        %scatter3A_165 = arith.constant 0 : i32
        %scatter3A_166 = arith.constant 0 : i32
        %scatter3A_167 = tpu.memref_slice %arg6[%scatter3A_164, %scatter3A_165, %scatter3A_166] : memref<2x32x128xf32, #tpu.memory_space<vmem>> -> memref<1x32x128xf32, #tpu.memory_space<vmem>>
        %scatter3A_168 = tpu.memref_squeeze %scatter3A_167 : memref<1x32x128xf32, #tpu.memory_space<vmem>> -> memref<32x128xf32, #tpu.memory_space<vmem>>
        tpu.vector_store_idx %scatter3A_168[%shift_right_arithmetic3A_17, %add3A_128], %gather3A_163 : memref<32x128xf32, #tpu.memory_space<vmem>>[vector<16xi32>, vector<16xi32>], vector<16xf32>,
        %add3A_169 = arith.constant 48 : i32
        %add3A_170 = vector.broadcast %add3A_169 : i32 to vector<16xi32>
        %add3A_171 = arith.addi %iota3A, %add3A_170 : vector<16xi32>
        %gather3A_172 = arith.constant 0 : i32
        %gather3A_173 = arith.constant 0 : i32
        %gather3A_174 = arith.constant 0 : i32
        %gather3A_175 = tpu.memref_slice %arg5[%gather3A_172, %gather3A_173, %gather3A_174] : memref<2x32x128xf32, #tpu.memory_space<vmem>> -> memref<1x32x128xf32, #tpu.memory_space<vmem>>
        %gather3A_176 = tpu.memref_squeeze %gather3A_175 : memref<1x32x128xf32, #tpu.memory_space<vmem>> -> memref<32x128xf32, #tpu.memory_space<vmem>>
        %gather3A_177 = tpu.vector_load_idx %gather3A_176[%or3A_127, %add3A_171] : memref<32x128xf32, #tpu.memory_space<vmem>>[vector<16xi32>, vector<16xi32>], vector<16xf32>,
        %scatter3A_178 = arith.constant 0 : i32
        %scatter3A_179 = arith.constant 0 : i32
        %scatter3A_180 = arith.constant 0 : i32
        %scatter3A_181 = tpu.memref_slice %arg6[%scatter3A_178, %scatter3A_179, %scatter3A_180] : memref<2x32x128xf32, #tpu.memory_space<vmem>> -> memref<1x32x128xf32, #tpu.memory_space<vmem>>
        %scatter3A_182 = tpu.memref_squeeze %scatter3A_181 : memref<1x32x128xf32, #tpu.memory_space<vmem>> -> memref<32x128xf32, #tpu.memory_space<vmem>>
        tpu.vector_store_idx %scatter3A_182[%shift_right_arithmetic3A_23, %add3A_128], %gather3A_177 : memref<32x128xf32, #tpu.memory_space<vmem>>[vector<16xi32>, vector<16xi32>], vector<16xf32>,
      }
      %scan3A_114 = arith.constant 32 : i32
      %run_scoped3A_115 = arith.constant 0 : i32
      "tpu.region"() ({
        %run_scoped3A_116 = tpu.sem_alloc : memref<!tpu.dma_semaphore, #tpu.memory_space<semaphore_mem>>
        %dma_start3A_117 = arith.constant 0 : i32
        %dma_start3A_118 = arith.constant 0 : i32
        %dma_start3A_119 = tpu.memref_slice %arg6[%run_scoped3A_115, %dma_start3A_117, %dma_start3A_118] : memref<2x32x128xf32, #tpu.memory_space<vmem>> -> memref<1x16x128xf32, #tpu.memory_space<vmem>>
        %dma_start3A_120 = tpu.memref_squeeze %dma_start3A_119 : memref<1x16x128xf32, #tpu.memory_space<vmem>> -> memref<16x128xf32, #tpu.memory_space<vmem>>
        %dma_start3A_121 = arith.constant 249984 : i32
        %dma_start3A_122 = arith.constant 0 : i32
        %dma_start3A_123 = tpu.memref_slice %arg4[%dma_start3A_121, %dma_start3A_122] : memref<250000x128xf32, #tpu.memory_space<hbm>> -> memref<16x128xf32, #tpu.memory_space<hbm>>
        %dma_start3A_124 = arith.constant 249984 : i32
        %dma_start3A_125 = arith.constant 0 : i32
        %dma_start3A_126 = tpu.memref_slice %arg4[%dma_start3A_124, %dma_start3A_125] : memref<250000x128xf32, #tpu.memory_space<hbm>> -> memref<16x128xf32, #tpu.memory_space<hbm>>
        %dma_start3A_127 = arith.constant 0 : i32
        %dma_start3A_128 = arith.constant 0 : i32
        %dma_start3A_129 = tpu.memref_slice %arg6[%run_scoped3A_115, %dma_start3A_127, %dma_start3A_128] : memref<2x32x128xf32, #tpu.memory_space<vmem>> -> memref<1x16x128xf32, #tpu.memory_space<vmem>>
        %dma_start3A_130 = tpu.memref_squeeze %dma_start3A_129 : memref<1x16x128xf32, #tpu.memory_space<vmem>> -> memref<16x128xf32, #tpu.memory_space<vmem>>
        tpu.enqueue_dma source(%dma_start3A_130 : memref<16x128xf32, #tpu.memory_space<vmem>>) target(%dma_start3A_126 : memref<16x128xf32, #tpu.memory_space<hbm>>) target_semaphore(%run_scoped3A_116 : memref<!tpu.dma_semaphore, #tpu.memory_space<semaphore_mem>>)
        %dma_wait3A_131 = arith.constant 0 : i32
        %dma_wait3A_132 = arith.constant 0 : i32
        %dma_wait3A_133 = tpu.memref_slice %arg6[%run_scoped3A_115, %dma_wait3A_131, %dma_wait3A_132] : memref<2x32x128xf32, #tpu.memory_space<vmem>> -> memref<1x16x128xf32, #tpu.memory_space<vmem>>
        %dma_wait3A_134 = tpu.memref_squeeze %dma_wait3A_133 : memref<1x16x128xf32, #tpu.memory_space<vmem>> -> memref<16x128xf32, #tpu.memory_space<vmem>>
        %dma_wait3A_135 = arith.constant 249984 : i32
        %dma_wait3A_136 = arith.constant 0 : i32
        %dma_wait3A_137 = tpu.memref_slice %arg4[%dma_wait3A_135, %dma_wait3A_136] : memref<250000x128xf32, #tpu.memory_space<hbm>> -> memref<16x128xf32, #tpu.memory_space<hbm>>
        %dma_wait3A_138 = arith.constant 249984 : i32
        %dma_wait3A_139 = arith.constant 0 : i32
        %dma_wait3A_140 = tpu.memref_slice %arg4[%dma_wait3A_138, %dma_wait3A_139] : memref<250000x128xf32, #tpu.memory_space<hbm>> -> memref<16x128xf32, #tpu.memory_space<hbm>>
        %dma_wait3A_141 = arith.constant 0 : i32
        %dma_wait3A_142 = arith.constant 0 : i32
        %dma_wait3A_143 = tpu.memref_slice %arg6[%run_scoped3A_115, %dma_wait3A_141, %dma_wait3A_142] : memref<2x32x128xf32, #tpu.memory_space<vmem>> -> memref<1x16x128xf32, #tpu.memory_space<vmem>>
        %dma_wait3A_144 = tpu.memref_squeeze %dma_wait3A_143 : memref<1x16x128xf32, #tpu.memory_space<vmem>> -> memref<16x128xf32, #tpu.memory_space<vmem>>
        tpu.wait_dma2 semaphore(%run_scoped3A_116 : memref<!tpu.dma_semaphore, #tpu.memory_space<semaphore_mem>>) src(%dma_wait3A_144 : memref<16x128xf32, #tpu.memory_space<vmem>>) dst(%dma_wait3A_140 : memref<16x128xf32, #tpu.memory_space<hbm>>)
        tpu.yield
      }) : () -> ()
    } else {
    }
    return
  }
}

</mosaic_0001>

<sc_bundles>
// kernel: kernel.4.cloned.1.call-start
scs
__scs_entry_jumppad:
0x0: {  	(pc) =	sbr.rel $0x88, $3  }
0x1: {  	(tag) =	ssettag $0x0;
	lr =	simm.s32 $0x1  }
0x2: {  	[smem:$0x3F9F] =	sst lr;
	_ =	strace $0xD0000000  }
0x3: {  	_ = 	snop  }
0x4: {  	_ = 	snop  }
0x5: {  	_ = 	snop  }
0x6: {  	_ = 	snop  }
0x7: {  	_ = 	snop  }
__scs_overlays_trampoline_lowered:
0x8: {  	[smem:$0x3FAE] =	sst s0  }
0x9: {  	[smem:$0x3FAF] =	sst s1  }
0xa: {  	[smem:$0x3FB0] =	sst s2  }
0xb: {  	[smem:$0x3FB1] =	sst s3  }
0xc: {  	[smem:$0x3FB2] =	sst s4  }
0xd: {  	[smem:$0x3FB3] =	sst s5  }
0xe: {  	[smem:$0x3FB4] =	sst s6  }
0xf: {  	[smem:$0x3FB5] =	sst s7  }
0x10: {  	[smem:$0x3FB6] =	sst s8  }
0x11: {  	[smem:$0x3FB7] =	sst s9;
	s0 =	simm.s32 @!p0 $0x0  }
0x12: {  	s1 =	sld [smem:$0x3F9D];
	s0 =	simm.s32 @p0 $0x1  }
0x13: {  	[smem:$0x3FB8] =	sst s0;
	s0 =	simm.s32 @!p1 $0x0  }
0x14: {  	s2 =	sld [smem:$0x3F9C];
	s0 =	simm.s32 @p1 $0x1  }
0x15: {  	[smem:$0x3FB9] =	sst s0;
	s0 =	simm.s32 @!p2 $0x0  }
0x16: {  	s3 =	sld [smem:$0x3FDB];
	s0 =	simm.s32 @p2 $0x1  }
0x17: {  	s4 =	simm.s32 $0x1BF5;
	[smem:$0x3FBB] =	sst s0  }
0x18: {  	s0 =	sld [smem:$0x3F9E];
	_ =	swait.ge [sflag:s4], $0x0  }
0x19: {  	s7 =	sld [smem:$0x3F9F]  }
0x1a: {  	s8 =	sadd.s32 $0xFFFFE003, lr  }
0x1b: {  	s9 =	sadd.s32 $0xFFFFFEF7, lr;
	s5 =	simm.s32 $0xFFFFFFFF;
	p2 =	slt.u32 s8, $0xFFFFF086  }
0x1c: {  	p1 =	slt.u32 s9, $0xF7A;
	s5 =	simm.s32 @!p2 $0x0  }
0x1d: {  	s5 =	simm.s32 @p1 $0x1;
	p0 =	seq.s32 s7, s2  }
0x1e: {  	s7 =	smul.u32 @!p0 $0xF7A, s2;
	p2 =	seq.s32 @!p0 s5, $0x0  }
0x1f: {  	s9 =	smul.u32 $0xF7A, s1;
	s8 =	simm.s32 @!p0 $0x1BF5;
	p2 =	por !p2, p0  }
0x20: {  	[sflag:s8] =	ssyncset.s32 @!p0 $0xFFFFF086;
	s6 =	sadd.s32 @!p0 s3, s7;
	s7 =	simm.s32 @!p0 $0x108  }
0x21: {  	s3 =	sadd.s32 s3, s9;
	s6 =	sadd.s32 @!p0 $0x88, s6;
	s7 =	simm.s32 @p2 $0x1082  }
0x22: {  	[simem:s7], [sflag:s8] =	dma.local @!p0 [hbm:s6], $0xF7A  }
0x23: {  	s9 =	sor.u32 $0xD0000000, s2;
	s6 =	simm.s32 $0x108;
	_ =	swait.ge @!p0 [sflag:s8], $0x0  }
0x24: {  	s3 =	sadd.s32 $0x88, s3;
	s6 =	simm.s32 @!p1 $0x1082;
	[sflag:s4] =	ssyncset.s32 $0xFFFFF086  }
0x25: {  	[simem:s6], [sflag:s4] =	dma.local [hbm:s3], $0xF7A  }
0x26: {  	[smem:$0x3F9F] =	sst s1;
	(tag) =	ssettag s2;
	_ =	strace s9  }
0x27: {  	s1 =	sld [smem:$0x3FAF]  }
0x28: {  	s2 =	sld [smem:$0x3FB0]  }
0x29: {  	s4 =	sld [smem:$0x3FB2]  }
0x2a: {  	p0 =	seq.s32 s5, $0x0;
	s5 =	sld [smem:$0x3FB3]  }
0x2b: {  	s6 =	sld [smem:$0x3FB4]  }
0x2c: {  	s7 =	sld [smem:$0x3FB5]  }
0x2d: {  	s3 =	simm.s32 $0x108;
	s8 =	sld [smem:$0x3FB6]  }
0x2e: {  	s3 =	simm.s32 @!p0 $0x1082;
	s9 =	sld [smem:$0x3FB7]  }
0x2f: {  	lr =	sadd.s32 s0, s3;
	s0 =	sld [smem:$0x3FAE]  }
0x30: {  	s3 =	sld [smem:$0x3FB1]  }
0x31: {  	[smem:$0x3FBA] =	sst s10  }
0x32: {  	s10 =	sld [smem:$0x3FB8];
	_ =	sdelay $0x3  }
0x33: {  	p0 =	seq.s32 s10, $0x1;
	s10 =	sld [smem:$0x3FBA];
	_ =	sdelay $0x3  }
0x34: {  	[smem:$0x3FBA] =	sst s10  }
0x35: {  	s10 =	sld [smem:$0x3FB9];
	_ =	sdelay $0x3  }
0x36: {  	p1 =	seq.s32 s10, $0x1;
	s10 =	sld [smem:$0x3FBA];
	_ =	sdelay $0x3  }
0x37: {  	[smem:$0x3FBA] =	sst s10  }
0x38: {  	s10 =	sld [smem:$0x3FBB]  }
0x39: {  	_ = 	snop;
	(pc) =	sbr.ind lr, $3  }
0x3a: {  	_ = 	snop  }
0x3b: {  	_ = 	snop  }
0x3c: {  	p2 =	seq.s32 s10, $0x1;
	s10 =	sld [smem:$0x3FBA]  }
0x3d: {  	_ =	shalt  }
0x3e: {  	_ =	shalt  }
0x3f: {  	_ =	shalt  }
0x40: {  	_ =	shalt  }
0x41: {  	_ =	shalt  }
0x42: {  	_ =	shalt  }
0x43: {  	_ =	shalt  }
0x44: {  	_ =	shalt  }
0x45: {  	_ =	shalt  }
0x46: {  	_ =	shalt  }
0x47: {  	_ =	shalt  }
0x48: {  	_ =	shalt  }
0x49: {  	_ =	shalt  }
0x4a: {  	_ =	shalt  }
0x4b: {  	_ =	shalt  }
0x4c: {  	_ =	shalt  }
0x4d: {  	_ =	shalt  }
0x4e: {  	_ =	shalt  }
0x4f: {  	_ =	shalt  }
0x50: {  	_ =	shalt  }
0x51: {  	_ =	shalt  }
0x52: {  	_ =	shalt  }
0x53: {  	_ =	shalt  }
0x54: {  	_ =	shalt  }
0x55: {  	_ =	shalt  }
0x56: {  	_ =	shalt  }
0x57: {  	_ =	shalt  }
0x58: {  	_ =	shalt  }
0x59: {  	_ =	shalt  }
0x5a: {  	_ =	shalt  }
0x5b: {  	_ =	shalt  }
0x5c: {  	_ =	shalt  }
0x5d: {  	_ =	shalt  }
0x5e: {  	_ =	shalt  }
0x5f: {  	_ =	shalt  }
0x60: {  	_ =	shalt  }
0x61: {  	_ =	shalt  }
0x62: {  	_ =	shalt  }
0x63: {  	_ =	shalt  }
0x64: {  	_ =	shalt  }
0x65: {  	_ =	shalt  }
0x66: {  	_ =	shalt  }
0x67: {  	_ =	shalt  }
0x68: {  	_ =	shalt  }
0x69: {  	_ =	shalt  }
0x6a: {  	_ =	shalt  }
0x6b: {  	_ =	shalt  }
0x6c: {  	_ =	shalt  }
0x6d: {  	_ =	shalt  }
0x6e: {  	_ =	shalt  }
0x6f: {  	_ =	shalt  }
0x70: {  	_ =	shalt  }
0x71: {  	_ =	shalt  }
0x72: {  	_ =	shalt  }
0x73: {  	_ =	shalt  }
0x74: {  	_ =	shalt  }
0x75: {  	_ =	shalt  }
0x76: {  	_ =	shalt  }
0x77: {  	_ =	shalt  }
0x78: {  	_ =	shalt  }
0x79: {  	_ =	shalt  }
0x7a: {  	_ =	shalt  }
0x7b: {  	_ =	shalt  }
0x7c: {  	_ =	shalt  }
0x7d: {  	_ =	shalt  }
0x7e: {  	_ =	shalt  }
0x7f: {  	_ =	shalt  }
0x80: {  	_ =	shalt  }
0x81: {  	_ =	shalt  }
0x82: {  	_ =	shalt  }
0x83: {  	_ =	shalt  }
0x84: {  	_ =	shalt  }
0x85: {  	_ =	shalt  }
0x86: {  	_ =	shalt  }
0x87: {  	_ =	shalt  }
.Lfunc_end0:
.L_simem_size_0:
called_computation_lowered:
.L_overlay_start_0:
0x88: {  	s2 =	sld [smem:$0x3FD9]  }
0x89: {  	s3 =	sld [smem:$0x3FFE];
	_ =	sdelay $0x1  }
0x8a: {  	s1 =	srdreg.scid  }
0x8b: {  	s0 =	sand.u32 $0x1, s1  }
0x8c: {  	s17 =	sshll.u32 s0, $0xA;
	s2 =	sadd.s32 s3, s2  }
0x8d: {  	s2 =	sadd.s32 s2, s17  }
0x8e: {  	[smem:$0x3FC6] =	sst s2  }
0x8f: {  	_ = 	snop  }
0x90: {  	s2 =	sld [smem:$0x3FC8]  }
0x91: {  	s18 =	sld [smem:$0x3FD0];
	(tm) =	ssettm $0x1  }
0x92: {  	s4 =	sld [smem:$0x3FFB];
	_ =	sdelay $0x3  }
0x93: {  	_ =	strace s4  }
0x94: {  	s4 =	sld [smem:$0x3FFC];
	_ =	sdelay $0x3  }
0x95: {  	_ =	strace s4  }
0x96: {  	s4 =	sld [smem:$0x3FFD];
	_ =	sdelay $0x3  }
0x97: {  	_ =	strace s4  }
0x98: {  	_ =	strace $0x8FFFFFFF  }
0x99: {  	s19 =	sld [smem:$0x3FDB];
	_ =	sdelay $0x1  }
0x9a: {  	s5 =	simm.s32 $_scs_section_size  }
0x9b: {  	s6 =	simm.s32 $_size__tile_overlayer_lowered;
	s7 =	simm.s32 $_tile_overlayer_lowered  }
0x9c: {  	s22 =	simm.s32 $0x1BFF;
	s21 =	sshll.u32 s7, $0x1;
	s4 =	sadd.s32 s5, s19  }
0x9d: {  	s8 =	simm.s32 $0x0;
	s20 =	sshll.u32 s6, $0x1;
	s6 =	sadd.s32 s21, s4  }
0x9e: {  	[timem:s8], [sflag:s22] =	dma.local [hbm:s6], s20  }
0x9f: {  	_ =	swait.ge [sflag:s22], s20  }
0xa0: {  	s5 =	ssub.s32 $0x0, s20;
	[sflag:s22] =	ssyncset.done $0x0  }
0xa1: {  	[sflag:s22] =	ssyncadd.s32 s5;
	_ =	sdelay $0x1  }
0xa2: {  	s23 =	simm.s32 $0x1B8B  }
0xa3: {  	_ =	swait.ge [sflag:s23], $0x1  }
0xa4: {  	[sflag:s23] =	ssyncset.done $0x0  }
0xa5: {  	s25 =	simm.s32 $0x1B8E;
	s24 =	sld [smem:$0x3FFE];
	[sflag:s23] =	ssyncadd.s32 $0xFFFFFFFF  }
0xa6: {  	s26 =	simm.s32 $execute0_lowered;
	[smem:$0x3FD2] =	sst s25  }
0xa7: {  	s6 =	sshll.u32 s26, $0x1;
	_ =	strace $0x80000046;
	[dreg:$0x1] =	wrdreg $0xFFFFFFFF  }
0xa8: {  	s28 =	simm.s32 $_size_execute0_lowered;
	s4 =	sadd.s32 s4, s6;
	[dreg:$0x0] =	wrdreg $0x0  }
0xa9: {  	s6 =	sshll.u32 s28, $0x1;
	[dreg:$0x2] =	wrdreg s4  }
0xaa: {  	[dreg:$0x3] =	wrdreg s6  }
0xab: {  	[dreg:$0x4] =	wrdreg $0xC0  }
0xac: {  	_ =	task [dreg:s8], $0x5FFFF  }
0xad: {  	[dreg:$0x1] =	wrdreg $0xFFFFFFFF  }
0xae: {  	[dreg:$0x0] =	wrdreg $0x60  }
0xaf: {  	[dreg:$0x2] =	wrdreg s2  }
0xb0: {  	[dreg:$0x3] =	wrdreg s18  }
0xb1: {  	[dreg:$0x4] =	wrdreg s24  }
0xb2: {  	[dreg:$0x5] =	wrdreg $0x9  }
0xb3: {  	_ =	task.clear_ibuf [dreg:s8], $0x6FFFF;
	_ =	strace $0x90000046  }
0xb4: {  	s29 =	simm.s32 $0x9;
	_ =	strace $0x80000048  }
0xb5: {  	_ =	swait.ge [sflag:s29], $0x1  }
0xb6: {  	[sflag:s29] =	ssyncadd.s32 $0xFFFFFFFF  }
0xb7: {  	_ =	strace $0x90000048  }
0xb8: {  	_ =	sfence  }
0xb9: {  	s30 =	sld [smem:$0x0];
	_ =	sdelay $0x2  }
0xba: {  	s31 =	sshll.u32 s1, $0xD;
	s1 =	sshrl.u32 s1, $0x2  }
0xbb: {  	s3 =	sand.u32 $0x4000, s31;
	s1 =	sadd.s32 s1, s30  }
0xbc: {  	s0 =	sor.u32 s3, s0;
	s1 =	sshll.u32 s1, $0x11  }
0xbd: {  	s0 =	sor.u32 s1, s0  }
0xbe: {  	s0 =	sadd.s32 $0x8F2B, s0  }
0xbf: {  	[sflag:s0] =	ssyncadd.remote.s32 $0x1  }
0xc0: {  	_ =	sfence.sel $0xFFFF  }
0xc1: {  	[dreg:$0x0] =	wrdreg $0xFFFFFFFF;
	(pc) =	sbr.abs _section_cstart, $3  }
0xc2: {  	[dreg:$0x1] =	wrdreg $0xFFFFFFFF  }
0xc3: {  	_ =	task.clear_ibuf [dreg:s8], $0x2FFFF;
	_ =	strace $0x9FFFFFFF  }
0xc4: {  	(tm) =	ssettm $0x7FFFFFFF  }
0xc5: {  	_ =	shalt  }
tec
execute0_lowered:
.L_overlay_start_1:
0x0: {  	(tag) =	ssettag $0x1  }
0x1: {  	s1 =	rddreg [dreg:$0x0]  }
0x2: {  	s2 =	rddreg [dreg:$0x1]  }
0x3: {  	s10 =	rddreg [dreg:$0x2]  }
0x4: {  	s0 =	rddreg [dreg:$0x3]  }
0x5: {  	s4 =	simm.s32 $0x0;
	s5 =	srdreg.scid;
	s3 =	stileid.u32  }
0x6: {  	s13 =	simm.s32 $0x400;
	s14 =	simm.s32 $0x7A1400;
	s15 =	simm.s32 $0x1000  }
0x7: {  	s16 =	simm.s32 $0x1;
	s17 =	simm.s32 $0x2000;
	s18 =	simm.s32 $0x2  }
0x8: {  	s19 =	simm.s32 $0x3000;
	s20 =	simm.s32 $0x3;
	s21 =	simm.s32 $0x4  }
0x9: {  	s23 =	simm.s32 $0x0;
	[smem:$0x7FF] =	sst s4;
	s6 =	sand.u32 $0x1, s5  }
0xa: {  	s8 =	sshll.u32 s3, $0x1;
	s5 =	sadd.s32 $0x600, s10;
	s10 =	sadd.s32 $0x3D0E00, s10  }
0xb: {  	v0 =	vlaneseq.u32;
	p0 =	slt.u32 s3, $0x2;
	p1 =	sgt.u32 s3, $0x1;
	_ =	strace $0x80000047  }
.Ltmp0:
0xc: {  	v1 =	vmul.u32 $0x20, v0;
	v2 =	vor.u32 $0x10, v0;
	v4 =	vor.u32 $0x20, v0;
	s7 =	ssub.s32 $0x2, s6;
	s22 =	sor.u32 s6, s8;
	(pc) =	sbr.rel .LBB2_1-.Ltmp0, $4  }
0xd: {  	v6 =	vor.u32 $0x30, v0;
	v8 =	vor.u32 $0x40, v0;
	v10 =	vor.u32 $0x50, v0;
	s9 =	sshrl.u32 s7, $0x1;
	s6 =	sshll.u32 s22, $0x7;
	s8 =	sshll.u32 s22, $0x9  }
0xe: {  	v12 =	vor.u32 $0x60, v0;
	v14 =	vor.u32 $0x70, v0;
	s12 =	sor.u32 $0x20, s22;
	v3 =	vor.u32 $0x200, v1;
	p2 =	sne.s32 s22, $0x1F;
	s11 =	ssub.s32 s7, s9  }
0xf: {  	v5 =	vor.u32 $0x400, v1;
	v7 =	vor.u32 $0x600, v1;
	v9 =	vor.u32 $0x800, v1;
	s6 =	sadd.s32 s1, s6;
	s7 =	sor.u32 $0x40, s22;
	s8 =	sadd.s32 s5, s8  }
0x10: {  	v11 =	vor.u32 $0xA00, v1;
	v13 =	vor.u32 $0xC00, v1;
	v15 =	vor.u32 $0xE00, v1;
	s22 =	simm.s32 $0x5;
	s9 =	sadd.s32 $0x3D0000, s8;
	s11 =	smax.u32 s11, $0x1  }
.LBB2_19:
0x11: {  	s23 =	sadd.s32 $0x1, s23  }
0x12: {  	p3 =	sne.s32 s23, s11  }
.Ltmp1:
0x13: {  	_ = 	snop;
	(pc) =	sbr.rel @!p3 .LBB2_20-.Ltmp1, $1  }
0x14: {  	_ =	sdelay $0x3  }
.LBB2_1:
0x15: {  	[tilespmem:s4], [sflag:$0x1] =	stream.strided.gather [hbm4b:s6+s13], $0x1000, s14, s13, $0x38;
	[tilespmem:$0x4000] =	vst v63  }
0x16: {  	s24 =	simm.s32 $0x0  }
.LBB2_2:
0x17: {  	s26 =	sshll.u32 s24, $0x6  }
0x18: {  	s28 =	simm.s32 $0x0;
	s25 =	sor.u32 s12, s26  }
0x19: {  	v16 =	vadd.s32 s28, v0;
	s29 =	sshll.u32 s25, $0x7  }
0x1a: {  	s28 =	sand.u32 $0x10, s28;
	v16 =	vand.u32 $0xF, v16;
	s29 =	sadd.s32 s1, s29  }
0x1b: {  	v16 =	vor.u32 s28, v16;
	[tilespmem:s15], [sflag:$0x2] =	stream.strided.gather [hbm4b:s29+s13], $0x1000, s14, s13, $0x38;
	[tilespmem:$0x4000] =	vst v63  }
0x1c: {  	v18 =	vshll.u32 v16, $0x7;
	_ =	swait.ge [sflag:s16], $0x1000  }
0x1d: {  	p3 =	seq.s32 s24, $0x0;
	v17 =	vor.u32 v0, v18;
	[sflag:s16] =	ssyncset.done $0x0  }
0x1e: {  	s28 =	simm.s32 @!p3 $0x3;
	[sflag:s16] =	ssyncadd.s32 $0xFFFFF000  }
0x1f: {  	_ =	swait.ge @!p3 [sflag:s28], $0x1000  }
0x20: {  	[sflag:s28] =	ssyncset.done @!p3 $0x0  }
0x21: {  	[sflag:s28] =	ssyncadd.s32 @!p3 $0xFFFFF000  }
0x22: {  	v19 =	vor.u32 v1, v16;
	v17 =	vld.idx.msk [tilespmem:v17+s4+$0x0], $0xffff  }
0x23: {  	v20 =	vor.u32 v2, v18;
	_ =	sdelay $0x3  }
0x24: {  	[tilespmem:v19+s17+$0x0] =	vst.idx.msk $0xffff, v17  }
0x25: {  	v19 =	vor.u32 v3, v16;
	v17 =	vld.idx.msk [tilespmem:v20+s4+$0x0], $0xffff  }
0x26: {  	v20 =	vor.u32 v4, v18;
	_ =	sdelay $0x3  }
0x27: {  	[tilespmem:v19+s17+$0x0] =	vst.idx.msk $0xffff, v17  }
0x28: {  	v19 =	vor.u32 v5, v16;
	v17 =	vld.idx.msk [tilespmem:v20+s4+$0x0], $0xffff  }
0x29: {  	v20 =	vor.u32 v6, v18;
	_ =	sdelay $0x3  }
0x2a: {  	[tilespmem:v19+s17+$0x0] =	vst.idx.msk $0xffff, v17  }
0x2b: {  	v19 =	vor.u32 v7, v16;
	v17 =	vld.idx.msk [tilespmem:v20+s4+$0x0], $0xffff  }
0x2c: {  	v20 =	vor.u32 v8, v18;
	_ =	sdelay $0x3  }
0x2d: {  	[tilespmem:v19+s17+$0x0] =	vst.idx.msk $0xffff, v17  }
0x2e: {  	v19 =	vor.u32 v9, v16;
	v17 =	vld.idx.msk [tilespmem:v20+s4+$0x0], $0xffff  }
0x2f: {  	v20 =	vor.u32 v10, v18;
	_ =	sdelay $0x3  }
0x30: {  	[tilespmem:v19+s17+$0x0] =	vst.idx.msk $0xffff, v17  }
0x31: {  	v19 =	vor.u32 v11, v16;
	v17 =	vld.idx.msk [tilespmem:v20+s4+$0x0], $0xffff  }
0x32: {  	v20 =	vor.u32 v12, v18;
	_ =	sdelay $0x3  }
0x33: {  	[tilespmem:v19+s17+$0x0] =	vst.idx.msk $0xffff, v17  }
0x34: {  	v19 =	vor.u32 v13, v16;
	v17 =	vld.idx.msk [tilespmem:v20+s4+$0x0], $0xffff  }
0x35: {  	v18 =	vor.u32 v14, v18;
	_ =	sdelay $0x1  }
0x36: {  	s28 =	simm.s32 $0x1  }
0x37: {  	s29 =	simm.s32 $0x2;
	v20 =	vadd.s32 s28, v0  }
.LBB2_3:
0x38: {  	p4 =	sne.s32 s29, $0x1F;
	v20 =	vand.u32 $0xF, v20;
	s30 =	sand.u32 $0x10, s28;
	[tilespmem:v19+s17+$0x0] =	vst.idx.msk $0xffff, v17;
	s28 =	smov.u32 s29  }
0x39: {  	v17 =	vor.u32 s30, v20;
	v18 =	vld.idx.msk [tilespmem:v18+s4+$0x0], $0xffff  }
0x3a: {  	v19 =	vor.u32 v15, v16;
	v20 =	vshll.u32 v17, $0x7;
	v16 =	vmov v17  }
0x3b: {  	v17 =	vor.u32 v0, v20;
	_ =	sdelay $0x3  }
0x3c: {  	[tilespmem:v19+s17+$0x0] =	vst.idx.msk $0xffff, v18  }
0x3d: {  	v17 =	vld.idx.msk [tilespmem:v17+s4+$0x0], $0xffff  }
0x3e: {  	v18 =	vor.u32 v1, v16  }
0x3f: {  	v19 =	vor.u32 v2, v20;
	_ =	sdelay $0x3  }
0x40: {  	[tilespmem:v18+s17+$0x0] =	vst.idx.msk $0xffff, v17  }
0x41: {  	v17 =	vld.idx.msk [tilespmem:v19+s4+$0x0], $0xffff  }
0x42: {  	v18 =	vor.u32 v3, v16  }
0x43: {  	v19 =	vor.u32 v4, v20;
	_ =	sdelay $0x3  }
0x44: {  	[tilespmem:v18+s17+$0x0] =	vst.idx.msk $0xffff, v17  }
0x45: {  	v17 =	vld.idx.msk [tilespmem:v19+s4+$0x0], $0xffff  }
0x46: {  	v18 =	vor.u32 v5, v16  }
0x47: {  	v19 =	vor.u32 v6, v20;
	_ =	sdelay $0x3  }
0x48: {  	[tilespmem:v18+s17+$0x0] =	vst.idx.msk $0xffff, v17  }
0x49: {  	v17 =	vld.idx.msk [tilespmem:v19+s4+$0x0], $0xffff  }
0x4a: {  	v18 =	vor.u32 v7, v16  }
0x4b: {  	v19 =	vor.u32 v8, v20;
	_ =	sdelay $0x3  }
0x4c: {  	[tilespmem:v18+s17+$0x0] =	vst.idx.msk $0xffff, v17  }
0x4d: {  	v17 =	vld.idx.msk [tilespmem:v19+s4+$0x0], $0xffff  }
0x4e: {  	v18 =	vor.u32 v9, v16  }
0x4f: {  	v19 =	vor.u32 v10, v20;
	_ =	sdelay $0x3  }
0x50: {  	[tilespmem:v18+s17+$0x0] =	vst.idx.msk $0xffff, v17  }
0x51: {  	v17 =	vld.idx.msk [tilespmem:v19+s4+$0x0], $0xffff  }
0x52: {  	v18 =	vor.u32 v11, v16  }
0x53: {  	v19 =	vor.u32 v12, v20;
	_ =	sdelay $0x3  }
0x54: {  	[tilespmem:v18+s17+$0x0] =	vst.idx.msk $0xffff, v17  }
0x55: {  	v17 =	vld.idx.msk [tilespmem:v19+s4+$0x0], $0xffff  }
.Ltmp2:
0x56: {  	v19 =	vor.u32 v13, v16;
	(pc) =	sbr.rel @p4 .LBB2_3-.Ltmp2, $2  }
0x57: {  	v18 =	vor.u32 v14, v20;
	_ =	sdelay $0x2  }
0x58: {  	s29 =	sadd.s32 $0x1, s29;
	v20 =	vadd.s32 s28, v0  }
0x59: {  	_ =	sdelay $0x2  }
0x5a: {  	v20 =	vand.u32 $0xF, v20;
	s28 =	sand.u32 $0x10, s28  }
0x5b: {  	[tilespmem:v19+s17+$0x0] =	vst.idx.msk $0xffff, v17;
	v17 =	vor.u32 s28, v20  }
0x5c: {  	v16 =	vor.u32 v15, v16;
	v18 =	vld.idx.msk [tilespmem:v18+s4+$0x0], $0xffff;
	v49 =	vshll.u32 v17, $0x7  }
0x5d: {  	v50 =	vor.u32 v0, v49;
	_ =	sdelay $0x3  }
0x5e: {  	[tilespmem:v16+s17+$0x0] =	vst.idx.msk $0xffff, v18  }
0x5f: {  	v51 =	vor.u32 v1, v17;
	v16 =	vld.idx.msk [tilespmem:v50+s4+$0x0], $0xffff  }
0x60: {  	v52 =	vor.u32 v2, v49;
	_ =	sdelay $0x3  }
0x61: {  	[tilespmem:v51+s17+$0x0] =	vst.idx.msk $0xffff, v16  }
0x62: {  	v53 =	vor.u32 v3, v17;
	v16 =	vld.idx.msk [tilespmem:v52+s4+$0x0], $0xffff  }
0x63: {  	v54 =	vor.u32 v4, v49;
	_ =	sdelay $0x3  }
0x64: {  	[tilespmem:v53+s17+$0x0] =	vst.idx.msk $0xffff, v16  }
0x65: {  	v55 =	vor.u32 v5, v17;
	v16 =	vld.idx.msk [tilespmem:v54+s4+$0x0], $0xffff  }
0x66: {  	v56 =	vor.u32 v6, v49;
	_ =	sdelay $0x3  }
0x67: {  	[tilespmem:v55+s17+$0x0] =	vst.idx.msk $0xffff, v16  }
0x68: {  	v57 =	vor.u32 v7, v17;
	v16 =	vld.idx.msk [tilespmem:v56+s4+$0x0], $0xffff  }
0x69: {  	v58 =	vor.u32 v8, v49;
	_ =	sdelay $0x3  }
0x6a: {  	[tilespmem:v57+s17+$0x0] =	vst.idx.msk $0xffff, v16  }
0x6b: {  	v59 =	vor.u32 v9, v17;
	v16 =	vld.idx.msk [tilespmem:v58+s4+$0x0], $0xffff  }
0x6c: {  	v60 =	vor.u32 v10, v49;
	_ =	sdelay $0x3  }
0x6d: {  	[tilespmem:v59+s17+$0x0] =	vst.idx.msk $0xffff, v16  }
0x6e: {  	v61 =	vor.u32 v11, v17;
	v16 =	vld.idx.msk [tilespmem:v60+s4+$0x0], $0xffff  }
0x6f: {  	v62 =	vor.u32 v12, v49;
	_ =	sdelay $0x3  }
0x70: {  	[tilespmem:v61+s17+$0x0] =	vst.idx.msk $0xffff, v16  }
0x71: {  	v63 =	vor.u32 v13, v17;
	v16 =	vld.idx.msk [tilespmem:v62+s4+$0x0], $0xffff  }
0x72: {  	v19 =	vor.u32 v14, v49;
	_ =	sdelay $0x3  }
0x73: {  	[tilespmem:v63+s17+$0x0] =	vst.idx.msk $0xffff, v16  }
0x74: {  	p4 =	sne.s32 @!p0 s24, $0x79;
	v17 =	vor.u32 v15, v17;
	v16 =	vld.idx.msk [tilespmem:v19+s4+$0x0], $0xffff  }
0x75: {  	p4 =	por p0, p4  }
.Ltmp3:
0x76: {  	_ = 	snop;
	(pc) =	sbr.rel @p4 .LBB2_6-.Ltmp3, $4  }
0x77: {  	_ = 	snop  }
0x78: {  	s31 =	sshll.u32 s24, $0xF  }
0x79: {  	s28 =	sadd.s32 s31, s8;
	[tilespmem:v17+s17+$0x0] =	vst.idx.msk $0xffff, v16  }
0x7a: {  	[hbm4b:s28+s4] =	stream.linear.scatter [tilespmem:s17], [sflag:$0x3], $0x1000, $0x38;
	[tilespmem:$0x4000] =	vst v63  }
.Ltmp4:
0x7b: {  	(pc) =	sbr.rel .LBB2_7-.Ltmp4, $4  }
0x7c: {  	_ = 	snop  }
0x7d: {  	_ =	swait.ge [sflag:s18], $0x1000  }
0x7e: {  	[sflag:s18] =	ssyncset.done $0x0  }
0x7f: {  	[sflag:s18] =	ssyncadd.s32 $0xFFFFF000  }
.LBB2_6:
0x80: {  	s26 =	sadd.s32 s7, s26  }
0x81: {  	s26 =	sshll.u32 s26, $0x7  }
.Ltmp5:
0x82: {  	s26 =	sadd.s32 s1, s26;
	(pc) =	sbr.rel @p3 .LBB2_8-.Ltmp5, $4  }
0x83: {  	[tilespmem:s4], [sflag:$0x1] =	stream.strided.gather [hbm4b:s26+s13], $0x1000, s14, s13, $0x38;
	[tilespmem:$0x4000] =	vst v63  }
0x84: {  	_ =	swait.ge [sflag:s18], $0x1000  }
0x85: {  	[sflag:s18] =	ssyncset.done $0x0  }
0x86: {  	[sflag:s18] =	ssyncadd.s32 $0xFFFFF000  }
.LBB2_7:
0x87: {  	_ =	swait.ge [sflag:s21], $0x1000  }
0x88: {  	[sflag:s21] =	ssyncset.done $0x0  }
0x89: {  	[sflag:s21] =	ssyncadd.s32 $0xFFFFF000  }
.LBB2_8:
0x8a: {  	s26 =	simm.s32 $0x0  }
0x8b: {  	v16 =	vadd.s32 s26, v0  }
0x8c: {  	s26 =	sand.u32 $0x10, s26;
	v16 =	vand.u32 $0xF, v16  }
0x8d: {  	v16 =	vor.u32 s26, v16  }
0x8e: {  	v18 =	vshll.u32 v16, $0x7  }
0x8f: {  	v17 =	vor.u32 v0, v18;
	_ =	sdelay $0x4  }
0x90: {  	v19 =	vor.u32 v1, v16;
	v17 =	vld.idx.msk [tilespmem:v17+s15+$0x0], $0xffff  }
0x91: {  	v20 =	vor.u32 v2, v18;
	_ =	sdelay $0x3  }
0x92: {  	[tilespmem:v19+s19+$0x0] =	vst.idx.msk $0xffff, v17  }
0x93: {  	v19 =	vor.u32 v3, v16;
	v17 =	vld.idx.msk [tilespmem:v20+s15+$0x0], $0xffff  }
0x94: {  	v20 =	vor.u32 v4, v18;
	_ =	sdelay $0x3  }
0x95: {  	[tilespmem:v19+s19+$0x0] =	vst.idx.msk $0xffff, v17  }
0x96: {  	v19 =	vor.u32 v5, v16;
	v17 =	vld.idx.msk [tilespmem:v20+s15+$0x0], $0xffff  }
0x97: {  	v20 =	vor.u32 v6, v18;
	_ =	sdelay $0x3  }
0x98: {  	[tilespmem:v19+s19+$0x0] =	vst.idx.msk $0xffff, v17  }
0x99: {  	v19 =	vor.u32 v7, v16;
	v17 =	vld.idx.msk [tilespmem:v20+s15+$0x0], $0xffff  }
0x9a: {  	v20 =	vor.u32 v8, v18;
	_ =	sdelay $0x3  }
0x9b: {  	[tilespmem:v19+s19+$0x0] =	vst.idx.msk $0xffff, v17  }
0x9c: {  	v19 =	vor.u32 v9, v16;
	v17 =	vld.idx.msk [tilespmem:v20+s15+$0x0], $0xffff  }
0x9d: {  	v20 =	vor.u32 v10, v18;
	_ =	sdelay $0x3  }
0x9e: {  	[tilespmem:v19+s19+$0x0] =	vst.idx.msk $0xffff, v17  }
0x9f: {  	v19 =	vor.u32 v11, v16;
	v17 =	vld.idx.msk [tilespmem:v20+s15+$0x0], $0xffff  }
0xa0: {  	v20 =	vor.u32 v12, v18;
	_ =	sdelay $0x3  }
0xa1: {  	[tilespmem:v19+s19+$0x0] =	vst.idx.msk $0xffff, v17  }
0xa2: {  	v19 =	vor.u32 v13, v16;
	v17 =	vld.idx.msk [tilespmem:v20+s15+$0x0], $0xffff  }
0xa3: {  	v18 =	vor.u32 v14, v18;
	_ =	sdelay $0x1  }
0xa4: {  	s26 =	simm.s32 $0x1  }
0xa5: {  	s28 =	simm.s32 $0x2;
	v20 =	vadd.s32 s26, v0  }
.LBB2_9:
0xa6: {  	p3 =	sne.s32 s28, $0x1F;
	v20 =	vand.u32 $0xF, v20;
	s29 =	sand.u32 $0x10, s26;
	[tilespmem:v19+s19+$0x0] =	vst.idx.msk $0xffff, v17;
	s26 =	smov.u32 s28  }
0xa7: {  	v17 =	vor.u32 s29, v20;
	v18 =	vld.idx.msk [tilespmem:v18+s15+$0x0], $0xffff  }
0xa8: {  	v19 =	vor.u32 v15, v16;
	v20 =	vshll.u32 v17, $0x7;
	v16 =	vmov v17  }
0xa9: {  	v17 =	vor.u32 v0, v20;
	_ =	sdelay $0x3  }
0xaa: {  	[tilespmem:v19+s19+$0x0] =	vst.idx.msk $0xffff, v18  }
0xab: {  	v17 =	vld.idx.msk [tilespmem:v17+s15+$0x0], $0xffff  }
0xac: {  	v18 =	vor.u32 v1, v16  }
0xad: {  	v19 =	vor.u32 v2, v20;
	_ =	sdelay $0x3  }
0xae: {  	[tilespmem:v18+s19+$0x0] =	vst.idx.msk $0xffff, v17  }
0xaf: {  	v17 =	vld.idx.msk [tilespmem:v19+s15+$0x0], $0xffff  }
0xb0: {  	v18 =	vor.u32 v3, v16  }
0xb1: {  	v19 =	vor.u32 v4, v20;
	_ =	sdelay $0x3  }
0xb2: {  	[tilespmem:v18+s19+$0x0] =	vst.idx.msk $0xffff, v17  }
0xb3: {  	v17 =	vld.idx.msk [tilespmem:v19+s15+$0x0], $0xffff  }
0xb4: {  	v18 =	vor.u32 v5, v16  }
0xb5: {  	v19 =	vor.u32 v6, v20;
	_ =	sdelay $0x3  }
0xb6: {  	[tilespmem:v18+s19+$0x0] =	vst.idx.msk $0xffff, v17  }
0xb7: {  	v17 =	vld.idx.msk [tilespmem:v19+s15+$0x0], $0xffff  }
0xb8: {  	v18 =	vor.u32 v7, v16  }
0xb9: {  	v19 =	vor.u32 v8, v20;
	_ =	sdelay $0x3  }
0xba: {  	[tilespmem:v18+s19+$0x0] =	vst.idx.msk $0xffff, v17  }
0xbb: {  	v17 =	vld.idx.msk [tilespmem:v19+s15+$0x0], $0xffff  }
0xbc: {  	v18 =	vor.u32 v9, v16  }
0xbd: {  	v19 =	vor.u32 v10, v20;
	_ =	sdelay $0x3  }
0xbe: {  	[tilespmem:v18+s19+$0x0] =	vst.idx.msk $0xffff, v17  }
0xbf: {  	v17 =	vld.idx.msk [tilespmem:v19+s15+$0x0], $0xffff  }
0xc0: {  	v18 =	vor.u32 v11, v16  }
0xc1: {  	v19 =	vor.u32 v12, v20;
	_ =	sdelay $0x3  }
0xc2: {  	[tilespmem:v18+s19+$0x0] =	vst.idx.msk $0xffff, v17  }
0xc3: {  	v17 =	vld.idx.msk [tilespmem:v19+s15+$0x0], $0xffff  }
.Ltmp6:
0xc4: {  	v19 =	vor.u32 v13, v16;
	(pc) =	sbr.rel @p3 .LBB2_9-.Ltmp6, $2  }
0xc5: {  	v18 =	vor.u32 v14, v20;
	_ =	sdelay $0x2  }
0xc6: {  	s28 =	sadd.s32 $0x1, s28;
	v20 =	vadd.s32 s26, v0  }
0xc7: {  	_ =	sdelay $0x2  }
0xc8: {  	v20 =	vand.u32 $0xF, v20;
	s26 =	sand.u32 $0x10, s26  }
0xc9: {  	[tilespmem:v19+s19+$0x0] =	vst.idx.msk $0xffff, v17;
	v17 =	vor.u32 s26, v20  }
0xca: {  	v16 =	vor.u32 v15, v16;
	v18 =	vld.idx.msk [tilespmem:v18+s15+$0x0], $0xffff;
	v49 =	vshll.u32 v17, $0x7  }
0xcb: {  	v50 =	vor.u32 v0, v49;
	_ =	sdelay $0x3  }
0xcc: {  	[tilespmem:v16+s19+$0x0] =	vst.idx.msk $0xffff, v18  }
0xcd: {  	v51 =	vor.u32 v1, v17;
	v16 =	vld.idx.msk [tilespmem:v50+s15+$0x0], $0xffff  }
0xce: {  	v52 =	vor.u32 v2, v49;
	_ =	sdelay $0x3  }
0xcf: {  	[tilespmem:v51+s19+$0x0] =	vst.idx.msk $0xffff, v16  }
0xd0: {  	v53 =	vor.u32 v3, v17;
	v16 =	vld.idx.msk [tilespmem:v52+s15+$0x0], $0xffff  }
0xd1: {  	v54 =	vor.u32 v4, v49;
	_ =	sdelay $0x3  }
0xd2: {  	[tilespmem:v53+s19+$0x0] =	vst.idx.msk $0xffff, v16  }
0xd3: {  	v55 =	vor.u32 v5, v17;
	v16 =	vld.idx.msk [tilespmem:v54+s15+$0x0], $0xffff  }
0xd4: {  	v56 =	vor.u32 v6, v49;
	_ =	sdelay $0x3  }
0xd5: {  	[tilespmem:v55+s19+$0x0] =	vst.idx.msk $0xffff, v16  }
0xd6: {  	v57 =	vor.u32 v7, v17;
	v16 =	vld.idx.msk [tilespmem:v56+s15+$0x0], $0xffff  }
0xd7: {  	v58 =	vor.u32 v8, v49;
	_ =	sdelay $0x3  }
0xd8: {  	[tilespmem:v57+s19+$0x0] =	vst.idx.msk $0xffff, v16  }
0xd9: {  	v59 =	vor.u32 v9, v17;
	v16 =	vld.idx.msk [tilespmem:v58+s15+$0x0], $0xffff  }
0xda: {  	v60 =	vor.u32 v10, v49;
	_ =	sdelay $0x3  }
0xdb: {  	[tilespmem:v59+s19+$0x0] =	vst.idx.msk $0xffff, v16  }
0xdc: {  	v61 =	vor.u32 v11, v17;
	v16 =	vld.idx.msk [tilespmem:v60+s15+$0x0], $0xffff  }
0xdd: {  	v62 =	vor.u32 v12, v49;
	_ =	sdelay $0x3  }
0xde: {  	[tilespmem:v61+s19+$0x0] =	vst.idx.msk $0xffff, v16  }
0xdf: {  	v63 =	vor.u32 v13, v17;
	v16 =	vld.idx.msk [tilespmem:v62+s15+$0x0], $0xffff  }
0xe0: {  	v19 =	vor.u32 v14, v49;
	_ =	sdelay $0x3  }
0xe1: {  	[tilespmem:v63+s19+$0x0] =	vst.idx.msk $0xffff, v16  }
0xe2: {  	s24 =	sadd.s32 $0x1, s24;
	v17 =	vor.u32 v15, v17;
	v16 =	vld.idx.msk [tilespmem:v19+s15+$0x0], $0xffff  }
0xe3: {  	p3 =	sne.s32 s24, $0x7A  }
.Ltmp7:
0xe4: {  	_ = 	snop;
	(pc) =	sbr.rel @p3 .LBB2_2-.Ltmp7, $4  }
0xe5: {  	_ = 	snop  }
0xe6: {  	s25 =	sshll.u32 s25, $0x9  }
0xe7: {  	s25 =	sadd.s32 s5, s25;
	[tilespmem:v17+s19+$0x0] =	vst.idx.msk $0xffff, v16  }
0xe8: {  	[hbm4b:s25+s4] =	stream.linear.scatter [tilespmem:s19], [sflag:$0x4], $0x1000, $0x38;
	[tilespmem:$0x4000] =	vst v63  }
0xe9: {  	_ =	swait.ge [sflag:s20], $0x1000  }
.Ltmp8:
0xea: {  	[sflag:s20] =	ssyncset.done $0x0;
	(pc) =	sbr.rel @p1 .LBB2_15-.Ltmp8, $4  }
0xeb: {  	[sflag:s20] =	ssyncadd.s32 $0xFFFFF000  }
0xec: {  	_ =	swait.ge [sflag:s21], $0x1000  }
0xed: {  	[sflag:s21] =	ssyncset.done $0x0  }
0xee: {  	[sflag:s21] =	ssyncadd.s32 $0xFFFFF000  }
0xef: {  	s24 =	simm.s32 $0x0  }
0xf0: {  	v16 =	vadd.s32 s24, v0  }
0xf1: {  	s24 =	sand.u32 $0x10, s24;
	v16 =	vand.u32 $0xF, v16  }
0xf2: {  	v16 =	vor.u32 s24, v16  }
0xf3: {  	v18 =	vshll.u32 v16, $0x7  }
0xf4: {  	v17 =	vor.u32 v0, v18;
	_ =	sdelay $0x1  }
0xf5: {  	_ =	swait.ge [sflag:s16], $0x1000  }
0xf6: {  	[sflag:s16] =	ssyncset.done $0x0  }
0xf7: {  	[sflag:s16] =	ssyncadd.s32 $0xFFFFF000  }
0xf8: {  	v19 =	vor.u32 v1, v16;
	v17 =	vld.idx.msk [tilespmem:v17+s4+$0x0], $0xffff  }
0xf9: {  	v20 =	vor.u32 v2, v18;
	_ =	sdelay $0x3  }
0xfa: {  	[tilespmem:v19+s17+$0x0] =	vst.idx.msk $0xffff, v17  }
0xfb: {  	v19 =	vor.u32 v3, v16;
	v17 =	vld.idx.msk [tilespmem:v20+s4+$0x0], $0xffff  }
0xfc: {  	v20 =	vor.u32 v4, v18;
	_ =	sdelay $0x3  }
0xfd: {  	[tilespmem:v19+s17+$0x0] =	vst.idx.msk $0xffff, v17  }
0xfe: {  	v19 =	vor.u32 v5, v16;
	v17 =	vld.idx.msk [tilespmem:v20+s4+$0x0], $0xffff  }
0xff: {  	v20 =	vor.u32 v6, v18;
	_ =	sdelay $0x3  }
0x100: {  	[tilespmem:v19+s17+$0x0] =	vst.idx.msk $0xffff, v17  }
0x101: {  	v19 =	vor.u32 v7, v16;
	v17 =	vld.idx.msk [tilespmem:v20+s4+$0x0], $0xffff  }
0x102: {  	v20 =	vor.u32 v8, v18;
	_ =	sdelay $0x3  }
0x103: {  	[tilespmem:v19+s17+$0x0] =	vst.idx.msk $0xffff, v17  }
0x104: {  	v19 =	vor.u32 v9, v16;
	v17 =	vld.idx.msk [tilespmem:v20+s4+$0x0], $0xffff  }
0x105: {  	v20 =	vor.u32 v10, v18;
	_ =	sdelay $0x3  }
0x106: {  	[tilespmem:v19+s17+$0x0] =	vst.idx.msk $0xffff, v17  }
0x107: {  	v19 =	vor.u32 v11, v16;
	v17 =	vld.idx.msk [tilespmem:v20+s4+$0x0], $0xffff  }
0x108: {  	v20 =	vor.u32 v12, v18;
	_ =	sdelay $0x3  }
0x109: {  	[tilespmem:v19+s17+$0x0] =	vst.idx.msk $0xffff, v17  }
0x10a: {  	v19 =	vor.u32 v13, v16;
	v17 =	vld.idx.msk [tilespmem:v20+s4+$0x0], $0xffff  }
0x10b: {  	v18 =	vor.u32 v14, v18;
	_ =	sdelay $0x1  }
0x10c: {  	s24 =	simm.s32 $0x1  }
0x10d: {  	s25 =	simm.s32 $0x2;
	v20 =	vadd.s32 s24, v0  }
.LBB2_13:
0x10e: {  	p3 =	sne.s32 s25, $0x1F;
	v20 =	vand.u32 $0xF, v20;
	s26 =	sand.u32 $0x10, s24;
	[tilespmem:v19+s17+$0x0] =	vst.idx.msk $0xffff, v17;
	s24 =	smov.u32 s25  }
0x10f: {  	v17 =	vor.u32 s26, v20;
	v18 =	vld.idx.msk [tilespmem:v18+s4+$0x0], $0xffff  }
0x110: {  	v19 =	vor.u32 v15, v16;
	v20 =	vshll.u32 v17, $0x7;
	v16 =	vmov v17  }
0x111: {  	v17 =	vor.u32 v0, v20;
	_ =	sdelay $0x3  }
0x112: {  	[tilespmem:v19+s17+$0x0] =	vst.idx.msk $0xffff, v18  }
0x113: {  	v17 =	vld.idx.msk [tilespmem:v17+s4+$0x0], $0xffff  }
0x114: {  	v18 =	vor.u32 v1, v16  }
0x115: {  	v19 =	vor.u32 v2, v20;
	_ =	sdelay $0x3  }
0x116: {  	[tilespmem:v18+s17+$0x0] =	vst.idx.msk $0xffff, v17  }
0x117: {  	v17 =	vld.idx.msk [tilespmem:v19+s4+$0x0], $0xffff  }
0x118: {  	v18 =	vor.u32 v3, v16  }
0x119: {  	v19 =	vor.u32 v4, v20;
	_ =	sdelay $0x3  }
0x11a: {  	[tilespmem:v18+s17+$0x0] =	vst.idx.msk $0xffff, v17  }
0x11b: {  	v17 =	vld.idx.msk [tilespmem:v19+s4+$0x0], $0xffff  }
0x11c: {  	v18 =	vor.u32 v5, v16  }
0x11d: {  	v19 =	vor.u32 v6, v20;
	_ =	sdelay $0x3  }
0x11e: {  	[tilespmem:v18+s17+$0x0] =	vst.idx.msk $0xffff, v17  }
0x11f: {  	v17 =	vld.idx.msk [tilespmem:v19+s4+$0x0], $0xffff  }
0x120: {  	v18 =	vor.u32 v7, v16  }
0x121: {  	v19 =	vor.u32 v8, v20;
	_ =	sdelay $0x3  }
0x122: {  	[tilespmem:v18+s17+$0x0] =	vst.idx.msk $0xffff, v17  }
0x123: {  	v17 =	vld.idx.msk [tilespmem:v19+s4+$0x0], $0xffff  }
0x124: {  	v18 =	vor.u32 v9, v16  }
0x125: {  	v19 =	vor.u32 v10, v20;
	_ =	sdelay $0x3  }
0x126: {  	[tilespmem:v18+s17+$0x0] =	vst.idx.msk $0xffff, v17  }
0x127: {  	v17 =	vld.idx.msk [tilespmem:v19+s4+$0x0], $0xffff  }
0x128: {  	v18 =	vor.u32 v11, v16  }
0x129: {  	v19 =	vor.u32 v12, v20;
	_ =	sdelay $0x3  }
0x12a: {  	[tilespmem:v18+s17+$0x0] =	vst.idx.msk $0xffff, v17  }
0x12b: {  	v17 =	vld.idx.msk [tilespmem:v19+s4+$0x0], $0xffff  }
.Ltmp9:
0x12c: {  	v19 =	vor.u32 v13, v16;
	(pc) =	sbr.rel @p3 .LBB2_13-.Ltmp9, $2  }
0x12d: {  	v18 =	vor.u32 v14, v20;
	_ =	sdelay $0x2  }
0x12e: {  	s25 =	sadd.s32 $0x1, s25;
	v20 =	vadd.s32 s24, v0  }
0x12f: {  	_ =	sdelay $0x2  }
0x130: {  	v20 =	vand.u32 $0xF, v20;
	s24 =	sand.u32 $0x10, s24  }
0x131: {  	[tilespmem:v19+s17+$0x0] =	vst.idx.msk $0xffff, v17;
	v17 =	vor.u32 s24, v20  }
0x132: {  	v16 =	vor.u32 v15, v16;
	v18 =	vld.idx.msk [tilespmem:v18+s4+$0x0], $0xffff;
	v49 =	vshll.u32 v17, $0x7  }
0x133: {  	v50 =	vor.u32 v0, v49;
	_ =	sdelay $0x3  }
0x134: {  	[tilespmem:v16+s17+$0x0] =	vst.idx.msk $0xffff, v18  }
0x135: {  	v51 =	vor.u32 v1, v17;
	v16 =	vld.idx.msk [tilespmem:v50+s4+$0x0], $0xffff  }
0x136: {  	v52 =	vor.u32 v2, v49;
	_ =	sdelay $0x3  }
0x137: {  	[tilespmem:v51+s17+$0x0] =	vst.idx.msk $0xffff, v16  }
0x138: {  	v53 =	vor.u32 v3, v17;
	v16 =	vld.idx.msk [tilespmem:v52+s4+$0x0], $0xffff  }
0x139: {  	v54 =	vor.u32 v4, v49;
	_ =	sdelay $0x3  }
0x13a: {  	[tilespmem:v53+s17+$0x0] =	vst.idx.msk $0xffff, v16  }
0x13b: {  	v55 =	vor.u32 v5, v17;
	v16 =	vld.idx.msk [tilespmem:v54+s4+$0x0], $0xffff  }
0x13c: {  	v56 =	vor.u32 v6, v49;
	_ =	sdelay $0x3  }
0x13d: {  	[tilespmem:v55+s17+$0x0] =	vst.idx.msk $0xffff, v16  }
0x13e: {  	v57 =	vor.u32 v7, v17;
	v16 =	vld.idx.msk [tilespmem:v56+s4+$0x0], $0xffff  }
0x13f: {  	v58 =	vor.u32 v8, v49;
	_ =	sdelay $0x3  }
0x140: {  	[tilespmem:v57+s17+$0x0] =	vst.idx.msk $0xffff, v16  }
0x141: {  	v59 =	vor.u32 v9, v17;
	v16 =	vld.idx.msk [tilespmem:v58+s4+$0x0], $0xffff  }
0x142: {  	v60 =	vor.u32 v10, v49;
	_ =	sdelay $0x3  }
0x143: {  	[tilespmem:v59+s17+$0x0] =	vst.idx.msk $0xffff, v16  }
0x144: {  	v61 =	vor.u32 v11, v17;
	v16 =	vld.idx.msk [tilespmem:v60+s4+$0x0], $0xffff  }
0x145: {  	v62 =	vor.u32 v12, v49;
	_ =	sdelay $0x3  }
0x146: {  	[tilespmem:v61+s17+$0x0] =	vst.idx.msk $0xffff, v16  }
0x147: {  	v63 =	vor.u32 v13, v17;
	v16 =	vld.idx.msk [tilespmem:v62+s4+$0x0], $0xffff  }
0x148: {  	v19 =	vor.u32 v14, v49;
	_ =	sdelay $0x3  }
0x149: {  	[tilespmem:v63+s17+$0x0] =	vst.idx.msk $0xffff, v16  }
0x14a: {  	v17 =	vor.u32 v15, v17;
	v16 =	vld.idx.msk [tilespmem:v19+s4+$0x0], $0xffff;
	_ =	sdelay $0x4  }
0x14b: {  	[tilespmem:v17+s17+$0x0] =	vst.idx.msk $0xffff, v16  }
0x14c: {  	[hbm4b:s9+s4] =	stream.linear.scatter [tilespmem:s17], [sflag:$0x3], $0x1000, $0x38;
	[tilespmem:$0x4000] =	vst v63  }
0x14d: {  	_ =	swait.ge [sflag:s20], $0x1000  }
0x14e: {  	[sflag:s20] =	ssyncset.done $0x0  }
0x14f: {  	[sflag:s20] =	ssyncadd.s32 $0xFFFFF000  }
.LBB2_15:
.Ltmp10:
0x150: {  	(pc) =	sbr.rel @p2 .LBB2_19-.Ltmp10, $1  }
0x151: {  	_ =	sdelay $0x3  }
0x152: {  	s24 =	simm.s32 $0x0  }
0x153: {  	v16 =	vadd.s32 s24, v0  }
0x154: {  	s25 =	sand.u32 $0x10, s24;
	v16 =	vand.u32 $0xF, v16  }
0x155: {  	v16 =	vor.u32 s25, v16  }
0x156: {  	v18 =	vshll.u32 v16, $0x7  }
0x157: {  	v17 =	vor.u32 v0, v18  }
0x158: {  	[tilespmem:s24], [sflag:$0x5] =	stream.linear.gather [hbm4b:s2+s24], $0x1000, $0x38;
	[tilespmem:$0x4000] =	vst v63  }
0x159: {  	_ =	swait.ge [sflag:s22], $0x1000  }
0x15a: {  	[sflag:s22] =	ssyncset.done $0x0  }
0x15b: {  	[sflag:s22] =	ssyncadd.s32 $0xFFFFF000  }
0x15c: {  	v19 =	vor.u32 v1, v16;
	v17 =	vld.idx.msk [tilespmem:v17+s4+$0x0], $0xffff  }
0x15d: {  	v20 =	vor.u32 v2, v18;
	_ =	sdelay $0x3  }
0x15e: {  	[tilespmem:v19+s17+$0x0] =	vst.idx.msk $0xffff, v17  }
0x15f: {  	v19 =	vor.u32 v3, v16;
	v17 =	vld.idx.msk [tilespmem:v20+s4+$0x0], $0xffff  }
0x160: {  	v20 =	vor.u32 v4, v18;
	_ =	sdelay $0x3  }
0x161: {  	[tilespmem:v19+s17+$0x0] =	vst.idx.msk $0xffff, v17  }
0x162: {  	v19 =	vor.u32 v5, v16;
	v17 =	vld.idx.msk [tilespmem:v20+s4+$0x0], $0xffff  }
0x163: {  	v18 =	vor.u32 v6, v18;
	_ =	sdelay $0x1  }
0x164: {  	s24 =	simm.s32 $0x1  }
0x165: {  	s25 =	simm.s32 $0x2;
	v20 =	vadd.s32 s24, v0  }
.LBB2_17:
0x166: {  	p3 =	sne.s32 s25, $0x1F;
	v20 =	vand.u32 $0xF, v20;
	s26 =	sand.u32 $0x10, s24;
	[tilespmem:v19+s17+$0x0] =	vst.idx.msk $0xffff, v17;
	s24 =	smov.u32 s25  }
0x167: {  	v17 =	vor.u32 s26, v20;
	v18 =	vld.idx.msk [tilespmem:v18+s4+$0x0], $0xffff  }
0x168: {  	v19 =	vor.u32 v7, v16;
	v20 =	vshll.u32 v17, $0x7;
	v16 =	vmov v17  }
0x169: {  	v17 =	vor.u32 v0, v20;
	_ =	sdelay $0x3  }
0x16a: {  	[tilespmem:v19+s17+$0x0] =	vst.idx.msk $0xffff, v18  }
0x16b: {  	v17 =	vld.idx.msk [tilespmem:v17+s4+$0x0], $0xffff  }
0x16c: {  	v18 =	vor.u32 v1, v16  }
0x16d: {  	v19 =	vor.u32 v2, v20;
	_ =	sdelay $0x3  }
0x16e: {  	[tilespmem:v18+s17+$0x0] =	vst.idx.msk $0xffff, v17  }
0x16f: {  	v17 =	vld.idx.msk [tilespmem:v19+s4+$0x0], $0xffff  }
0x170: {  	v18 =	vor.u32 v3, v16  }
0x171: {  	v19 =	vor.u32 v4, v20;
	_ =	sdelay $0x3  }
0x172: {  	[tilespmem:v18+s17+$0x0] =	vst.idx.msk $0xffff, v17  }
0x173: {  	v17 =	vld.idx.msk [tilespmem:v19+s4+$0x0], $0xffff  }
.Ltmp11:
0x174: {  	v19 =	vor.u32 v5, v16;
	(pc) =	sbr.rel @p3 .LBB2_17-.Ltmp11, $2  }
0x175: {  	v18 =	vor.u32 v6, v20;
	_ =	sdelay $0x2  }
0x176: {  	s25 =	sadd.s32 $0x1, s25;
	v20 =	vadd.s32 s24, v0  }
0x177: {  	_ =	sdelay $0x2  }
0x178: {  	v20 =	vand.u32 $0xF, v20;
	s24 =	sand.u32 $0x10, s24  }
0x179: {  	[tilespmem:v19+s17+$0x0] =	vst.idx.msk $0xffff, v17;
	v17 =	vor.u32 s24, v20  }
0x17a: {  	v16 =	vor.u32 v7, v16;
	v18 =	vld.idx.msk [tilespmem:v18+s4+$0x0], $0xffff;
	v57 =	vshll.u32 v17, $0x7  }
0x17b: {  	v58 =	vor.u32 v0, v57;
	_ =	sdelay $0x3  }
0x17c: {  	[tilespmem:v16+s17+$0x0] =	vst.idx.msk $0xffff, v18  }
0x17d: {  	v59 =	vor.u32 v1, v17;
	v16 =	vld.idx.msk [tilespmem:v58+s4+$0x0], $0xffff  }
0x17e: {  	v60 =	vor.u32 v2, v57;
	_ =	sdelay $0x3  }
0x17f: {  	[tilespmem:v59+s17+$0x0] =	vst.idx.msk $0xffff, v16  }
0x180: {  	v61 =	vor.u32 v3, v17;
	v16 =	vld.idx.msk [tilespmem:v60+s4+$0x0], $0xffff  }
0x181: {  	v62 =	vor.u32 v4, v57;
	_ =	sdelay $0x3  }
0x182: {  	[tilespmem:v61+s17+$0x0] =	vst.idx.msk $0xffff, v16  }
0x183: {  	v63 =	vor.u32 v5, v17;
	v16 =	vld.idx.msk [tilespmem:v62+s4+$0x0], $0xffff  }
0x184: {  	v19 =	vor.u32 v6, v57;
	_ =	sdelay $0x3  }
0x185: {  	[tilespmem:v63+s17+$0x0] =	vst.idx.msk $0xffff, v16  }
0x186: {  	v17 =	vor.u32 v7, v17;
	v16 =	vld.idx.msk [tilespmem:v19+s4+$0x0], $0xffff;
	_ =	sdelay $0x4  }
.Ltmp12:
0x187: {  	[tilespmem:v17+s17+$0x0] =	vst.idx.msk $0xffff, v16;
	(pc) =	sbr.rel .LBB2_19-.Ltmp12, $4  }
0x188: {  	[hbm4b:s10+s4] =	stream.linear.scatter [tilespmem:s17], [sflag:$0x5], $0x800, $0x38;
	[tilespmem:$0x4000] =	vst v63  }
0x189: {  	_ =	swait.ge [sflag:s22], $0x800  }
0x18a: {  	[sflag:s22] =	ssyncset.done $0x0  }
0x18b: {  	[sflag:s22] =	ssyncadd.s32 $0xFFFFF800  }
.LBB2_20:
0x18c: {  	_ =	sfence.sel $0x180000  }
0x18d: {  	[bflag:$0x0] =	sbarrier.arrive $0xFFFF  }
0x18e: {  	p0 =	sne.s32 s3, $0x0;
	_ =	strace $0x90000047  }
0x18f: {  	s0 =	sadd.s32 @!p0 $0x100000, s0;
	[bflag:$0x2] =	sbarrier.arrive $0xFFFF  }
0x190: {  	[sflag:s0] =	ssyncadd.tile.s32 @!p0 $0x1;
	_ =	shalt  }
.Lfunc_end2:
_tile_overlayer_lowered:
.L_overlay_start_2:
0x191: {  	(tag) =	ssettag $0x2  }
0x192: {  	s0 =	rddreg [dreg:$0x0];
	s2 =	stileid.u32  }
0x193: {  	s1 =	rddreg [dreg:$0x1];
	p0 =	sne.s32 s2, $0x0  }
0x194: {  	s3 =	rddreg [dreg:$0x2];
	[bflag:$0x3] =	sbarrier.arrive $0xFFFF;
	s2 =	simm.s32 @!p0 $0x1C05  }
0x195: {  	[timem:s3], [sflag:s2] =	dma.local @!p0 [hbm:s0], s1  }
0x196: {  	s0 =	simm.s32 @!p0 $0x5  }
0x197: {  	_ =	swait.ge @!p0 [sflag:s0], s1  }
0x198: {  	s1 =	ssub.s32 @!p0 $0x0, s1;
	[sflag:s0] =	ssyncset.done @!p0 $0x0  }
0x199: {  	[sflag:s0] =	ssyncadd.s32 @!p0 s1  }
0x19a: {  	[bflag:$0x3] =	sbarrier.arrive $0xFFFF  }
0x19b: {  	_ =	shalt  }

// kernel: kernel.7.cloned.1.call-start
scs
__scs_entry_jumppad:
0x0: {  	(pc) =	sbr.rel $0x88, $3  }
0x1: {  	(tag) =	ssettag $0x0;
	lr =	simm.s32 $0x1  }
0x2: {  	[smem:$0x3F9F] =	sst lr;
	_ =	strace $0xD0000000  }
0x3: {  	_ = 	snop  }
0x4: {  	_ = 	snop  }
0x5: {  	_ = 	snop  }
0x6: {  	_ = 	snop  }
0x7: {  	_ = 	snop  }
__scs_overlays_trampoline_lowered:
0x8: {  	[smem:$0x3FAE] =	sst s0  }
0x9: {  	[smem:$0x3FAF] =	sst s1  }
0xa: {  	[smem:$0x3FB0] =	sst s2  }
0xb: {  	[smem:$0x3FB1] =	sst s3  }
0xc: {  	[smem:$0x3FB2] =	sst s4  }
0xd: {  	[smem:$0x3FB3] =	sst s5  }
0xe: {  	[smem:$0x3FB4] =	sst s6  }
0xf: {  	[smem:$0x3FB5] =	sst s7  }
0x10: {  	[smem:$0x3FB6] =	sst s8  }
0x11: {  	[smem:$0x3FB7] =	sst s9;
	s0 =	simm.s32 @!p0 $0x0  }
0x12: {  	s1 =	sld [smem:$0x3F9D];
	s0 =	simm.s32 @p0 $0x1  }
0x13: {  	[smem:$0x3FB8] =	sst s0;
	s0 =	simm.s32 @!p1 $0x0  }
0x14: {  	s2 =	sld [smem:$0x3F9C];
	s0 =	simm.s32 @p1 $0x1  }
0x15: {  	[smem:$0x3FB9] =	sst s0;
	s0 =	simm.s32 @!p2 $0x0  }
0x16: {  	s3 =	sld [smem:$0x3FDB];
	s0 =	simm.s32 @p2 $0x1  }
0x17: {  	s4 =	simm.s32 $0x1BF5;
	[smem:$0x3FBB] =	sst s0  }
0x18: {  	s0 =	sld [smem:$0x3F9E];
	_ =	swait.ge [sflag:s4], $0x0  }
0x19: {  	s7 =	sld [smem:$0x3F9F]  }
0x1a: {  	s8 =	sadd.s32 $0xFFFFE003, lr  }
0x1b: {  	s9 =	sadd.s32 $0xFFFFFEF7, lr;
	s5 =	simm.s32 $0xFFFFFFFF;
	p2 =	slt.u32 s8, $0xFFFFF086  }
0x1c: {  	p1 =	slt.u32 s9, $0xF7A;
	s5 =	simm.s32 @!p2 $0x0  }
0x1d: {  	s5 =	simm.s32 @p1 $0x1;
	p0 =	seq.s32 s7, s2  }
0x1e: {  	s7 =	smul.u32 @!p0 $0xF7A, s2;
	p2 =	seq.s32 @!p0 s5, $0x0  }
0x1f: {  	s9 =	smul.u32 $0xF7A, s1;
	s8 =	simm.s32 @!p0 $0x1BF5;
	p2 =	por !p2, p0  }
0x20: {  	[sflag:s8] =	ssyncset.s32 @!p0 $0xFFFFF086;
	s6 =	sadd.s32 @!p0 s3, s7;
	s7 =	simm.s32 @!p0 $0x108  }
0x21: {  	s3 =	sadd.s32 s3, s9;
	s6 =	sadd.s32 @!p0 $0x88, s6;
	s7 =	simm.s32 @p2 $0x1082  }
0x22: {  	[simem:s7], [sflag:s8] =	dma.local @!p0 [hbm:s6], $0xF7A  }
0x23: {  	s9 =	sor.u32 $0xD0000000, s2;
	s6 =	simm.s32 $0x108;
	_ =	swait.ge @!p0 [sflag:s8], $0x0  }
0x24: {  	s3 =	sadd.s32 $0x88, s3;
	s6 =	simm.s32 @!p1 $0x1082;
	[sflag:s4] =	ssyncset.s32 $0xFFFFF086  }
0x25: {  	[simem:s6], [sflag:s4] =	dma.local [hbm:s3], $0xF7A  }
0x26: {  	[smem:$0x3F9F] =	sst s1;
	(tag) =	ssettag s2;
	_ =	strace s9  }
0x27: {  	s1 =	sld [smem:$0x3FAF]  }
0x28: {  	s2 =	sld [smem:$0x3FB0]  }
0x29: {  	s4 =	sld [smem:$0x3FB2]  }
0x2a: {  	p0 =	seq.s32 s5, $0x0;
	s5 =	sld [smem:$0x3FB3]  }
0x2b: {  	s6 =	sld [smem:$0x3FB4]  }
0x2c: {  	s7 =	sld [smem:$0x3FB5]  }
0x2d: {  	s3 =	simm.s32 $0x108;
	s8 =	sld [smem:$0x3FB6]  }
0x2e: {  	s3 =	simm.s32 @!p0 $0x1082;
	s9 =	sld [smem:$0x3FB7]  }
0x2f: {  	lr =	sadd.s32 s0, s3;
	s0 =	sld [smem:$0x3FAE]  }
0x30: {  	s3 =	sld [smem:$0x3FB1]  }
0x31: {  	[smem:$0x3FBA] =	sst s10  }
0x32: {  	s10 =	sld [smem:$0x3FB8];
	_ =	sdelay $0x3  }
0x33: {  	p0 =	seq.s32 s10, $0x1;
	s10 =	sld [smem:$0x3FBA];
	_ =	sdelay $0x3  }
0x34: {  	[smem:$0x3FBA] =	sst s10  }
0x35: {  	s10 =	sld [smem:$0x3FB9];
	_ =	sdelay $0x3  }
0x36: {  	p1 =	seq.s32 s10, $0x1;
	s10 =	sld [smem:$0x3FBA];
	_ =	sdelay $0x3  }
0x37: {  	[smem:$0x3FBA] =	sst s10  }
0x38: {  	s10 =	sld [smem:$0x3FBB]  }
0x39: {  	_ = 	snop;
	(pc) =	sbr.ind lr, $3  }
0x3a: {  	_ = 	snop  }
0x3b: {  	_ = 	snop  }
0x3c: {  	p2 =	seq.s32 s10, $0x1;
	s10 =	sld [smem:$0x3FBA]  }
0x3d: {  	_ =	shalt  }
0x3e: {  	_ =	shalt  }
0x3f: {  	_ =	shalt  }
0x40: {  	_ =	shalt  }
0x41: {  	_ =	shalt  }
0x42: {  	_ =	shalt  }
0x43: {  	_ =	shalt  }
0x44: {  	_ =	shalt  }
0x45: {  	_ =	shalt  }
0x46: {  	_ =	shalt  }
0x47: {  	_ =	shalt  }
0x48: {  	_ =	shalt  }
0x49: {  	_ =	shalt  }
0x4a: {  	_ =	shalt  }
0x4b: {  	_ =	shalt  }
0x4c: {  	_ =	shalt  }
0x4d: {  	_ =	shalt  }
0x4e: {  	_ =	shalt  }
0x4f: {  	_ =	shalt  }
0x50: {  	_ =	shalt  }
0x51: {  	_ =	shalt  }
0x52: {  	_ =	shalt  }
0x53: {  	_ =	shalt  }
0x54: {  	_ =	shalt  }
0x55: {  	_ =	shalt  }
0x56: {  	_ =	shalt  }
0x57: {  	_ =	shalt  }
0x58: {  	_ =	shalt  }
0x59: {  	_ =	shalt  }
0x5a: {  	_ =	shalt  }
0x5b: {  	_ =	shalt  }
0x5c: {  	_ =	shalt  }
0x5d: {  	_ =	shalt  }
0x5e: {  	_ =	shalt  }
0x5f: {  	_ =	shalt  }
0x60: {  	_ =	shalt  }
0x61: {  	_ =	shalt  }
0x62: {  	_ =	shalt  }
0x63: {  	_ =	shalt  }
0x64: {  	_ =	shalt  }
0x65: {  	_ =	shalt  }
0x66: {  	_ =	shalt  }
0x67: {  	_ =	shalt  }
0x68: {  	_ =	shalt  }
0x69: {  	_ =	shalt  }
0x6a: {  	_ =	shalt  }
0x6b: {  	_ =	shalt  }
0x6c: {  	_ =	shalt  }
0x6d: {  	_ =	shalt  }
0x6e: {  	_ =	shalt  }
0x6f: {  	_ =	shalt  }
0x70: {  	_ =	shalt  }
0x71: {  	_ =	shalt  }
0x72: {  	_ =	shalt  }
0x73: {  	_ =	shalt  }
0x74: {  	_ =	shalt  }
0x75: {  	_ =	shalt  }
0x76: {  	_ =	shalt  }
0x77: {  	_ =	shalt  }
0x78: {  	_ =	shalt  }
0x79: {  	_ =	shalt  }
0x7a: {  	_ =	shalt  }
0x7b: {  	_ =	shalt  }
0x7c: {  	_ =	shalt  }
0x7d: {  	_ =	shalt  }
0x7e: {  	_ =	shalt  }
0x7f: {  	_ =	shalt  }
0x80: {  	_ =	shalt  }
0x81: {  	_ =	shalt  }
0x82: {  	_ =	shalt  }
0x83: {  	_ =	shalt  }
0x84: {  	_ =	shalt  }
0x85: {  	_ =	shalt  }
0x86: {  	_ =	shalt  }
0x87: {  	_ =	shalt  }
.Lfunc_end0:
.L_simem_size_0:
called_computation.1_lowered:
.L_overlay_start_0:
0x88: {  	s2 =	sld [smem:$0x3FD9]  }
0x89: {  	s3 =	sld [smem:$0x3FFE];
	_ =	sdelay $0x1  }
0x8a: {  	s1 =	srdreg.scid  }
0x8b: {  	s0 =	sand.u32 $0x1, s1  }
0x8c: {  	s17 =	sshll.u32 s0, $0xA;
	s2 =	sadd.s32 s3, s2  }
0x8d: {  	s2 =	sadd.s32 s2, s17  }
0x8e: {  	[smem:$0x3FC6] =	sst s2  }
0x8f: {  	_ = 	snop  }
0x90: {  	s2 =	sld [smem:$0x3FD0];
	(tm) =	ssettm $0x1  }
0x91: {  	s18 =	sld [smem:$0x3FFB];
	_ =	sdelay $0x3  }
0x92: {  	_ =	strace s18  }
0x93: {  	s3 =	sld [smem:$0x3FFC];
	_ =	sdelay $0x3  }
0x94: {  	_ =	strace s3  }
0x95: {  	s3 =	sld [smem:$0x3FFD];
	_ =	sdelay $0x3  }
0x96: {  	_ =	strace s3  }
0x97: {  	_ =	strace $0x8FFFFFFF  }
0x98: {  	s19 =	sld [smem:$0x3FDB];
	_ =	sdelay $0x1  }
0x99: {  	s4 =	simm.s32 $_scs_section_size  }
0x9a: {  	s5 =	simm.s32 $_size__tile_overlayer_lowered;
	s6 =	simm.s32 $_tile_overlayer_lowered  }
0x9b: {  	s22 =	simm.s32 $0x1BFF;
	s21 =	sshll.u32 s6, $0x1;
	s3 =	sadd.s32 s4, s19  }
0x9c: {  	s7 =	simm.s32 $0x0;
	s20 =	sshll.u32 s5, $0x1;
	s5 =	sadd.s32 s21, s3  }
0x9d: {  	[timem:s7], [sflag:s22] =	dma.local [hbm:s5], s20  }
0x9e: {  	_ =	swait.ge [sflag:s22], s20  }
0x9f: {  	s4 =	ssub.s32 $0x0, s20;
	[sflag:s22] =	ssyncset.done $0x0  }
0xa0: {  	[sflag:s22] =	ssyncadd.s32 s4;
	_ =	sdelay $0x1  }
0xa1: {  	s23 =	simm.s32 $0x1B8B  }
0xa2: {  	_ =	swait.ge [sflag:s23], $0x1  }
0xa3: {  	[sflag:s23] =	ssyncset.done $0x0  }
0xa4: {  	s25 =	simm.s32 $0x1B8E;
	s24 =	sld [smem:$0x3FFE];
	[sflag:s23] =	ssyncadd.s32 $0xFFFFFFFF  }
0xa5: {  	s26 =	simm.s32 $execute0_lowered;
	[smem:$0x3FD2] =	sst s25  }
0xa6: {  	s5 =	sshll.u32 s26, $0x1;
	_ =	strace $0x80000049;
	[dreg:$0x1] =	wrdreg $0xFFFFFFFF  }
0xa7: {  	s28 =	simm.s32 $_size_execute0_lowered;
	s3 =	sadd.s32 s3, s5;
	[dreg:$0x0] =	wrdreg $0x0  }
0xa8: {  	s5 =	sshll.u32 s28, $0x1;
	[dreg:$0x2] =	wrdreg s3  }
0xa9: {  	[dreg:$0x3] =	wrdreg s5  }
0xaa: {  	[dreg:$0x4] =	wrdreg $0xC0  }
0xab: {  	_ =	task [dreg:s7], $0x5FFFF  }
0xac: {  	[dreg:$0x1] =	wrdreg $0xFFFFFFFF  }
0xad: {  	[dreg:$0x0] =	wrdreg $0x60  }
0xae: {  	[dreg:$0x2] =	wrdreg s24  }
0xaf: {  	[dreg:$0x3] =	wrdreg s2  }
0xb0: {  	[dreg:$0x4] =	wrdreg $0x9  }
0xb1: {  	_ =	task.clear_ibuf [dreg:s7], $0x5FFFF;
	_ =	strace $0x90000049  }
0xb2: {  	s29 =	simm.s32 $0x9;
	_ =	strace $0x8000004B  }
0xb3: {  	_ =	swait.ge [sflag:s29], $0x1  }
0xb4: {  	[sflag:s29] =	ssyncadd.s32 $0xFFFFFFFF  }
0xb5: {  	_ =	strace $0x9000004B  }
0xb6: {  	_ =	sfence  }
0xb7: {  	s30 =	sld [smem:$0x0];
	_ =	sdelay $0x2  }
0xb8: {  	s31 =	sshll.u32 s1, $0xD;
	s1 =	sshrl.u32 s1, $0x2  }
0xb9: {  	s3 =	sand.u32 $0x4000, s31;
	s1 =	sadd.s32 s1, s30  }
0xba: {  	s0 =	sor.u32 s3, s0;
	s1 =	sshll.u32 s1, $0x11  }
0xbb: {  	s0 =	sor.u32 s1, s0  }
0xbc: {  	s0 =	sadd.s32 $0x8F2B, s0  }
0xbd: {  	[sflag:s0] =	ssyncadd.remote.s32 $0x1  }
0xbe: {  	_ =	sfence.sel $0xFFFF  }
0xbf: {  	[dreg:$0x0] =	wrdreg $0xFFFFFFFF;
	(pc) =	sbr.abs _section_cstart, $3  }
0xc0: {  	[dreg:$0x1] =	wrdreg $0xFFFFFFFF  }
0xc1: {  	_ =	task.clear_ibuf [dreg:s7], $0x2FFFF;
	_ =	strace $0x9FFFFFFF  }
0xc2: {  	(tm) =	ssettm $0x7FFFFFFF  }
0xc3: {  	_ =	shalt  }
tec
execute0_lowered:
.L_overlay_start_1:
0x0: {  	(tag) =	ssettag $0x1  }
0x1: {  	s0 =	rddreg [dreg:$0x0];
	s3 =	srdreg.scid  }
0x2: {  	s2 =	rddreg [dreg:$0x1];
	s1 =	stileid.u32;
	s8 =	simm.s32 $0x200  }
0x3: {  	s9 =	simm.s32 $0x4000;
	s10 =	simm.s32 $0x5;
	s11 =	simm.s32 $0x80  }
0x4: {  	s12 =	simm.s32 $0x6400;
	s13 =	simm.s32 $0x7400;
	s14 =	simm.s32 $0x1  }
0x5: {  	s15 =	simm.s32 $0x8400;
	s16 =	simm.s32 $0x400;
	s17 =	simm.s32 $0x20000  }
0x6: {  	s18 =	simm.s32 $0x2;
	s19 =	simm.s32 $0x9400;
	s20 =	simm.s32 $0x3  }
0x7: {  	v0 =	vlaneseq.u32;
	s21 =	simm.s32 $0x4;
	s22 =	simm.s32 $0x0;
	s5 =	sand.u32 $0x1, s3  }
0x8: {  	s26 =	simm.s32 $0x0;
	s4 =	sshll.u32 s1, $0x3;
	v1 =	vmul.u32 $0x20, v0;
	v3 =	vor.u32 $0x10, v0;
	v5 =	vor.u32 $0x20, v0;
	s6 =	sshll.u32 s5, $0x2  }
0x9: {  	s3 =	simm.s32 $0x0;
	v7 =	vor.u32 $0x30, v0;
	v9 =	vor.u32 $0x40, v0;
	v11 =	vor.u32 $0x50, v0;
	s5 =	ssub.s32 $0x2, s5;
	s4 =	sor.u32 s6, s4  }
0xa: {  	v13 =	vor.u32 $0x60, v0;
	v15 =	vor.u32 $0x70, v0;
	[smem:$0x7FF] =	sst s3;
	s7 =	sshrl.u32 s5, $0x1;
	v2 =	vor.u32 $0x200, v1;
	s6 =	sshll.u32 s4, $0x4  }
0xb: {  	_ =	strace $0x8000004A;
	v4 =	vor.u32 $0x400, v1;
	v6 =	vor.u32 $0x600, v1;
	v8 =	vor.u32 $0x800, v1;
	s7 =	ssub.s32 s5, s7;
	s6 =	sadd.s32 s6, s0  }
0xc: {  	v10 =	vor.u32 $0xA00, v1;
	v12 =	vor.u32 $0xC00, v1;
	v14 =	vor.u32 $0xE00, v1;
	s5 =	sadd.s32 $0x600, s0;
	s7 =	smax.u32 s7, $0x1;
	s6 =	sadd.s32 $0x3D1000, s6  }
.LBB2_1:
0xd: {  	[tilespmem:s3], [sflag:$0x5] =	stream.strided.gather [hbm4b:s6+s8], $0x6400, s9, s8, $0x38;
	[tilespmem:$0xA400] =	vst v63  }
0xe: {  	_ =	swait.ge [sflag:s10], $0x6400  }
0xf: {  	[sflag:s10] =	ssyncset.done $0x0  }
0x10: {  	s23 =	simm.s32 $0x0;
	[sflag:s10] =	ssyncadd.s32 $0xFFFF9C00  }
.LBB2_2:
0x11: {  	s24 =	sshll.u32 s23, $0x7;
	s0 =	sor.u32 s4, s23  }
0x12: {  	[tilespmem:s12], [sflag:$0x1] =	stream.indirect.gather [hbm4b:s5+s11], $0x20, s24, s11, $0xb8;
	[tilespmem:$0xA400] =	vst v63  }
0x13: {  	s28 =	simm.s32 $0x0;
	s25 =	sshll.u32 s0, $0xA  }
.LBB2_3:
0x14: {  	s0 =	sand.u32 $0xF, s26  }
0x15: {  	v16 =	vadd.s32 s0, v0  }
0x16: {  	s0 =	sand.u32 $0x10, s26;
	v17 =	vand.u32 $0xF, v16  }
0x17: {  	s29 =	sshllo.u32 s28, $0x1;
	v17 =	vor.u32 s0, v17  }
0x18: {  	v19 =	vand.u32 $0x7, v16;
	s0 =	sshll.u32 s29, $0x9;
	v18 =	vand.u32 $0x18, v17  }
0x19: {  	s0 =	sand.u32 $0x3FFFFE00, s0;
	v20 =	vor.u32 v19, v18  }
0x1a: {  	s0 =	sadd.s32 s0, s24;
	v18 =	vor.u32 v1, v20  }
0x1b: {  	[tilespmem:s13], [sflag:$0x2] =	stream.indirect.gather [hbm4b:s5+s11], $0x20, s0, s11, $0xb8;
	[tilespmem:$0xA400] =	vst v63  }
0x1c: {  	v16 =	vshll.u32 v16, $0x7;
	v17 =	vshll.u32 v17, $0x7;
	_ =	swait.ge [sflag:s14], $0x1000  }
0x1d: {  	v16 =	vand.u32 $0x380, v16;
	v17 =	vand.u32 $0xC00, v17;
	[sflag:s14] =	ssyncset.done $0x0  }
0x1e: {  	v16 =	vor.u32 v16, v17;
	[sflag:s14] =	ssyncadd.s32 $0xFFFFF000  }
0x1f: {  	v17 =	vld.idx.msk [tilespmem:v18+s12+$0x0], $0xffff;
	v18 =	vor.u32 v0, v16  }
0x20: {  	v19 =	vor.u32 v2, v20;
	_ =	sdelay $0x3  }
0x21: {  	[tilespmem:v18+s15+$0x0] =	vst.idx.msk $0xffff, v17  }
0x22: {  	v18 =	vor.u32 v3, v16;
	v17 =	vld.idx.msk [tilespmem:v19+s12+$0x0], $0xffff  }
0x23: {  	v19 =	vor.u32 v4, v20;
	_ =	sdelay $0x3  }
0x24: {  	[tilespmem:v18+s15+$0x0] =	vst.idx.msk $0xffff, v17  }
0x25: {  	v18 =	vor.u32 v5, v16;
	v17 =	vld.idx.msk [tilespmem:v19+s12+$0x0], $0xffff  }
0x26: {  	v19 =	vor.u32 v6, v20;
	_ =	sdelay $0x3  }
0x27: {  	[tilespmem:v18+s15+$0x0] =	vst.idx.msk $0xffff, v17  }
0x28: {  	v18 =	vor.u32 v7, v16;
	v17 =	vld.idx.msk [tilespmem:v19+s12+$0x0], $0xffff  }
0x29: {  	v19 =	vor.u32 v8, v20;
	_ =	sdelay $0x3  }
0x2a: {  	[tilespmem:v18+s15+$0x0] =	vst.idx.msk $0xffff, v17  }
0x2b: {  	v18 =	vor.u32 v9, v16;
	v17 =	vld.idx.msk [tilespmem:v19+s12+$0x0], $0xffff  }
0x2c: {  	v19 =	vor.u32 v10, v20;
	_ =	sdelay $0x3  }
0x2d: {  	[tilespmem:v18+s15+$0x0] =	vst.idx.msk $0xffff, v17  }
0x2e: {  	v18 =	vor.u32 v11, v16;
	v17 =	vld.idx.msk [tilespmem:v19+s12+$0x0], $0xffff  }
0x2f: {  	v19 =	vor.u32 v12, v20;
	_ =	sdelay $0x3  }
0x30: {  	[tilespmem:v18+s15+$0x0] =	vst.idx.msk $0xffff, v17  }
0x31: {  	v18 =	vld.idx.msk [tilespmem:v19+s12+$0x0], $0xffff;
	v19 =	vor.u32 v13, v16  }
0x32: {  	s30 =	simm.s32 $0x1;
	v17 =	vor.u32 v14, v20  }
0x33: {  	s31 =	simm.s32 $0x2;
	s0 =	sand.u32 $0xF, s30  }
.LBB2_4:
0x34: {  	p0 =	sne.s32 s31, $0x1F;
	v20 =	vadd.s32 s0, v0  }
0x35: {  	s0 =	sand.u32 $0x10, s30;
	s30 =	smov.u32 s31;
	v21 =	vand.u32 $0xF, v20  }
0x36: {  	v21 =	vor.u32 s0, v21;
	[tilespmem:v19+s15+$0x0] =	vst.idx.msk $0xffff, v18  }
0x37: {  	v19 =	vand.u32 $0x7, v20;
	v18 =	vand.u32 $0x18, v21;
	v17 =	vld.idx.msk [tilespmem:v17+s12+$0x0], $0xffff  }
0x38: {  	v16 =	vor.u32 v15, v16;
	v22 =	vor.u32 v19, v18  }
0x39: {  	v18 =	vor.u32 v1, v22;
	_ =	sdelay $0x2  }
0x3a: {  	v20 =	vshll.u32 v20, $0x7;
	v19 =	vshll.u32 v21, $0x7  }
0x3b: {  	v20 =	vand.u32 $0x380, v20;
	v19 =	vand.u32 $0xC00, v19;
	[tilespmem:v16+s15+$0x0] =	vst.idx.msk $0xffff, v17  }
0x3c: {  	v16 =	vor.u32 v20, v19;
	v17 =	vld.idx.msk [tilespmem:v18+s12+$0x0], $0xffff  }
0x3d: {  	v18 =	vor.u32 v0, v16  }
0x3e: {  	v19 =	vor.u32 v2, v22;
	_ =	sdelay $0x3  }
0x3f: {  	[tilespmem:v18+s15+$0x0] =	vst.idx.msk $0xffff, v17  }
0x40: {  	v17 =	vld.idx.msk [tilespmem:v19+s12+$0x0], $0xffff  }
0x41: {  	v18 =	vor.u32 v3, v16  }
0x42: {  	v19 =	vor.u32 v4, v22;
	_ =	sdelay $0x3  }
0x43: {  	[tilespmem:v18+s15+$0x0] =	vst.idx.msk $0xffff, v17  }
0x44: {  	v17 =	vld.idx.msk [tilespmem:v19+s12+$0x0], $0xffff  }
0x45: {  	v18 =	vor.u32 v5, v16  }
0x46: {  	v19 =	vor.u32 v6, v22;
	_ =	sdelay $0x3  }
0x47: {  	[tilespmem:v18+s15+$0x0] =	vst.idx.msk $0xffff, v17  }
0x48: {  	v17 =	vld.idx.msk [tilespmem:v19+s12+$0x0], $0xffff  }
0x49: {  	v18 =	vor.u32 v7, v16  }
0x4a: {  	v19 =	vor.u32 v8, v22;
	_ =	sdelay $0x3  }
0x4b: {  	[tilespmem:v18+s15+$0x0] =	vst.idx.msk $0xffff, v17  }
0x4c: {  	v17 =	vld.idx.msk [tilespmem:v19+s12+$0x0], $0xffff  }
0x4d: {  	v18 =	vor.u32 v9, v16  }
0x4e: {  	v19 =	vor.u32 v10, v22;
	_ =	sdelay $0x3  }
0x4f: {  	[tilespmem:v18+s15+$0x0] =	vst.idx.msk $0xffff, v17  }
0x50: {  	v17 =	vld.idx.msk [tilespmem:v19+s12+$0x0], $0xffff  }
0x51: {  	v18 =	vor.u32 v11, v16  }
0x52: {  	v19 =	vor.u32 v12, v22;
	_ =	sdelay $0x3  }
.Ltmp0:
0x53: {  	[tilespmem:v18+s15+$0x0] =	vst.idx.msk $0xffff, v17;
	(pc) =	sbr.rel @p0 .LBB2_4-.Ltmp0, $4  }
0x54: {  	v18 =	vld.idx.msk [tilespmem:v19+s12+$0x0], $0xffff  }
0x55: {  	v19 =	vor.u32 v13, v16  }
0x56: {  	v17 =	vor.u32 v14, v22  }
0x57: {  	s31 =	sadd.s32 $0x1, s31;
	s0 =	sand.u32 $0xF, s30  }
0x58: {  	_ = 	snop  }
0x59: {  	v20 =	vadd.s32 s0, v0  }
0x5a: {  	s0 =	sand.u32 $0x10, s30;
	v21 =	vand.u32 $0xF, v20  }
0x5b: {  	v21 =	vor.u32 s0, v21  }
0x5c: {  	[tilespmem:v19+s15+$0x0] =	vst.idx.msk $0xffff, v18;
	v19 =	vand.u32 $0x7, v20;
	v18 =	vand.u32 $0x18, v21  }
0x5d: {  	v16 =	vor.u32 v15, v16;
	v17 =	vld.idx.msk [tilespmem:v17+s12+$0x0], $0xffff;
	v18 =	vor.u32 v19, v18  }
0x5e: {  	v19 =	vor.u32 v1, v18;
	_ =	sdelay $0x1  }
0x5f: {  	v20 =	vshll.u32 v20, $0x7;
	v21 =	vshll.u32 v21, $0x7  }
0x60: {  	v20 =	vand.u32 $0x380, v20;
	v21 =	vand.u32 $0xC00, v21  }
0x61: {  	[tilespmem:v16+s15+$0x0] =	vst.idx.msk $0xffff, v17;
	v16 =	vor.u32 v20, v21  }
0x62: {  	v17 =	vld.idx.msk [tilespmem:v19+s12+$0x0], $0xffff;
	v19 =	vor.u32 v0, v16  }
0x63: {  	v20 =	vor.u32 v2, v18;
	_ =	sdelay $0x3  }
0x64: {  	[tilespmem:v19+s15+$0x0] =	vst.idx.msk $0xffff, v17  }
0x65: {  	v19 =	vor.u32 v3, v16;
	v17 =	vld.idx.msk [tilespmem:v20+s12+$0x0], $0xffff  }
0x66: {  	v20 =	vor.u32 v4, v18;
	_ =	sdelay $0x3  }
0x67: {  	[tilespmem:v19+s15+$0x0] =	vst.idx.msk $0xffff, v17  }
0x68: {  	v19 =	vor.u32 v5, v16;
	v17 =	vld.idx.msk [tilespmem:v20+s12+$0x0], $0xffff  }
0x69: {  	v20 =	vor.u32 v6, v18;
	_ =	sdelay $0x3  }
0x6a: {  	[tilespmem:v19+s15+$0x0] =	vst.idx.msk $0xffff, v17  }
0x6b: {  	v19 =	vor.u32 v7, v16;
	v17 =	vld.idx.msk [tilespmem:v20+s12+$0x0], $0xffff  }
0x6c: {  	v20 =	vor.u32 v8, v18;
	_ =	sdelay $0x3  }
0x6d: {  	[tilespmem:v19+s15+$0x0] =	vst.idx.msk $0xffff, v17  }
0x6e: {  	v19 =	vor.u32 v9, v16;
	v17 =	vld.idx.msk [tilespmem:v20+s12+$0x0], $0xffff  }
0x6f: {  	v20 =	vor.u32 v10, v18;
	_ =	sdelay $0x3  }
0x70: {  	[tilespmem:v19+s15+$0x0] =	vst.idx.msk $0xffff, v17  }
0x71: {  	v19 =	vor.u32 v11, v16;
	v17 =	vld.idx.msk [tilespmem:v20+s12+$0x0], $0xffff  }
0x72: {  	v20 =	vor.u32 v12, v18;
	_ =	sdelay $0x3  }
0x73: {  	[tilespmem:v19+s15+$0x0] =	vst.idx.msk $0xffff, v17  }
0x74: {  	v19 =	vor.u32 v13, v16;
	v17 =	vld.idx.msk [tilespmem:v20+s12+$0x0], $0xffff  }
0x75: {  	v18 =	vor.u32 v14, v18;
	_ =	sdelay $0x3  }
0x76: {  	[tilespmem:v19+s15+$0x0] =	vst.idx.msk $0xffff, v17  }
0x77: {  	v16 =	vor.u32 v15, v16;
	v17 =	vld.idx.msk [tilespmem:v18+s12+$0x0], $0xffff;
	_ =	sdelay $0x1  }
0x78: {  	s0 =	sshll.u32 s28, $0x14  }
0x79: {  	s0 =	sadd.s32 s25, s0  }
0x7a: {  	s30 =	simm.s32 $0x0;
	s0 =	sshrl.u32 s0, $0x3  }
0x7b: {  	s31 =	sand.u32 $0xF, s30;
	s0 =	sadd.s32 s2, s0;
	[tilespmem:v16+s15+$0x0] =	vst.idx.msk $0xffff, v17  }
0x7c: {  	v16 =	vadd.s32 s31, v0;
	[hbm4b:s0+s16] =	stream.strided.scatter [tilespmem:s15], [sflag:$0x3], $0x1000, s17, s16, $0x38;
	[tilespmem:$0xA400] =	vst v63  }
0x7d: {  	p0 =	seq.s32 s28, $0x18;
	v17 =	vand.u32 $0xF, v16;
	s0 =	sand.u32 $0x10, s30  }
0x7e: {  	s30 =	sshll.u32 @!p0 s28, $0xA;
	v17 =	vor.u32 s0, v17  }
0x7f: {  	v19 =	vand.u32 $0x7, v16;
	s0 =	sand.u32 @!p0 $0x3FFFFC00, s30;
	v18 =	vand.u32 $0x18, v17  }
0x80: {  	s0 =	sadd.s32 @!p0 s24, s0;
	v20 =	vor.u32 v19, v18  }
0x81: {  	s31 =	simm.s32 @!p0 $0x6400;
	s30 =	simm.s32 @!p0 $0x80;
	s0 =	sadd.s32 @!p0 $0x400, s0;
	v18 =	vor.u32 v1, v20  }
0x82: {  	[tilespmem:s31], [sflag:$0x1] =	stream.indirect.gather @!p0 [hbm4b:s5+s30], $0x20, s0, s30, $0xb8;
	[tilespmem:$0xA400] =	vst v63  }
0x83: {  	v16 =	vshll.u32 v16, $0x7;
	v17 =	vshll.u32 v17, $0x7;
	_ =	swait.ge [sflag:s18], $0x1000  }
0x84: {  	v16 =	vand.u32 $0x380, v16;
	v17 =	vand.u32 $0xC00, v17;
	[sflag:s18] =	ssyncset.done $0x0  }
0x85: {  	v16 =	vor.u32 v16, v17;
	[sflag:s18] =	ssyncadd.s32 $0xFFFFF000  }
0x86: {  	v17 =	vld.idx.msk [tilespmem:v18+s13+$0x0], $0xffff;
	v18 =	vor.u32 v0, v16  }
0x87: {  	v19 =	vor.u32 v2, v20;
	_ =	sdelay $0x3  }
0x88: {  	[tilespmem:v18+s19+$0x0] =	vst.idx.msk $0xffff, v17  }
0x89: {  	v18 =	vor.u32 v3, v16;
	v17 =	vld.idx.msk [tilespmem:v19+s13+$0x0], $0xffff  }
0x8a: {  	v19 =	vor.u32 v4, v20;
	_ =	sdelay $0x3  }
0x8b: {  	[tilespmem:v18+s19+$0x0] =	vst.idx.msk $0xffff, v17  }
0x8c: {  	v18 =	vor.u32 v5, v16;
	v17 =	vld.idx.msk [tilespmem:v19+s13+$0x0], $0xffff  }
0x8d: {  	v19 =	vor.u32 v6, v20;
	_ =	sdelay $0x3  }
0x8e: {  	[tilespmem:v18+s19+$0x0] =	vst.idx.msk $0xffff, v17  }
0x8f: {  	v18 =	vor.u32 v7, v16;
	v17 =	vld.idx.msk [tilespmem:v19+s13+$0x0], $0xffff  }
0x90: {  	v19 =	vor.u32 v8, v20;
	_ =	sdelay $0x3  }
0x91: {  	[tilespmem:v18+s19+$0x0] =	vst.idx.msk $0xffff, v17  }
0x92: {  	v18 =	vor.u32 v9, v16;
	v17 =	vld.idx.msk [tilespmem:v19+s13+$0x0], $0xffff  }
0x93: {  	v19 =	vor.u32 v10, v20;
	_ =	sdelay $0x3  }
0x94: {  	[tilespmem:v18+s19+$0x0] =	vst.idx.msk $0xffff, v17  }
0x95: {  	v18 =	vor.u32 v11, v16;
	v17 =	vld.idx.msk [tilespmem:v19+s13+$0x0], $0xffff  }
0x96: {  	v19 =	vor.u32 v12, v20;
	_ =	sdelay $0x3  }
0x97: {  	[tilespmem:v18+s19+$0x0] =	vst.idx.msk $0xffff, v17  }
0x98: {  	v18 =	vld.idx.msk [tilespmem:v19+s13+$0x0], $0xffff;
	v19 =	vor.u32 v13, v16  }
0x99: {  	s30 =	simm.s32 $0x1;
	v17 =	vor.u32 v14, v20  }
0x9a: {  	s31 =	simm.s32 $0x2;
	s0 =	sand.u32 $0xF, s30  }
.LBB2_6:
0x9b: {  	p0 =	sne.s32 s31, $0x1F;
	v20 =	vadd.s32 s0, v0  }
0x9c: {  	s0 =	sand.u32 $0x10, s30;
	s30 =	smov.u32 s31;
	v21 =	vand.u32 $0xF, v20  }
0x9d: {  	v21 =	vor.u32 s0, v21;
	[tilespmem:v19+s19+$0x0] =	vst.idx.msk $0xffff, v18  }
0x9e: {  	v19 =	vand.u32 $0x7, v20;
	v18 =	vand.u32 $0x18, v21;
	v17 =	vld.idx.msk [tilespmem:v17+s13+$0x0], $0xffff  }
0x9f: {  	v16 =	vor.u32 v15, v16;
	v22 =	vor.u32 v19, v18  }
0xa0: {  	v18 =	vor.u32 v1, v22;
	_ =	sdelay $0x2  }
0xa1: {  	v20 =	vshll.u32 v20, $0x7;
	v19 =	vshll.u32 v21, $0x7  }
0xa2: {  	v20 =	vand.u32 $0x380, v20;
	v19 =	vand.u32 $0xC00, v19;
	[tilespmem:v16+s19+$0x0] =	vst.idx.msk $0xffff, v17  }
0xa3: {  	v16 =	vor.u32 v20, v19;
	v17 =	vld.idx.msk [tilespmem:v18+s13+$0x0], $0xffff  }
0xa4: {  	v18 =	vor.u32 v0, v16  }
0xa5: {  	v19 =	vor.u32 v2, v22;
	_ =	sdelay $0x3  }
0xa6: {  	[tilespmem:v18+s19+$0x0] =	vst.idx.msk $0xffff, v17  }
0xa7: {  	v17 =	vld.idx.msk [tilespmem:v19+s13+$0x0], $0xffff  }
0xa8: {  	v18 =	vor.u32 v3, v16  }
0xa9: {  	v19 =	vor.u32 v4, v22;
	_ =	sdelay $0x3  }
0xaa: {  	[tilespmem:v18+s19+$0x0] =	vst.idx.msk $0xffff, v17  }
0xab: {  	v17 =	vld.idx.msk [tilespmem:v19+s13+$0x0], $0xffff  }
0xac: {  	v18 =	vor.u32 v5, v16  }
0xad: {  	v19 =	vor.u32 v6, v22;
	_ =	sdelay $0x3  }
0xae: {  	[tilespmem:v18+s19+$0x0] =	vst.idx.msk $0xffff, v17  }
0xaf: {  	v17 =	vld.idx.msk [tilespmem:v19+s13+$0x0], $0xffff  }
0xb0: {  	v18 =	vor.u32 v7, v16  }
0xb1: {  	v19 =	vor.u32 v8, v22;
	_ =	sdelay $0x3  }
0xb2: {  	[tilespmem:v18+s19+$0x0] =	vst.idx.msk $0xffff, v17  }
0xb3: {  	v17 =	vld.idx.msk [tilespmem:v19+s13+$0x0], $0xffff  }
0xb4: {  	v18 =	vor.u32 v9, v16  }
0xb5: {  	v19 =	vor.u32 v10, v22;
	_ =	sdelay $0x3  }
0xb6: {  	[tilespmem:v18+s19+$0x0] =	vst.idx.msk $0xffff, v17  }
0xb7: {  	v17 =	vld.idx.msk [tilespmem:v19+s13+$0x0], $0xffff  }
0xb8: {  	v18 =	vor.u32 v11, v16  }
0xb9: {  	v19 =	vor.u32 v12, v22;
	_ =	sdelay $0x3  }
.Ltmp1:
0xba: {  	[tilespmem:v18+s19+$0x0] =	vst.idx.msk $0xffff, v17;
	(pc) =	sbr.rel @p0 .LBB2_6-.Ltmp1, $4  }
0xbb: {  	v18 =	vld.idx.msk [tilespmem:v19+s13+$0x0], $0xffff  }
0xbc: {  	v19 =	vor.u32 v13, v16  }
0xbd: {  	v17 =	vor.u32 v14, v22  }
0xbe: {  	s31 =	sadd.s32 $0x1, s31;
	s0 =	sand.u32 $0xF, s30  }
0xbf: {  	_ = 	snop  }
0xc0: {  	v20 =	vadd.s32 s0, v0  }
0xc1: {  	s30 =	sand.u32 $0x10, s30;
	v21 =	vand.u32 $0xF, v20  }
0xc2: {  	v21 =	vor.u32 s30, v21  }
0xc3: {  	[tilespmem:v19+s19+$0x0] =	vst.idx.msk $0xffff, v18;
	v50 =	vand.u32 $0x7, v20;
	v49 =	vand.u32 $0x18, v21  }
0xc4: {  	v16 =	vor.u32 v15, v16;
	v17 =	vld.idx.msk [tilespmem:v17+s13+$0x0], $0xffff;
	v18 =	vor.u32 v50, v49  }
0xc5: {  	v19 =	vor.u32 v1, v18;
	_ =	sdelay $0x1  }
0xc6: {  	v20 =	vshll.u32 v20, $0x7;
	v21 =	vshll.u32 v21, $0x7  }
0xc7: {  	v20 =	vand.u32 $0x380, v20;
	v21 =	vand.u32 $0xC00, v21  }
0xc8: {  	[tilespmem:v16+s19+$0x0] =	vst.idx.msk $0xffff, v17;
	v16 =	vor.u32 v20, v21  }
0xc9: {  	v51 =	vor.u32 v0, v16;
	v17 =	vld.idx.msk [tilespmem:v19+s13+$0x0], $0xffff  }
0xca: {  	v52 =	vor.u32 v2, v18;
	_ =	sdelay $0x3  }
0xcb: {  	[tilespmem:v51+s19+$0x0] =	vst.idx.msk $0xffff, v17  }
0xcc: {  	v53 =	vor.u32 v3, v16;
	v17 =	vld.idx.msk [tilespmem:v52+s13+$0x0], $0xffff  }
0xcd: {  	v54 =	vor.u32 v4, v18;
	_ =	sdelay $0x3  }
0xce: {  	[tilespmem:v53+s19+$0x0] =	vst.idx.msk $0xffff, v17  }
0xcf: {  	v55 =	vor.u32 v5, v16;
	v17 =	vld.idx.msk [tilespmem:v54+s13+$0x0], $0xffff  }
0xd0: {  	v56 =	vor.u32 v6, v18;
	_ =	sdelay $0x3  }
0xd1: {  	[tilespmem:v55+s19+$0x0] =	vst.idx.msk $0xffff, v17  }
0xd2: {  	v57 =	vor.u32 v7, v16;
	v17 =	vld.idx.msk [tilespmem:v56+s13+$0x0], $0xffff  }
0xd3: {  	v58 =	vor.u32 v8, v18;
	_ =	sdelay $0x3  }
0xd4: {  	[tilespmem:v57+s19+$0x0] =	vst.idx.msk $0xffff, v17  }
0xd5: {  	v59 =	vor.u32 v9, v16;
	v17 =	vld.idx.msk [tilespmem:v58+s13+$0x0], $0xffff  }
0xd6: {  	v60 =	vor.u32 v10, v18;
	_ =	sdelay $0x3  }
0xd7: {  	[tilespmem:v59+s19+$0x0] =	vst.idx.msk $0xffff, v17  }
0xd8: {  	v61 =	vor.u32 v11, v16;
	v17 =	vld.idx.msk [tilespmem:v60+s13+$0x0], $0xffff  }
0xd9: {  	v62 =	vor.u32 v12, v18;
	_ =	sdelay $0x3  }
0xda: {  	[tilespmem:v61+s19+$0x0] =	vst.idx.msk $0xffff, v17  }
0xdb: {  	v63 =	vor.u32 v13, v16;
	v17 =	vld.idx.msk [tilespmem:v62+s13+$0x0], $0xffff  }
0xdc: {  	v18 =	vor.u32 v14, v18;
	_ =	sdelay $0x3  }
0xdd: {  	[tilespmem:v63+s19+$0x0] =	vst.idx.msk $0xffff, v17  }
0xde: {  	v16 =	vor.u32 v15, v16;
	v17 =	vld.idx.msk [tilespmem:v18+s13+$0x0], $0xffff;
	_ =	sdelay $0x1  }
0xdf: {  	s31 =	sshll.u32 s29, $0x13  }
0xe0: {  	s0 =	sadd.s32 s25, s31  }
0xe1: {  	s0 =	sshrl.u32 s0, $0x3  }
0xe2: {  	s28 =	sadd.s32 $0x1, s28;
	s0 =	sadd.s32 s2, s0;
	[tilespmem:v16+s19+$0x0] =	vst.idx.msk $0xffff, v17  }
0xe3: {  	[hbm4b:s0+s16] =	stream.strided.scatter [tilespmem:s19], [sflag:$0x4], $0x1000, s17, s16, $0x38;
	[tilespmem:$0xA400] =	vst v63  }
0xe4: {  	p0 =	sne.s32 s28, $0x19;
	_ =	swait.ge [sflag:s20], $0x1000  }
.Ltmp2:
0xe5: {  	[sflag:s20] =	ssyncset.done $0x0;
	(pc) =	sbr.rel @p0 .LBB2_3-.Ltmp2, $4  }
0xe6: {  	[sflag:s20] =	ssyncadd.s32 $0xFFFFF000  }
0xe7: {  	_ =	swait.ge [sflag:s21], $0x1000  }
0xe8: {  	[sflag:s21] =	ssyncset.done $0x0  }
0xe9: {  	[sflag:s21] =	ssyncadd.s32 $0xFFFFF000  }
0xea: {  	s23 =	sadd.s32 $0x1, s23  }
0xeb: {  	p0 =	sne.s32 s23, $0x4  }
.Ltmp3:
0xec: {  	_ = 	snop;
	(pc) =	sbr.rel @p0 .LBB2_2-.Ltmp3, $1  }
0xed: {  	_ =	sdelay $0x3  }
0xee: {  	s22 =	sadd.s32 $0x1, s22  }
0xef: {  	p0 =	sne.s32 s22, s7  }
.Ltmp4:
0xf0: {  	_ = 	snop;
	(pc) =	sbr.rel @p0 .LBB2_1-.Ltmp4, $1  }
0xf1: {  	_ =	sdelay $0x3  }
0xf2: {  	_ =	sfence.sel $0x180000  }
0xf3: {  	[bflag:$0x0] =	sbarrier.arrive $0xFFFF  }
0xf4: {  	_ =	strace $0x9000004A  }
0xf5: {  	[bflag:$0x2] =	sbarrier.arrive $0xFFFF  }
0xf6: {  	p0 =	sne.s32 s1, $0x0;
	s0 =	rddreg [dreg:$0x2]  }
0xf7: {  	s0 =	sadd.s32 @!p0 $0x100000, s0  }
0xf8: {  	[sflag:s0] =	ssyncadd.tile.s32 @!p0 $0x1;
	_ =	shalt  }
.Lfunc_end2:
_tile_overlayer_lowered:
.L_overlay_start_2:
0xf9: {  	(tag) =	ssettag $0x2  }
0xfa: {  	s0 =	rddreg [dreg:$0x0];
	s2 =	stileid.u32  }
0xfb: {  	s1 =	rddreg [dreg:$0x1];
	p0 =	sne.s32 s2, $0x0  }
0xfc: {  	s3 =	rddreg [dreg:$0x2];
	[bflag:$0x3] =	sbarrier.arrive $0xFFFF;
	s2 =	simm.s32 @!p0 $0x1C05  }
0xfd: {  	[timem:s3], [sflag:s2] =	dma.local @!p0 [hbm:s0], s1  }
0xfe: {  	s0 =	simm.s32 @!p0 $0x5  }
0xff: {  	_ =	swait.ge @!p0 [sflag:s0], s1  }
0x100: {  	s1 =	ssub.s32 @!p0 $0x0, s1;
	[sflag:s0] =	ssyncset.done @!p0 $0x0  }
0x101: {  	[sflag:s0] =	ssyncadd.s32 @!p0 s1  }
0x102: {  	[bflag:$0x3] =	sbarrier.arrive $0xFFFF  }
0x103: {  	_ =	shalt  }

</sc_bundles>
